<compile_context>
chip_gen: v7x
topology: tpu7x:2x2x1
jax: 0.10.2.dev20260603
libtpu: 0.0.44.dev20260713+nightly
codegen_flags: <defaults>
</compile_context>

<pallas_src>
import jax
import jax.numpy as jnp
from jax import lax
from jax.experimental import pallas as pl
from jax.experimental.pallas import tpu as pltpu
from jax.experimental.pallas import tpu_sc as plsc

_NUM_CLASSES = 1000000
_FEAT_DIM = 64
_BATCH = 16384
_LAMBDA_C = 0.001

_INFO = plsc.get_sparse_core_info()
_NC, _NS, _L = _INFO.num_cores, _INFO.num_subcores, _INFO.num_lanes
_NW = _NC * _NS
_ROWS_PER_W = _BATCH // _NW
_PIECE = 512
_NPIECE_FULL = _NUM_CLASSES // _PIECE
_RAG_BASE = _NPIECE_FULL * _PIECE
_PMAX = (_NPIECE_FULL - 1) // _NW
_NSLOT = 16


def _gather_body(lab_hbm, centersT_hbm, rag_hbm, staging_hbm,
                 lab_v, list_v, strip_v, col_v, sems):
    wid = lax.axis_index("s") * _NC + lax.axis_index("c")
    iota = lax.iota(jnp.int32, _L)

    pltpu.sync_copy(lab_hbm, lab_v)

    def early_issue(p, buf):
        pid = p * _NW + wid

        @pl.when(pid < _NPIECE_FULL)
        def _():
            off = pl.multiple_of(pid * _PIECE, _PIECE)
            pltpu.async_copy(
                centersT_hbm.at[:, pl.ds(off, _PIECE)],
                strip_v.at[buf], sems.at[buf])

    early_issue(0, 0)
    early_issue(1, 1)

    def grp(g, cnt):
        off = pl.multiple_of(g * _L, _L)
        lab = lab_v[pl.ds(off, _L)]
        pid = lab >> 9
        mine = (pid & (_NW - 1)) == wid
        ranks = plsc.cumsum(mine.astype(jnp.int32)) - 1
        npos = plsc.all_reduce_population_count(mine)[0]
        entry = ((pid >> 5) << 23) | ((lab & (_PIECE - 1)) << 14) | (off + iota)
        plsc.store_scatter(list_v, [cnt + ranks], entry, mask=mine)
        return cnt + npos

    cnt = lax.fori_loop(0, _BATCH // _L, grp, jnp.int32(0))
    ngrp = (cnt + _L - 1) >> 4

    def drain_one():
        pltpu.make_async_copy(
            staging_hbm.at[0], col_v.at[0], sems.at[2]).wait()

    def match_work(mcnt, cls, bidx, extract):
        @pl.when(mcnt >= _NSLOT)
        def _():
            drain_one()
        slot = mcnt & (_NSLOT - 1)
        extract(slot, cls)
        pltpu.async_copy(col_v.at[slot], staging_hbm.at[bidx], sems.at[2])
        return mcnt + 1

    def scan_piece(p, mcnt, extract):
        def sgrp(g, mcnt):
            off = pl.multiple_of(g * _L, _L)
            evec = list_v[pl.ds(off, _L)]
            lane_ok = (g * _L + iota) < cnt
            m0 = jnp.logical_and((evec >> 23) == p, lane_ok)

            def wcond(carry):
                m, _ = carry
                return jnp.any(m)

            def wbody(carry):
                m, mcnt = carry
                l = plsc.all_reduce_ffs(m)[0]
                e = jnp.sum(jnp.where(iota == l, evec, 0))
                cls = (e >> 14) & (_PIECE - 1)
                bidx = e & (_BATCH - 1)
                mcnt = match_work(mcnt, cls, bidx, extract)
                return jnp.logical_and(m, iota != l), mcnt

            _, mcnt = lax.while_loop(wcond, wbody, (m0, mcnt))
            return mcnt

        return lax.fori_loop(0, ngrp, sgrp, mcnt)

    def strip_extract(buf):
        def extract(slot, cls):
            csplat = jnp.full((_L,), cls, jnp.int32)
            for k in range(_FEAT_DIM // _L):
                col_v[slot, pl.ds(k * _L, _L)] = plsc.load_gather(
                    strip_v.at[buf], [iota + k * _L, csplat])
        return extract

    def issue(p, buf):
        pid = p * _NW + wid

        @pl.when(pid < _NPIECE_FULL)
        def _():
            off = pl.multiple_of(pid * _PIECE, _PIECE)
            pltpu.async_copy(
                centersT_hbm.at[:, pl.ds(off, _PIECE)],
                strip_v.at[buf], sems.at[buf])

    def drain_strip(p, buf):
        pid = p * _NW + wid

        @pl.when(pid < _NPIECE_FULL)
        def _():
            pltpu.make_async_copy(
                centersT_hbm.at[:, pl.ds(0, _PIECE)],
                strip_v.at[buf], sems.at[buf]).wait()

    def piece_pair(p2, mcnt):
        for b in range(2):
            p = p2 * 2 + b
            pid = p * _NW + wid
            drain_strip(p, b)

            def do_scan(mcnt, p=p, b=b):
                return scan_piece(p, mcnt, strip_extract(b))

            mcnt = lax.cond(pid < _NPIECE_FULL, do_scan, lambda m: m, mcnt)
            issue(p + 2, b)
        return mcnt

    mcnt = lax.fori_loop(0, (_PMAX + 1) // 2, piece_pair, jnp.int32(0))

    @pl.when(wid == (_NPIECE_FULL & (_NW - 1)))
    def _():
        def rag_extract(slot, cls):
            pltpu.sync_copy(rag_hbm.at[cls], col_v.at[slot])

        mcnt2 = scan_piece(jnp.int32(_PMAX), mcnt, rag_extract)

        def fdrain(i, _):
            drain_one()
            return 0

        lax.fori_loop(0, jnp.minimum(mcnt2, _NSLOT), fdrain, 0)

    @pl.when(wid != (_NPIECE_FULL & (_NW - 1)))
    def _():
        def fdrain(i, _):
            drain_one()
            return 0

        lax.fori_loop(0, jnp.minimum(mcnt, _NSLOT), fdrain, 0)


def _mse_body(staging_hbm, feats_hbm, out_hbm, s_v, f_v, acc_v, sems):
    wid = lax.axis_index("s") * _NC + lax.axis_index("c")
    base = wid * _ROWS_PER_W
    sub = 128
    nsub = _ROWS_PER_W // sub

    def issue(c, buf):
        pltpu.async_copy(
            staging_hbm.at[pl.ds(base + c * sub, sub)], s_v.at[buf],
            sems.at[2 * buf])
        pltpu.async_copy(
            feats_hbm.at[pl.ds(base + c * sub, sub)], f_v.at[buf],
            sems.at[2 * buf + 1])

    def drain(buf):
        pltpu.make_async_copy(
            staging_hbm.at[pl.ds(0, sub)], s_v.at[buf],
            sems.at[2 * buf]).wait()
        pltpu.make_async_copy(
            feats_hbm.at[pl.ds(0, sub)], f_v.at[buf],
            sems.at[2 * buf + 1]).wait()

    issue(0, 0)
    issue(1, 1)
    acc = jnp.zeros((_L,), jnp.float32)

    for c in range(nsub):
        buf = c % 2
        drain(buf)

        def row_body(i, acc, buf=buf):
            for k in range(_FEAT_DIM // _L):
                f = f_v[buf, i, pl.ds(k * _L, _L)]
                g = s_v[buf, i, pl.ds(k * _L, _L)]
                d = f - g
                acc = acc + d * d
            return acc

        acc = lax.fori_loop(0, sub, row_body, acc)
        if c + 2 < nsub:
            issue(c + 2, buf)

    acc_v[...] = acc
    pltpu.sync_copy(acc_v, out_hbm.at[pl.ds(wid * _L, _L)])


@jax.jit
def kernel(features, labels, centers):
    labels = labels.astype(jnp.int32)
    mesh = plsc.VectorSubcoreMesh(core_axis_name="c", subcore_axis_name="s")
    rag = lax.slice(centers, (_RAG_BASE, 0), (_NUM_CLASSES, _FEAT_DIM))
    staging = pl.kernel(
        _gather_body,
        out_type=jax.ShapeDtypeStruct((_BATCH, _FEAT_DIM), jnp.float32),
        mesh=mesh,
        scratch_types=[
            pltpu.VMEM((_BATCH,), jnp.int32),
            pltpu.VMEM((_BATCH,), jnp.int32),
            pltpu.VMEM((2, _FEAT_DIM, _PIECE), jnp.float32),
            pltpu.VMEM((_NSLOT, _FEAT_DIM), jnp.float32),
            pltpu.SemaphoreType.DMA((3,)),
        ],
        compiler_params=pltpu.CompilerParams(needs_layout_passes=False),
    )(labels, centers.T, rag)
    partials = pl.kernel(
        _mse_body,
        out_type=jax.ShapeDtypeStruct((_NW * _L,), jnp.float32),
        mesh=mesh,
        scratch_types=[
            pltpu.VMEM((2, 128, _FEAT_DIM), jnp.float32),
            pltpu.VMEM((2, 128, _FEAT_DIM), jnp.float32),
            pltpu.VMEM((_L,), jnp.float32),
            pltpu.SemaphoreType.DMA((4,)),
        ],
    )(staging, features)
    return _LAMBDA_C * jnp.sum(partials) / 2.0 / _BATCH

# --- scband reference (transcript-rebuilt; emitter-appended) ---
"""Pipeline reference for scband-center-loss-1382979469780 (READ-ONLY COPY).

The authoritative reference and input builder live on the scoring server;
editing this copy changes nothing except your own understanding.
"""

import jax, jax.numpy as jnp
import numpy as np

NUM_CLASSES = 1000000
FEAT_DIM = 64
BATCH = 16384
LAMBDA_C = 0.001


def setup_inputs(seed: int = 0) -> dict:
    key = jax.random.key(seed)
    k1, k2, k3 = jax.random.split(key, 3)
    features = jax.random.normal(k1, (BATCH, FEAT_DIM), dtype=jnp.float32)
    labels = jax.random.randint(k2, (BATCH,), 0, NUM_CLASSES, dtype=jnp.int64)
    centers = jax.random.normal(k3, (NUM_CLASSES, FEAT_DIM), dtype=jnp.float32)
    return {"features": features, "labels": labels, "centers": centers}


def reference(features, labels, centers):
    batch_size = features.shape[0]
    centers_batch = jnp.take(centers, labels, axis=0)
    loss = jnp.sum(jnp.square(features - centers_batch)) / 2.0 / batch_size
    return LAMBDA_C * loss

if __name__ == "__main__":
    import jax
    _d = setup_inputs()
    print(jax.jit(kernel)(*tuple(_d.values())))

</pallas_src>

<mosaic_0001>
#map = affine_map<(d0, d1) -> (0)>
#map1 = affine_map<(d0, d1) -> (0, 0)>
module attributes {stable_mosaic.version = 14 : i64} {
  func.func @_gather_body(%arg0: i32, %arg1: i32, %arg2: memref<16384xi32, #tpu.memory_space<hbm>>, %arg3: memref<64x1000000xf32, #tpu.memory_space<hbm>>, %arg4: memref<64x64xf32, #tpu.memory_space<hbm>>, %arg5: memref<16384x64xf32, #tpu.memory_space<hbm>>, %arg6: memref<16384xi32, #tpu.memory_space<vmem>>, %arg7: memref<16384xi32, #tpu.memory_space<vmem>>, %arg8: memref<2x64x512xf32, #tpu.memory_space<vmem>>, %arg9: memref<16x64xf32, #tpu.memory_space<vmem>>, %arg10: memref<3x!tpu.dma_semaphore, #tpu.memory_space<semaphore_mem>>) attributes {dimension_semantics = [#tpu.dimension_semantics<core_parallel>, #tpu.dimension_semantics<subcore_parallel>], iteration_bounds = array<i64: 2, 16>, scalar_prefetch = 0 : i64, scratch_operands = 5 : i64, tpu.core_type = #tpu.core_type<sc_vector_subcore>, window_params = [{transform_indices = #map}, {transform_indices = #map1}, {transform_indices = #map1}, {transform_indices = #map1}]} {
    %mul3A = arith.constant 2 : i32
    %mul3A_0 = arith.muli %arg1, %mul3A : i32
    %add3A = arith.addi %mul3A_0, %arg0 : i32
    %iota3A = tpu.iota {dimensions = array<i32: 0>} : vector<16xi32>
    "tpu.region"() ({
      %run_scoped3A = tpu.sem_alloc : memref<!tpu.dma_semaphore, #tpu.memory_space<semaphore_mem>>
      tpu.enqueue_dma source(%arg2 : memref<16384xi32, #tpu.memory_space<hbm>>) target(%arg6 : memref<16384xi32, #tpu.memory_space<vmem>>) target_semaphore(%run_scoped3A : memref<!tpu.dma_semaphore, #tpu.memory_space<semaphore_mem>>)
      tpu.wait_dma2 semaphore(%run_scoped3A : memref<!tpu.dma_semaphore, #tpu.memory_space<semaphore_mem>>) src(%arg2 : memref<16384xi32, #tpu.memory_space<hbm>>) dst(%arg6 : memref<16384xi32, #tpu.memory_space<vmem>>)
      tpu.yield
    }) : () -> ()
    %add3A_1 = arith.constant 0 : i32
    %add3A_2 = arith.addi %add3A_1, %add3A : i32
    %lt3A = arith.constant 1953 : i32
    %lt3A_3 = arith.cmpi slt, %add3A_2, %lt3A : i32
    %convert_element_type3A = arith.extui %lt3A_3 : i1 to i32
    %cond3A = arith.constant 0 : i32
    %cond3A_4 = arith.cmpi ne, %convert_element_type3A, %cond3A : i32
    scf.if %cond3A_4 {
      %mul3A_37 = arith.constant 512 : i32
      %mul3A_38 = arith.muli %add3A_2, %mul3A_37 : i32
      %multiple_of3A = tpu.assume_multiple %mul3A_38, 512 : i32
      %dma_start3A = arith.constant 0 : i32
      %dma_start3A_39 = arith.constant 0 : i32
      %dma_start3A_40 = arith.constant 0 : i32
      %dma_start3A_41 = arith.constant 0 : i32
      %dma_start3A_42 = tpu.memref_slice %arg8[%dma_start3A, %dma_start3A_40, %dma_start3A_41] : memref<2x64x512xf32, #tpu.memory_space<vmem>> -> memref<1x64x512xf32, #tpu.memory_space<vmem>>
      %dma_start3A_43 = tpu.memref_squeeze %dma_start3A_42 : memref<1x64x512xf32, #tpu.memory_space<vmem>> -> memref<64x512xf32, #tpu.memory_space<vmem>>
      %dma_start3A_44 = arith.constant 0 : i32
      %dma_start3A_45 = tpu.memref_slice %arg3[%dma_start3A_44, %multiple_of3A] : memref<64x1000000xf32, #tpu.memory_space<hbm>> -> memref<64x512xf32, #tpu.memory_space<hbm>>
      %dma_start3A_46 = tpu.memref_slice %arg10[%dma_start3A_39] : memref<3x!tpu.dma_semaphore, #tpu.memory_space<semaphore_mem>> -> memref<1x!tpu.dma_semaphore, #tpu.memory_space<semaphore_mem>>
      %dma_start3A_47 = tpu.memref_squeeze %dma_start3A_46 : memref<1x!tpu.dma_semaphore, #tpu.memory_space<semaphore_mem>> -> memref<!tpu.dma_semaphore, #tpu.memory_space<semaphore_mem>>
      %dma_start3A_48 = arith.constant 0 : i32
      %dma_start3A_49 = arith.constant 0 : i32
      %dma_start3A_50 = tpu.memref_slice %arg8[%dma_start3A, %dma_start3A_48, %dma_start3A_49] : memref<2x64x512xf32, #tpu.memory_space<vmem>> -> memref<1x64x512xf32, #tpu.memory_space<vmem>>
      %dma_start3A_51 = tpu.memref_squeeze %dma_start3A_50 : memref<1x64x512xf32, #tpu.memory_space<vmem>> -> memref<64x512xf32, #tpu.memory_space<vmem>>
      %dma_start3A_52 = arith.constant 0 : i32
      %dma_start3A_53 = tpu.memref_slice %arg3[%dma_start3A_52, %multiple_of3A] : memref<64x1000000xf32, #tpu.memory_space<hbm>> -> memref<64x512xf32, #tpu.memory_space<hbm>>
      tpu.enqueue_dma source(%dma_start3A_53 : memref<64x512xf32, #tpu.memory_space<hbm>>) target(%dma_start3A_51 : memref<64x512xf32, #tpu.memory_space<vmem>>) target_semaphore(%dma_start3A_47 : memref<!tpu.dma_semaphore, #tpu.memory_space<semaphore_mem>>)
    } else {
    }
    %add3A_5 = arith.constant 32 : i32
    %add3A_6 = arith.addi %add3A_5, %add3A : i32
    %lt3A_7 = arith.constant 1953 : i32
    %lt3A_8 = arith.cmpi slt, %add3A_6, %lt3A_7 : i32
    %convert_element_type3A_9 = arith.extui %lt3A_8 : i1 to i32
    %cond3A_10 = arith.constant 0 : i32
    %cond3A_11 = arith.cmpi ne, %convert_element_type3A_9, %cond3A_10 : i32
    scf.if %cond3A_11 {
      %mul3A_37 = arith.constant 512 : i32
      %mul3A_38 = arith.muli %add3A_6, %mul3A_37 : i32
      %multiple_of3A = tpu.assume_multiple %mul3A_38, 512 : i32
      %dma_start3A = arith.constant 1 : i32
      %dma_start3A_39 = arith.constant 1 : i32
      %dma_start3A_40 = arith.constant 0 : i32
      %dma_start3A_41 = arith.constant 0 : i32
      %dma_start3A_42 = tpu.memref_slice %arg8[%dma_start3A, %dma_start3A_40, %dma_start3A_41] : memref<2x64x512xf32, #tpu.memory_space<vmem>> -> memref<1x64x512xf32, #tpu.memory_space<vmem>>
      %dma_start3A_43 = tpu.memref_squeeze %dma_start3A_42 : memref<1x64x512xf32, #tpu.memory_space<vmem>> -> memref<64x512xf32, #tpu.memory_space<vmem>>
      %dma_start3A_44 = arith.constant 0 : i32
      %dma_start3A_45 = tpu.memref_slice %arg3[%dma_start3A_44, %multiple_of3A] : memref<64x1000000xf32, #tpu.memory_space<hbm>> -> memref<64x512xf32, #tpu.memory_space<hbm>>
      %dma_start3A_46 = tpu.memref_slice %arg10[%dma_start3A_39] : memref<3x!tpu.dma_semaphore, #tpu.memory_space<semaphore_mem>> -> memref<1x!tpu.dma_semaphore, #tpu.memory_space<semaphore_mem>>
      %dma_start3A_47 = tpu.memref_squeeze %dma_start3A_46 : memref<1x!tpu.dma_semaphore, #tpu.memory_space<semaphore_mem>> -> memref<!tpu.dma_semaphore, #tpu.memory_space<semaphore_mem>>
      %dma_start3A_48 = arith.constant 0 : i32
      %dma_start3A_49 = arith.constant 0 : i32
      %dma_start3A_50 = tpu.memref_slice %arg8[%dma_start3A, %dma_start3A_48, %dma_start3A_49] : memref<2x64x512xf32, #tpu.memory_space<vmem>> -> memref<1x64x512xf32, #tpu.memory_space<vmem>>
      %dma_start3A_51 = tpu.memref_squeeze %dma_start3A_50 : memref<1x64x512xf32, #tpu.memory_space<vmem>> -> memref<64x512xf32, #tpu.memory_space<vmem>>
      %dma_start3A_52 = arith.constant 0 : i32
      %dma_start3A_53 = tpu.memref_slice %arg3[%dma_start3A_52, %multiple_of3A] : memref<64x1000000xf32, #tpu.memory_space<hbm>> -> memref<64x512xf32, #tpu.memory_space<hbm>>
      tpu.enqueue_dma source(%dma_start3A_53 : memref<64x512xf32, #tpu.memory_space<hbm>>) target(%dma_start3A_51 : memref<64x512xf32, #tpu.memory_space<vmem>>) target_semaphore(%dma_start3A_47 : memref<!tpu.dma_semaphore, #tpu.memory_space<semaphore_mem>>)
    } else {
    }
    %scan3A = arith.constant 0 : i32
    %scan3A_12 = arith.constant 0 : i32
    %scan3A_13 = arith.constant 1024 : i32
    %scan3A_14 = arith.addi %scan3A_12, %scan3A_13 : i32
    %scan3A_15 = arith.constant 1 : i32
    %scan3A_16 = scf.for %scan3A_37 = %scan3A_12 to %scan3A_14 step %scan3A_15 iter_args(%scan3A_38 = %scan3A) -> (i32)  : i32 {
      %mul3A_39 = arith.constant 16 : i32
      %mul3A_40 = arith.muli %scan3A_37, %mul3A_39 : i32
      %multiple_of3A = tpu.assume_multiple %mul3A_40, 16 : i32
      %get3A = arith.index_cast %multiple_of3A : i32 to index
      %get3A_41 = tpu.vector_load %arg6[%get3A] {strides = array<i32>} : memref<16384xi32, #tpu.memory_space<vmem>>, vector<16xi32>,
      %shift_right_arithmetic3A_42 = arith.constant 9 : i32
      %shift_right_arithmetic3A_43 = vector.broadcast %shift_right_arithmetic3A_42 : i32 to vector<16xi32>
      %shift_right_arithmetic3A_44 = arith.shrsi %get3A_41, %shift_right_arithmetic3A_43 : vector<16xi32>
      %and3A = arith.constant 31 : i32
      %and3A_45 = vector.broadcast %and3A : i32 to vector<16xi32>
      %and3A_46 = arith.andi %shift_right_arithmetic3A_44, %and3A_45 : vector<16xi32>
      %eq3A_47 = vector.broadcast %add3A : i32 to vector<16xi32>
      %eq3A_48 = arith.cmpi eq, %and3A_46, %eq3A_47 : vector<16xi32>
      %convert_element_type3A_49 = arith.extui %eq3A_48 : vector<16xi1> to vector<16xi32>
      %broadcast_in_dim3A = arith.constant true
      %broadcast_in_dim3A_50 = vector.broadcast %broadcast_in_dim3A : i1 to vector<16xi1>
      %masked_cumsum3A = tpu.scan <sum>, %convert_element_type3A_49 masked %broadcast_in_dim3A_50 : vector<16xi32>, vector<16xi1> -> vector<16xi32>
      %sub3A_51 = arith.constant 1 : i32
      %sub3A_52 = vector.broadcast %sub3A_51 : i32 to vector<16xi32>
      %sub3A_53 = arith.subi %masked_cumsum3A, %sub3A_52 : vector<16xi32>
      %all_reduce_population_count3A = tpu.all_reduce %eq3A_48 {dim = 0 : i64, kind = #tpu.reduction_kind<sum>} : vector<16xi1> -> vector<16xi32>
      %slice3A = vector.extract_strided_slice %all_reduce_population_count3A {offsets = [0], sizes = [1], strides = [1]} : vector<16xi32> to vector<1xi32>
      %squeeze3A = vector.extract %slice3A[0] : i32 from vector<1xi32>
      %shift_right_arithmetic3A_54 = arith.constant 5 : i32
      %shift_right_arithmetic3A_55 = vector.broadcast %shift_right_arithmetic3A_54 : i32 to vector<16xi32>
      %shift_right_arithmetic3A_56 = arith.shrsi %shift_right_arithmetic3A_44, %shift_right_arithmetic3A_55 : vector<16xi32>
      %shift_left3A = arith.constant 23 : i32
      %shift_left3A_57 = vector.broadcast %shift_left3A : i32 to vector<16xi32>
      %shift_left3A_58 = arith.shli %shift_right_arithmetic3A_56, %shift_left3A_57 : vector<16xi32>
      %and3A_59 = arith.constant 511 : i32
      %and3A_60 = vector.broadcast %and3A_59 : i32 to vector<16xi32>
      %and3A_61 = arith.andi %get3A_41, %and3A_60 : vector<16xi32>
      %shift_left3A_62 = arith.constant 14 : i32
      %shift_left3A_63 = vector.broadcast %shift_left3A_62 : i32 to vector<16xi32>
      %shift_left3A_64 = arith.shli %and3A_61, %shift_left3A_63 : vector<16xi32>
      %or3A = arith.ori %shift_left3A_58, %shift_left3A_64 : vector<16xi32>
      %add3A_65 = vector.broadcast %multiple_of3A : i32 to vector<16xi32>
      %add3A_66 = arith.addi %add3A_65, %iota3A : vector<16xi32>
      %or3A_67 = arith.ori %or3A, %add3A_66 : vector<16xi32>
      %add3A_68 = vector.broadcast %scan3A_38 : i32 to vector<16xi32>
      %add3A_69 = arith.addi %add3A_68, %sub3A_53 : vector<16xi32>
      tpu.vector_store_idx %arg7[%add3A_69], %or3A_67 masked %eq3A_48 : memref<16384xi32, #tpu.memory_space<vmem>>[vector<16xi32>], vector<16xi32>, vector<16xi1>
      %add3A_70 = arith.addi %scan3A_38, %squeeze3A : i32
      scf.yield %add3A_70 : i32
    }
    %scan3A_17 = arith.constant 1024 : i32
    %add3A_18 = arith.constant 16 : i32
    %add3A_19 = arith.addi %scan3A_16, %add3A_18 : i32
    %sub3A = arith.constant 1 : i32
    %sub3A_20 = arith.subi %add3A_19, %sub3A : i32
    %shift_right_arithmetic3A = arith.constant 4 : i32
    %shift_right_arithmetic3A_21 = arith.shrsi %sub3A_20, %shift_right_arithmetic3A : i32
    %scan3A_22 = arith.constant 0 : i32
    %scan3A_23 = arith.constant 0 : i32
    %scan3A_24 = arith.constant 31 : i32
    %scan3A_25 = arith.addi %scan3A_23, %scan3A_24 : i32
    %scan3A_26 = arith.constant 1 : i32
    %scan3A_27 = scf.for %scan3A_37 = %scan3A_23 to %scan3A_25 step %scan3A_26 iter_args(%scan3A_38 = %scan3A_22) -> (i32)  : i32 {
      %mul3A_39 = arith.constant 2 : i32
      %mul3A_40 = arith.muli %scan3A_37, %mul3A_39 : i32
      %add3A_41 = arith.constant 0 : i32
      %add3A_42 = arith.addi %mul3A_40, %add3A_41 : i32
      %mul3A_43 = arith.constant 32 : i32
      %mul3A_44 = arith.muli %add3A_42, %mul3A_43 : i32
      %add3A_45 = arith.addi %mul3A_44, %add3A : i32
      %mul3A_46 = arith.constant 32 : i32
      %mul3A_47 = arith.muli %add3A_42, %mul3A_46 : i32
      %add3A_48 = arith.addi %mul3A_47, %add3A : i32
      %lt3A_49 = arith.constant 1953 : i32
      %lt3A_50 = arith.cmpi slt, %add3A_48, %lt3A_49 : i32
      %convert_element_type3A_51 = arith.extui %lt3A_50 : i1 to i32
      %cond3A_52 = arith.constant 0 : i32
      %cond3A_53 = arith.cmpi ne, %convert_element_type3A_51, %cond3A_52 : i32
      scf.if %cond3A_53 {
        %dma_wait3A = arith.constant 0 : i32
        %dma_wait3A_101 = arith.constant 0 : i32
        %dma_wait3A_102 = arith.constant 0 : i32
        %dma_wait3A_103 = arith.constant 0 : i32
        %dma_wait3A_104 = tpu.memref_slice %arg8[%dma_wait3A, %dma_wait3A_102, %dma_wait3A_103] : memref<2x64x512xf32, #tpu.memory_space<vmem>> -> memref<1x64x512xf32, #tpu.memory_space<vmem>>
        %dma_wait3A_105 = tpu.memref_squeeze %dma_wait3A_104 : memref<1x64x512xf32, #tpu.memory_space<vmem>> -> memref<64x512xf32, #tpu.memory_space<vmem>>
        %dma_wait3A_106 = arith.constant 0 : i32
        %dma_wait3A_107 = arith.constant 0 : i32
        %dma_wait3A_108 = tpu.memref_slice %arg3[%dma_wait3A_106, %dma_wait3A_107] : memref<64x1000000xf32, #tpu.memory_space<hbm>> -> memref<64x512xf32, #tpu.memory_space<hbm>>
        %dma_wait3A_109 = tpu.memref_slice %arg10[%dma_wait3A_101] : memref<3x!tpu.dma_semaphore, #tpu.memory_space<semaphore_mem>> -> memref<1x!tpu.dma_semaphore, #tpu.memory_space<semaphore_mem>>
        %dma_wait3A_110 = tpu.memref_squeeze %dma_wait3A_109 : memref<1x!tpu.dma_semaphore, #tpu.memory_space<semaphore_mem>> -> memref<!tpu.dma_semaphore, #tpu.memory_space<semaphore_mem>>
        %dma_wait3A_111 = arith.constant 0 : i32
        %dma_wait3A_112 = arith.constant 0 : i32
        %dma_wait3A_113 = tpu.memref_slice %arg8[%dma_wait3A, %dma_wait3A_111, %dma_wait3A_112] : memref<2x64x512xf32, #tpu.memory_space<vmem>> -> memref<1x64x512xf32, #tpu.memory_space<vmem>>
        %dma_wait3A_114 = tpu.memref_squeeze %dma_wait3A_113 : memref<1x64x512xf32, #tpu.memory_space<vmem>> -> memref<64x512xf32, #tpu.memory_space<vmem>>
        %dma_wait3A_115 = arith.constant 0 : i32
        %dma_wait3A_116 = arith.constant 0 : i32
        %dma_wait3A_117 = tpu.memref_slice %arg3[%dma_wait3A_115, %dma_wait3A_116] : memref<64x1000000xf32, #tpu.memory_space<hbm>> -> memref<64x512xf32, #tpu.memory_space<hbm>>
        tpu.wait_dma2 semaphore(%dma_wait3A_110 : memref<!tpu.dma_semaphore, #tpu.memory_space<semaphore_mem>>) src(%dma_wait3A_117 : memref<64x512xf32, #tpu.memory_space<hbm>>) dst(%dma_wait3A_114 : memref<64x512xf32, #tpu.memory_space<vmem>>)
      } else {
      }
      %lt3A_54 = arith.constant 1953 : i32
      %lt3A_55 = arith.cmpi slt, %add3A_45, %lt3A_54 : i32
      %convert_element_type3A_56 = arith.extui %lt3A_55 : i1 to i32
      %cond3A_57 = arith.constant 0 : i32
      %cond3A_58 = arith.cmpi ne, %convert_element_type3A_56, %cond3A_57 : i32
      %cond3A_59 = scf.if %cond3A_58 -> (i32) {
        %while3A = arith.constant 0 : i32
        %while3A_101 = arith.subi %shift_right_arithmetic3A_21, %while3A : i32
        %while3A_102 = arith.addi %while3A, %while3A_101 : i32
        %while3A_103 = arith.constant 1 : i32
        %while3A_104 = arith.divsi %while3A_101, %while3A_103 : i32
        %while3A_105 = arith.muli %while3A_104, %while3A_103 : i32
        %while3A_106 = arith.addi %while3A, %while3A_105 : i32
        %while3A_107 = arith.constant 1 : i32
        %while3A_108 = scf.for %while3A_111 = %while3A to %while3A_106 step %while3A_107 iter_args(%while3A_112 = %scan3A_38) -> (i32)  : i32 {
          %mul3A_113 = arith.constant 16 : i32
          %mul3A_114 = arith.muli %while3A_111, %mul3A_113 : i32
          %multiple_of3A = tpu.assume_multiple %mul3A_114, 16 : i32
          %get3A = arith.index_cast %multiple_of3A : i32 to index
          %get3A_115 = tpu.vector_load %arg7[%get3A] {strides = array<i32>} : memref<16384xi32, #tpu.memory_space<vmem>>, vector<16xi32>,
          %mul3A_116 = arith.constant 16 : i32
          %mul3A_117 = arith.muli %while3A_111, %mul3A_116 : i32
          %add3A_118 = vector.broadcast %mul3A_117 : i32 to vector<16xi32>
          %add3A_119 = arith.addi %add3A_118, %iota3A : vector<16xi32>
          %lt3A_120 = vector.broadcast %scan3A_16 : i32 to vector<16xi32>
          %lt3A_121 = arith.cmpi slt, %add3A_119, %lt3A_120 : vector<16xi32>
          %shift_right_arithmetic3A_122 = arith.constant 23 : i32
          %shift_right_arithmetic3A_123 = vector.broadcast %shift_right_arithmetic3A_122 : i32 to vector<16xi32>
          %shift_right_arithmetic3A_124 = arith.shrsi %get3A_115, %shift_right_arithmetic3A_123 : vector<16xi32>
          %eq3A_125 = vector.broadcast %add3A_42 : i32 to vector<16xi32>
          %eq3A_126 = arith.cmpi eq, %shift_right_arithmetic3A_124, %eq3A_125 : vector<16xi32>
          %and3A = arith.andi %eq3A_126, %lt3A_121 : vector<16xi1>
          %while3A_127:2 = scf.while (%while3A_128 = %and3A, %while3A_129 = %while3A_112) : (vector<16xi1>, i32) -> (vector<16xi1>, i32) {
            %reduce_or3A = arith.constant 1.000000e+00 : f32
            %reduce_or3A_130 = arith.constant 0.000000e+00 : f32
            %reduce_or3A_131 = vector.broadcast %reduce_or3A : f32 to vector<16xf32>
            %reduce_or3A_132 = vector.broadcast %reduce_or3A_130 : f32 to vector<16xf32>
            %reduce_or3A_133 = arith.select %while3A_128, %reduce_or3A_131, %reduce_or3A_132 : vector<16xi1>, vector<16xf32>
            %reduce_or3A_134 = arith.constant true
            %reduce_or3A_135 = vector.broadcast %reduce_or3A_134 : i1 to vector<16xi1>
            %reduce_or3A_136 = tpu.scan <max>, %reduce_or3A_133 masked %reduce_or3A_135 : vector<16xf32>, vector<16xi1> -> vector<16xf32>
            %reduce_or3A_137 = vector.extract %reduce_or3A_136[15] : f32 from vector<16xf32>
            %reduce_or3A_138 = arith.constant 0.000000e+00 : f32
            %reduce_or3A_139 = arith.cmpf ogt, %reduce_or3A_137, %reduce_or3A_138 : f32
            scf.condition(%reduce_or3A_139) %while3A_128, %while3A_129 : vector<16xi1>, i32
          } do {
          ^bb0(%while3A_128: vector<16xi1>, %while3A_129: i32):
            %all_reduce_ffs3A = tpu.all_reduce %while3A_128 {dim = 0 : i64, kind = #tpu.reduction_kind<find_first_set>} : vector<16xi1> -> vector<16xi32>
            %slice3A = vector.extract_strided_slice %all_reduce_ffs3A {offsets = [0], sizes = [1], strides = [1]} : vector<16xi32> to vector<1xi32>
            %squeeze3A = vector.extract %slice3A[0] : i32 from vector<1xi32>
            %eq3A_130 = vector.broadcast %squeeze3A : i32 to vector<16xi32>
            %eq3A_131 = arith.cmpi eq, %iota3A, %eq3A_130 : vector<16xi32>
            %jit3A = arith.constant 0 : i32
            %broadcast_in_dim3A = vector.broadcast %jit3A : i32 to vector<16xi32>
            %select_n3A = arith.select %eq3A_131, %get3A_115, %broadcast_in_dim3A : vector<16xi1>, vector<16xi32>
            %reduce_sum3A = arith.constant true
            %reduce_sum3A_132 = vector.broadcast %reduce_sum3A : i1 to vector<16xi1>
            %reduce_sum3A_133 = tpu.scan <sum>, %select_n3A masked %reduce_sum3A_132 : vector<16xi32>, vector<16xi1> -> vector<16xi32>
            %reduce_sum3A_134 = vector.extract %reduce_sum3A_133[15] : i32 from vector<16xi32>
            %shift_right_arithmetic3A_135 = arith.constant 14 : i32
            %shift_right_arithmetic3A_136 = arith.shrsi %reduce_sum3A_134, %shift_right_arithmetic3A_135 : i32
            %and3A_137 = arith.constant 511 : i32
            %and3A_138 = arith.andi %shift_right_arithmetic3A_136, %and3A_137 : i32
            %and3A_139 = arith.constant 16383 : i32
            %and3A_140 = arith.andi %reduce_sum3A_134, %and3A_139 : i32
            %ge3A = arith.constant 16 : i32
            %ge3A_141 = arith.cmpi sge, %while3A_129, %ge3A : i32
            %convert_element_type3A_142 = arith.extui %ge3A_141 : i1 to i32
            %cond3A_143 = arith.constant 0 : i32
            %cond3A_144 = arith.cmpi ne, %convert_element_type3A_142, %cond3A_143 : i32
            scf.if %cond3A_144 {
              %dma_wait3A = arith.constant 0 : i32
              %dma_wait3A_213 = arith.constant 0 : i32
              %dma_wait3A_214 = arith.constant 2 : i32
              %dma_wait3A_215 = arith.constant 0 : i32
              %dma_wait3A_216 = tpu.memref_slice %arg9[%dma_wait3A_213, %dma_wait3A_215] : memref<16x64xf32, #tpu.memory_space<vmem>> -> memref<1x64xf32, #tpu.memory_space<vmem>>
              %dma_wait3A_217 = tpu.memref_squeeze %dma_wait3A_216 : memref<1x64xf32, #tpu.memory_space<vmem>> -> memref<64xf32, #tpu.memory_space<vmem>>
              %dma_wait3A_218 = arith.constant 0 : i32
              %dma_wait3A_219 = tpu.memref_slice %arg5[%dma_wait3A, %dma_wait3A_218] : memref<16384x64xf32, #tpu.memory_space<hbm>> -> memref<1x64xf32, #tpu.memory_space<hbm>>
              %dma_wait3A_220 = tpu.memref_squeeze %dma_wait3A_219 : memref<1x64xf32, #tpu.memory_space<hbm>> -> memref<64xf32, #tpu.memory_space<hbm>>
              %dma_wait3A_221 = tpu.memref_slice %arg10[%dma_wait3A_214] : memref<3x!tpu.dma_semaphore, #tpu.memory_space<semaphore_mem>> -> memref<1x!tpu.dma_semaphore, #tpu.memory_space<semaphore_mem>>
              %dma_wait3A_222 = tpu.memref_squeeze %dma_wait3A_221 : memref<1x!tpu.dma_semaphore, #tpu.memory_space<semaphore_mem>> -> memref<!tpu.dma_semaphore, #tpu.memory_space<semaphore_mem>>
              %dma_wait3A_223 = arith.constant 0 : i32
              %dma_wait3A_224 = tpu.memref_slice %arg9[%dma_wait3A_213, %dma_wait3A_223] : memref<16x64xf32, #tpu.memory_space<vmem>> -> memref<1x64xf32, #tpu.memory_space<vmem>>
              %dma_wait3A_225 = tpu.memref_squeeze %dma_wait3A_224 : memref<1x64xf32, #tpu.memory_space<vmem>> -> memref<64xf32, #tpu.memory_space<vmem>>
              %dma_wait3A_226 = arith.constant 0 : i32
              %dma_wait3A_227 = tpu.memref_slice %arg5[%dma_wait3A, %dma_wait3A_226] : memref<16384x64xf32, #tpu.memory_space<hbm>> -> memref<1x64xf32, #tpu.memory_space<hbm>>
              %dma_wait3A_228 = tpu.memref_squeeze %dma_wait3A_227 : memref<1x64xf32, #tpu.memory_space<hbm>> -> memref<64xf32, #tpu.memory_space<hbm>>
              tpu.wait_dma2 semaphore(%dma_wait3A_222 : memref<!tpu.dma_semaphore, #tpu.memory_space<semaphore_mem>>) src(%dma_wait3A_228 : memref<64xf32, #tpu.memory_space<hbm>>) dst(%dma_wait3A_225 : memref<64xf32, #tpu.memory_space<vmem>>)
            } else {
            }
            %and3A_145 = arith.constant 15 : i32
            %and3A_146 = arith.andi %while3A_129, %and3A_145 : i32
            %broadcast_in_dim3A_147 = vector.broadcast %and3A_138 : i32 to vector<16xi32>
            %add3A_148 = arith.constant 0 : i32
            %add3A_149 = vector.broadcast %add3A_148 : i32 to vector<16xi32>
            %add3A_150 = arith.addi %iota3A, %add3A_149 : vector<16xi32>
            %gather3A = arith.constant 0 : i32
            %gather3A_151 = arith.constant 0 : i32
            %gather3A_152 = arith.constant 0 : i32
            %gather3A_153 = tpu.memref_slice %arg8[%gather3A, %gather3A_151, %gather3A_152] : memref<2x64x512xf32, #tpu.memory_space<vmem>> -> memref<1x64x512xf32, #tpu.memory_space<vmem>>
            %gather3A_154 = tpu.memref_squeeze %gather3A_153 : memref<1x64x512xf32, #tpu.memory_space<vmem>> -> memref<64x512xf32, #tpu.memory_space<vmem>>
            %gather3A_155 = tpu.vector_load_idx %gather3A_154[%add3A_150, %broadcast_in_dim3A_147] : memref<64x512xf32, #tpu.memory_space<vmem>>[vector<16xi32>, vector<16xi32>], vector<16xf32>,
            %swap3A = arith.index_cast %and3A_146 : i32 to index
            %swap3A_156 = arith.constant 0 : index
            %swap3A_157 = tpu.vector_load %arg9[%swap3A, %swap3A_156] {strides = array<i32>} : memref<16x64xf32, #tpu.memory_space<vmem>>, vector<16xf32>,
            tpu.vector_store %arg9[%swap3A, %swap3A_156], %gather3A_155 {strides = array<i32>} : memref<16x64xf32, #tpu.memory_space<vmem>>, vector<16xf32>,
            %add3A_158 = arith.constant 16 : i32
            %add3A_159 = vector.broadcast %add3A_158 : i32 to vector<16xi32>
            %add3A_160 = arith.addi %iota3A, %add3A_159 : vector<16xi32>
            %gather3A_161 = arith.constant 0 : i32
            %gather3A_162 = arith.constant 0 : i32
            %gather3A_163 = arith.constant 0 : i32
            %gather3A_164 = tpu.memref_slice %arg8[%gather3A_161, %gather3A_162, %gather3A_163] : memref<2x64x512xf32, #tpu.memory_space<vmem>> -> memref<1x64x512xf32, #tpu.memory_space<vmem>>
            %gather3A_165 = tpu.memref_squeeze %gather3A_164 : memref<1x64x512xf32, #tpu.memory_space<vmem>> -> memref<64x512xf32, #tpu.memory_space<vmem>>
            %gather3A_166 = tpu.vector_load_idx %gather3A_165[%add3A_160, %broadcast_in_dim3A_147] : memref<64x512xf32, #tpu.memory_space<vmem>>[vector<16xi32>, vector<16xi32>], vector<16xf32>,
            %swap3A_167 = arith.index_cast %and3A_146 : i32 to index
            %swap3A_168 = arith.constant 16 : index
            %swap3A_169 = tpu.vector_load %arg9[%swap3A_167, %swap3A_168] {strides = array<i32>} : memref<16x64xf32, #tpu.memory_space<vmem>>, vector<16xf32>,
            tpu.vector_store %arg9[%swap3A_167, %swap3A_168], %gather3A_166 {strides = array<i32>} : memref<16x64xf32, #tpu.memory_space<vmem>>, vector<16xf32>,
            %add3A_170 = arith.constant 32 : i32
            %add3A_171 = vector.broadcast %add3A_170 : i32 to vector<16xi32>
            %add3A_172 = arith.addi %iota3A, %add3A_171 : vector<16xi32>
            %gather3A_173 = arith.constant 0 : i32
            %gather3A_174 = arith.constant 0 : i32
            %gather3A_175 = arith.constant 0 : i32
            %gather3A_176 = tpu.memref_slice %arg8[%gather3A_173, %gather3A_174, %gather3A_175] : memref<2x64x512xf32, #tpu.memory_space<vmem>> -> memref<1x64x512xf32, #tpu.memory_space<vmem>>
            %gather3A_177 = tpu.memref_squeeze %gather3A_176 : memref<1x64x512xf32, #tpu.memory_space<vmem>> -> memref<64x512xf32, #tpu.memory_space<vmem>>
            %gather3A_178 = tpu.vector_load_idx %gather3A_177[%add3A_172, %broadcast_in_dim3A_147] : memref<64x512xf32, #tpu.memory_space<vmem>>[vector<16xi32>, vector<16xi32>], vector<16xf32>,
            %swap3A_179 = arith.index_cast %and3A_146 : i32 to index
            %swap3A_180 = arith.constant 32 : index
            %swap3A_181 = tpu.vector_load %arg9[%swap3A_179, %swap3A_180] {strides = array<i32>} : memref<16x64xf32, #tpu.memory_space<vmem>>, vector<16xf32>,
            tpu.vector_store %arg9[%swap3A_179, %swap3A_180], %gather3A_178 {strides = array<i32>} : memref<16x64xf32, #tpu.memory_space<vmem>>, vector<16xf32>,
            %add3A_182 = arith.constant 48 : i32
            %add3A_183 = vector.broadcast %add3A_182 : i32 to vector<16xi32>
            %add3A_184 = arith.addi %iota3A, %add3A_183 : vector<16xi32>
            %gather3A_185 = arith.constant 0 : i32
            %gather3A_186 = arith.constant 0 : i32
            %gather3A_187 = arith.constant 0 : i32
            %gather3A_188 = tpu.memref_slice %arg8[%gather3A_185, %gather3A_186, %gather3A_187] : memref<2x64x512xf32, #tpu.memory_space<vmem>> -> memref<1x64x512xf32, #tpu.memory_space<vmem>>
            %gather3A_189 = tpu.memref_squeeze %gather3A_188 : memref<1x64x512xf32, #tpu.memory_space<vmem>> -> memref<64x512xf32, #tpu.memory_space<vmem>>
            %gather3A_190 = tpu.vector_load_idx %gather3A_189[%add3A_184, %broadcast_in_dim3A_147] : memref<64x512xf32, #tpu.memory_space<vmem>>[vector<16xi32>, vector<16xi32>], vector<16xf32>,
            %swap3A_191 = arith.index_cast %and3A_146 : i32 to index
            %swap3A_192 = arith.constant 48 : index
            %swap3A_193 = tpu.vector_load %arg9[%swap3A_191, %swap3A_192] {strides = array<i32>} : memref<16x64xf32, #tpu.memory_space<vmem>>, vector<16xf32>,
            tpu.vector_store %arg9[%swap3A_191, %swap3A_192], %gather3A_190 {strides = array<i32>} : memref<16x64xf32, #tpu.memory_space<vmem>>, vector<16xf32>,
            %dma_start3A = arith.constant 2 : i32
            %dma_start3A_194 = arith.constant 0 : i32
            %dma_start3A_195 = tpu.memref_slice %arg9[%and3A_146, %dma_start3A_194] : memref<16x64xf32, #tpu.memory_space<vmem>> -> memref<1x64xf32, #tpu.memory_space<vmem>>
            %dma_start3A_196 = tpu.memref_squeeze %dma_start3A_195 : memref<1x64xf32, #tpu.memory_space<vmem>> -> memref<64xf32, #tpu.memory_space<vmem>>
            %dma_start3A_197 = arith.constant 0 : i32
            %dma_start3A_198 = tpu.memref_slice %arg5[%and3A_140, %dma_start3A_197] : memref<16384x64xf32, #tpu.memory_space<hbm>> -> memref<1x64xf32, #tpu.memory_space<hbm>>
            %dma_start3A_199 = tpu.memref_squeeze %dma_start3A_198 : memref<1x64xf32, #tpu.memory_space<hbm>> -> memref<64xf32, #tpu.memory_space<hbm>>
            %dma_start3A_200 = tpu.memref_slice %arg10[%dma_start3A] : memref<3x!tpu.dma_semaphore, #tpu.memory_space<semaphore_mem>> -> memref<1x!tpu.dma_semaphore, #tpu.memory_space<semaphore_mem>>
            %dma_start3A_201 = tpu.memref_squeeze %dma_start3A_200 : memref<1x!tpu.dma_semaphore, #tpu.memory_space<semaphore_mem>> -> memref<!tpu.dma_semaphore, #tpu.memory_space<semaphore_mem>>
            %dma_start3A_202 = arith.constant 0 : i32
            %dma_start3A_203 = tpu.memref_slice %arg5[%and3A_140, %dma_start3A_202] : memref<16384x64xf32, #tpu.memory_space<hbm>> -> memref<1x64xf32, #tpu.memory_space<hbm>>
            %dma_start3A_204 = tpu.memref_squeeze %dma_start3A_203 : memref<1x64xf32, #tpu.memory_space<hbm>> -> memref<64xf32, #tpu.memory_space<hbm>>
            %dma_start3A_205 = arith.constant 0 : i32
            %dma_start3A_206 = tpu.memref_slice %arg9[%and3A_146, %dma_start3A_205] : memref<16x64xf32, #tpu.memory_space<vmem>> -> memref<1x64xf32, #tpu.memory_space<vmem>>
            %dma_start3A_207 = tpu.memref_squeeze %dma_start3A_206 : memref<1x64xf32, #tpu.memory_space<vmem>> -> memref<64xf32, #tpu.memory_space<vmem>>
            tpu.enqueue_dma source(%dma_start3A_207 : memref<64xf32, #tpu.memory_space<vmem>>) target(%dma_start3A_204 : memref<64xf32, #tpu.memory_space<hbm>>) target_semaphore(%dma_start3A_201 : memref<!tpu.dma_semaphore, #tpu.memory_space<semaphore_mem>>)
            %add3A_208 = arith.constant 1 : i32
            %add3A_209 = arith.addi %while3A_129, %add3A_208 : i32
            %ne3A_210 = vector.broadcast %squeeze3A : i32 to vector<16xi32>
            %ne3A_211 = arith.cmpi ne, %iota3A, %ne3A_210 : vector<16xi32>
            %and3A_212 = arith.andi %while3A_128, %ne3A_211 : vector<16xi1>
            scf.yield %and3A_212, %add3A_209 : vector<16xi1>, i32
          }
          scf.yield %while3A_127#1 : i32
        }
        %while3A_109 = arith.constant 1 : i32
        %while3A_110 = scf.for %while3A_111 = %while3A_106 to %while3A_102 step %while3A_109 iter_args(%while3A_112 = %while3A_108) -> (i32)  : i32 {
          %mul3A_113 = arith.constant 16 : i32
          %mul3A_114 = arith.muli %while3A_111, %mul3A_113 : i32
          %multiple_of3A = tpu.assume_multiple %mul3A_114, 16 : i32
          %get3A = arith.index_cast %multiple_of3A : i32 to index
          %get3A_115 = tpu.vector_load %arg7[%get3A] {strides = array<i32>} : memref<16384xi32, #tpu.memory_space<vmem>>, vector<16xi32>,
          %mul3A_116 = arith.constant 16 : i32
          %mul3A_117 = arith.muli %while3A_111, %mul3A_116 : i32
          %add3A_118 = vector.broadcast %mul3A_117 : i32 to vector<16xi32>
          %add3A_119 = arith.addi %add3A_118, %iota3A : vector<16xi32>
          %lt3A_120 = vector.broadcast %scan3A_16 : i32 to vector<16xi32>
          %lt3A_121 = arith.cmpi slt, %add3A_119, %lt3A_120 : vector<16xi32>
          %shift_right_arithmetic3A_122 = arith.constant 23 : i32
          %shift_right_arithmetic3A_123 = vector.broadcast %shift_right_arithmetic3A_122 : i32 to vector<16xi32>
          %shift_right_arithmetic3A_124 = arith.shrsi %get3A_115, %shift_right_arithmetic3A_123 : vector<16xi32>
          %eq3A_125 = vector.broadcast %add3A_42 : i32 to vector<16xi32>
          %eq3A_126 = arith.cmpi eq, %shift_right_arithmetic3A_124, %eq3A_125 : vector<16xi32>
          %and3A = arith.andi %eq3A_126, %lt3A_121 : vector<16xi1>
          %while3A_127:2 = scf.while (%while3A_128 = %and3A, %while3A_129 = %while3A_112) : (vector<16xi1>, i32) -> (vector<16xi1>, i32) {
            %reduce_or3A = arith.constant 1.000000e+00 : f32
            %reduce_or3A_130 = arith.constant 0.000000e+00 : f32
            %reduce_or3A_131 = vector.broadcast %reduce_or3A : f32 to vector<16xf32>
            %reduce_or3A_132 = vector.broadcast %reduce_or3A_130 : f32 to vector<16xf32>
            %reduce_or3A_133 = arith.select %while3A_128, %reduce_or3A_131, %reduce_or3A_132 : vector<16xi1>, vector<16xf32>
            %reduce_or3A_134 = arith.constant true
            %reduce_or3A_135 = vector.broadcast %reduce_or3A_134 : i1 to vector<16xi1>
            %reduce_or3A_136 = tpu.scan <max>, %reduce_or3A_133 masked %reduce_or3A_135 : vector<16xf32>, vector<16xi1> -> vector<16xf32>
            %reduce_or3A_137 = vector.extract %reduce_or3A_136[15] : f32 from vector<16xf32>
            %reduce_or3A_138 = arith.constant 0.000000e+00 : f32
            %reduce_or3A_139 = arith.cmpf ogt, %reduce_or3A_137, %reduce_or3A_138 : f32
            scf.condition(%reduce_or3A_139) %while3A_128, %while3A_129 : vector<16xi1>, i32
          } do {
          ^bb0(%while3A_128: vector<16xi1>, %while3A_129: i32):
            %all_reduce_ffs3A = tpu.all_reduce %while3A_128 {dim = 0 : i64, kind = #tpu.reduction_kind<find_first_set>} : vector<16xi1> -> vector<16xi32>
            %slice3A = vector.extract_strided_slice %all_reduce_ffs3A {offsets = [0], sizes = [1], strides = [1]} : vector<16xi32> to vector<1xi32>
            %squeeze3A = vector.extract %slice3A[0] : i32 from vector<1xi32>
            %eq3A_130 = vector.broadcast %squeeze3A : i32 to vector<16xi32>
            %eq3A_131 = arith.cmpi eq, %iota3A, %eq3A_130 : vector<16xi32>
            %jit3A = arith.constant 0 : i32
            %broadcast_in_dim3A = vector.broadcast %jit3A : i32 to vector<16xi32>
            %select_n3A = arith.select %eq3A_131, %get3A_115, %broadcast_in_dim3A : vector<16xi1>, vector<16xi32>
            %reduce_sum3A = arith.constant true
            %reduce_sum3A_132 = vector.broadcast %reduce_sum3A : i1 to vector<16xi1>
            %reduce_sum3A_133 = tpu.scan <sum>, %select_n3A masked %reduce_sum3A_132 : vector<16xi32>, vector<16xi1> -> vector<16xi32>
            %reduce_sum3A_134 = vector.extract %reduce_sum3A_133[15] : i32 from vector<16xi32>
            %shift_right_arithmetic3A_135 = arith.constant 14 : i32
            %shift_right_arithmetic3A_136 = arith.shrsi %reduce_sum3A_134, %shift_right_arithmetic3A_135 : i32
            %and3A_137 = arith.constant 511 : i32
            %and3A_138 = arith.andi %shift_right_arithmetic3A_136, %and3A_137 : i32
            %and3A_139 = arith.constant 16383 : i32
            %and3A_140 = arith.andi %reduce_sum3A_134, %and3A_139 : i32
            %ge3A = arith.constant 16 : i32
            %ge3A_141 = arith.cmpi sge, %while3A_129, %ge3A : i32
            %convert_element_type3A_142 = arith.extui %ge3A_141 : i1 to i32
            %cond3A_143 = arith.constant 0 : i32
            %cond3A_144 = arith.cmpi ne, %convert_element_type3A_142, %cond3A_143 : i32
            scf.if %cond3A_144 {
              %dma_wait3A = arith.constant 0 : i32
              %dma_wait3A_213 = arith.constant 0 : i32
              %dma_wait3A_214 = arith.constant 2 : i32
              %dma_wait3A_215 = arith.constant 0 : i32
              %dma_wait3A_216 = tpu.memref_slice %arg9[%dma_wait3A_213, %dma_wait3A_215] : memref<16x64xf32, #tpu.memory_space<vmem>> -> memref<1x64xf32, #tpu.memory_space<vmem>>
              %dma_wait3A_217 = tpu.memref_squeeze %dma_wait3A_216 : memref<1x64xf32, #tpu.memory_space<vmem>> -> memref<64xf32, #tpu.memory_space<vmem>>
              %dma_wait3A_218 = arith.constant 0 : i32
              %dma_wait3A_219 = tpu.memref_slice %arg5[%dma_wait3A, %dma_wait3A_218] : memref<16384x64xf32, #tpu.memory_space<hbm>> -> memref<1x64xf32, #tpu.memory_space<hbm>>
              %dma_wait3A_220 = tpu.memref_squeeze %dma_wait3A_219 : memref<1x64xf32, #tpu.memory_space<hbm>> -> memref<64xf32, #tpu.memory_space<hbm>>
              %dma_wait3A_221 = tpu.memref_slice %arg10[%dma_wait3A_214] : memref<3x!tpu.dma_semaphore, #tpu.memory_space<semaphore_mem>> -> memref<1x!tpu.dma_semaphore, #tpu.memory_space<semaphore_mem>>
              %dma_wait3A_222 = tpu.memref_squeeze %dma_wait3A_221 : memref<1x!tpu.dma_semaphore, #tpu.memory_space<semaphore_mem>> -> memref<!tpu.dma_semaphore, #tpu.memory_space<semaphore_mem>>
              %dma_wait3A_223 = arith.constant 0 : i32
              %dma_wait3A_224 = tpu.memref_slice %arg9[%dma_wait3A_213, %dma_wait3A_223] : memref<16x64xf32, #tpu.memory_space<vmem>> -> memref<1x64xf32, #tpu.memory_space<vmem>>
              %dma_wait3A_225 = tpu.memref_squeeze %dma_wait3A_224 : memref<1x64xf32, #tpu.memory_space<vmem>> -> memref<64xf32, #tpu.memory_space<vmem>>
              %dma_wait3A_226 = arith.constant 0 : i32
              %dma_wait3A_227 = tpu.memref_slice %arg5[%dma_wait3A, %dma_wait3A_226] : memref<16384x64xf32, #tpu.memory_space<hbm>> -> memref<1x64xf32, #tpu.memory_space<hbm>>
              %dma_wait3A_228 = tpu.memref_squeeze %dma_wait3A_227 : memref<1x64xf32, #tpu.memory_space<hbm>> -> memref<64xf32, #tpu.memory_space<hbm>>
              tpu.wait_dma2 semaphore(%dma_wait3A_222 : memref<!tpu.dma_semaphore, #tpu.memory_space<semaphore_mem>>) src(%dma_wait3A_228 : memref<64xf32, #tpu.memory_space<hbm>>) dst(%dma_wait3A_225 : memref<64xf32, #tpu.memory_space<vmem>>)
            } else {
            }
            %and3A_145 = arith.constant 15 : i32
            %and3A_146 = arith.andi %while3A_129, %and3A_145 : i32
            %broadcast_in_dim3A_147 = vector.broadcast %and3A_138 : i32 to vector<16xi32>
            %add3A_148 = arith.constant 0 : i32
            %add3A_149 = vector.broadcast %add3A_148 : i32 to vector<16xi32>
            %add3A_150 = arith.addi %iota3A, %add3A_149 : vector<16xi32>
            %gather3A = arith.constant 0 : i32
            %gather3A_151 = arith.constant 0 : i32
            %gather3A_152 = arith.constant 0 : i32
            %gather3A_153 = tpu.memref_slice %arg8[%gather3A, %gather3A_151, %gather3A_152] : memref<2x64x512xf32, #tpu.memory_space<vmem>> -> memref<1x64x512xf32, #tpu.memory_space<vmem>>
            %gather3A_154 = tpu.memref_squeeze %gather3A_153 : memref<1x64x512xf32, #tpu.memory_space<vmem>> -> memref<64x512xf32, #tpu.memory_space<vmem>>
            %gather3A_155 = tpu.vector_load_idx %gather3A_154[%add3A_150, %broadcast_in_dim3A_147] : memref<64x512xf32, #tpu.memory_space<vmem>>[vector<16xi32>, vector<16xi32>], vector<16xf32>,
            %swap3A = arith.index_cast %and3A_146 : i32 to index
            %swap3A_156 = arith.constant 0 : index
            %swap3A_157 = tpu.vector_load %arg9[%swap3A, %swap3A_156] {strides = array<i32>} : memref<16x64xf32, #tpu.memory_space<vmem>>, vector<16xf32>,
            tpu.vector_store %arg9[%swap3A, %swap3A_156], %gather3A_155 {strides = array<i32>} : memref<16x64xf32, #tpu.memory_space<vmem>>, vector<16xf32>,
            %add3A_158 = arith.constant 16 : i32
            %add3A_159 = vector.broadcast %add3A_158 : i32 to vector<16xi32>
            %add3A_160 = arith.addi %iota3A, %add3A_159 : vector<16xi32>
            %gather3A_161 = arith.constant 0 : i32
            %gather3A_162 = arith.constant 0 : i32
            %gather3A_163 = arith.constant 0 : i32
            %gather3A_164 = tpu.memref_slice %arg8[%gather3A_161, %gather3A_162, %gather3A_163] : memref<2x64x512xf32, #tpu.memory_space<vmem>> -> memref<1x64x512xf32, #tpu.memory_space<vmem>>
            %gather3A_165 = tpu.memref_squeeze %gather3A_164 : memref<1x64x512xf32, #tpu.memory_space<vmem>> -> memref<64x512xf32, #tpu.memory_space<vmem>>
            %gather3A_166 = tpu.vector_load_idx %gather3A_165[%add3A_160, %broadcast_in_dim3A_147] : memref<64x512xf32, #tpu.memory_space<vmem>>[vector<16xi32>, vector<16xi32>], vector<16xf32>,
            %swap3A_167 = arith.index_cast %and3A_146 : i32 to index
            %swap3A_168 = arith.constant 16 : index
            %swap3A_169 = tpu.vector_load %arg9[%swap3A_167, %swap3A_168] {strides = array<i32>} : memref<16x64xf32, #tpu.memory_space<vmem>>, vector<16xf32>,
            tpu.vector_store %arg9[%swap3A_167, %swap3A_168], %gather3A_166 {strides = array<i32>} : memref<16x64xf32, #tpu.memory_space<vmem>>, vector<16xf32>,
            %add3A_170 = arith.constant 32 : i32
            %add3A_171 = vector.broadcast %add3A_170 : i32 to vector<16xi32>
            %add3A_172 = arith.addi %iota3A, %add3A_171 : vector<16xi32>
            %gather3A_173 = arith.constant 0 : i32
            %gather3A_174 = arith.constant 0 : i32
            %gather3A_175 = arith.constant 0 : i32
            %gather3A_176 = tpu.memref_slice %arg8[%gather3A_173, %gather3A_174, %gather3A_175] : memref<2x64x512xf32, #tpu.memory_space<vmem>> -> memref<1x64x512xf32, #tpu.memory_space<vmem>>
            %gather3A_177 = tpu.memref_squeeze %gather3A_176 : memref<1x64x512xf32, #tpu.memory_space<vmem>> -> memref<64x512xf32, #tpu.memory_space<vmem>>
            %gather3A_178 = tpu.vector_load_idx %gather3A_177[%add3A_172, %broadcast_in_dim3A_147] : memref<64x512xf32, #tpu.memory_space<vmem>>[vector<16xi32>, vector<16xi32>], vector<16xf32>,
            %swap3A_179 = arith.index_cast %and3A_146 : i32 to index
            %swap3A_180 = arith.constant 32 : index
            %swap3A_181 = tpu.vector_load %arg9[%swap3A_179, %swap3A_180] {strides = array<i32>} : memref<16x64xf32, #tpu.memory_space<vmem>>, vector<16xf32>,
            tpu.vector_store %arg9[%swap3A_179, %swap3A_180], %gather3A_178 {strides = array<i32>} : memref<16x64xf32, #tpu.memory_space<vmem>>, vector<16xf32>,
            %add3A_182 = arith.constant 48 : i32
            %add3A_183 = vector.broadcast %add3A_182 : i32 to vector<16xi32>
            %add3A_184 = arith.addi %iota3A, %add3A_183 : vector<16xi32>
            %gather3A_185 = arith.constant 0 : i32
            %gather3A_186 = arith.constant 0 : i32
            %gather3A_187 = arith.constant 0 : i32
            %gather3A_188 = tpu.memref_slice %arg8[%gather3A_185, %gather3A_186, %gather3A_187] : memref<2x64x512xf32, #tpu.memory_space<vmem>> -> memref<1x64x512xf32, #tpu.memory_space<vmem>>
            %gather3A_189 = tpu.memref_squeeze %gather3A_188 : memref<1x64x512xf32, #tpu.memory_space<vmem>> -> memref<64x512xf32, #tpu.memory_space<vmem>>
            %gather3A_190 = tpu.vector_load_idx %gather3A_189[%add3A_184, %broadcast_in_dim3A_147] : memref<64x512xf32, #tpu.memory_space<vmem>>[vector<16xi32>, vector<16xi32>], vector<16xf32>,
            %swap3A_191 = arith.index_cast %and3A_146 : i32 to index
            %swap3A_192 = arith.constant 48 : index
            %swap3A_193 = tpu.vector_load %arg9[%swap3A_191, %swap3A_192] {strides = array<i32>} : memref<16x64xf32, #tpu.memory_space<vmem>>, vector<16xf32>,
            tpu.vector_store %arg9[%swap3A_191, %swap3A_192], %gather3A_190 {strides = array<i32>} : memref<16x64xf32, #tpu.memory_space<vmem>>, vector<16xf32>,
            %dma_start3A = arith.constant 2 : i32
            %dma_start3A_194 = arith.constant 0 : i32
            %dma_start3A_195 = tpu.memref_slice %arg9[%and3A_146, %dma_start3A_194] : memref<16x64xf32, #tpu.memory_space<vmem>> -> memref<1x64xf32, #tpu.memory_space<vmem>>
            %dma_start3A_196 = tpu.memref_squeeze %dma_start3A_195 : memref<1x64xf32, #tpu.memory_space<vmem>> -> memref<64xf32, #tpu.memory_space<vmem>>
            %dma_start3A_197 = arith.constant 0 : i32
            %dma_start3A_198 = tpu.memref_slice %arg5[%and3A_140, %dma_start3A_197] : memref<16384x64xf32, #tpu.memory_space<hbm>> -> memref<1x64xf32, #tpu.memory_space<hbm>>
            %dma_start3A_199 = tpu.memref_squeeze %dma_start3A_198 : memref<1x64xf32, #tpu.memory_space<hbm>> -> memref<64xf32, #tpu.memory_space<hbm>>
            %dma_start3A_200 = tpu.memref_slice %arg10[%dma_start3A] : memref<3x!tpu.dma_semaphore, #tpu.memory_space<semaphore_mem>> -> memref<1x!tpu.dma_semaphore, #tpu.memory_space<semaphore_mem>>
            %dma_start3A_201 = tpu.memref_squeeze %dma_start3A_200 : memref<1x!tpu.dma_semaphore, #tpu.memory_space<semaphore_mem>> -> memref<!tpu.dma_semaphore, #tpu.memory_space<semaphore_mem>>
            %dma_start3A_202 = arith.constant 0 : i32
            %dma_start3A_203 = tpu.memref_slice %arg5[%and3A_140, %dma_start3A_202] : memref<16384x64xf32, #tpu.memory_space<hbm>> -> memref<1x64xf32, #tpu.memory_space<hbm>>
            %dma_start3A_204 = tpu.memref_squeeze %dma_start3A_203 : memref<1x64xf32, #tpu.memory_space<hbm>> -> memref<64xf32, #tpu.memory_space<hbm>>
            %dma_start3A_205 = arith.constant 0 : i32
            %dma_start3A_206 = tpu.memref_slice %arg9[%and3A_146, %dma_start3A_205] : memref<16x64xf32, #tpu.memory_space<vmem>> -> memref<1x64xf32, #tpu.memory_space<vmem>>
            %dma_start3A_207 = tpu.memref_squeeze %dma_start3A_206 : memref<1x64xf32, #tpu.memory_space<vmem>> -> memref<64xf32, #tpu.memory_space<vmem>>
            tpu.enqueue_dma source(%dma_start3A_207 : memref<64xf32, #tpu.memory_space<vmem>>) target(%dma_start3A_204 : memref<64xf32, #tpu.memory_space<hbm>>) target_semaphore(%dma_start3A_201 : memref<!tpu.dma_semaphore, #tpu.memory_space<semaphore_mem>>)
            %add3A_208 = arith.constant 1 : i32
            %add3A_209 = arith.addi %while3A_129, %add3A_208 : i32
            %ne3A_210 = vector.broadcast %squeeze3A : i32 to vector<16xi32>
            %ne3A_211 = arith.cmpi ne, %iota3A, %ne3A_210 : vector<16xi32>
            %and3A_212 = arith.andi %while3A_128, %ne3A_211 : vector<16xi1>
            scf.yield %and3A_212, %add3A_209 : vector<16xi1>, i32
          }
          scf.yield %while3A_127#1 : i32
        }
        scf.yield %while3A_110 : i32
      } else {
        scf.yield %scan3A_38 : i32
      }
      %add3A_60 = arith.constant 2 : i32
      %add3A_61 = arith.addi %add3A_42, %add3A_60 : i32
      %mul3A_62 = arith.constant 32 : i32
      %mul3A_63 = arith.muli %add3A_61, %mul3A_62 : i32
      %add3A_64 = arith.addi %mul3A_63, %add3A : i32
      %lt3A_65 = arith.constant 1953 : i32
      %lt3A_66 = arith.cmpi slt, %add3A_64, %lt3A_65 : i32
      %convert_element_type3A_67 = arith.extui %lt3A_66 : i1 to i32
      %cond3A_68 = arith.constant 0 : i32
      %cond3A_69 = arith.cmpi ne, %convert_element_type3A_67, %cond3A_68 : i32
      scf.if %cond3A_69 {
        %mul3A_101 = arith.constant 512 : i32
        %mul3A_102 = arith.muli %add3A_64, %mul3A_101 : i32
        %multiple_of3A = tpu.assume_multiple %mul3A_102, 512 : i32
        %dma_start3A = arith.constant 0 : i32
        %dma_start3A_103 = arith.constant 0 : i32
        %dma_start3A_104 = arith.constant 0 : i32
        %dma_start3A_105 = arith.constant 0 : i32
        %dma_start3A_106 = tpu.memref_slice %arg8[%dma_start3A, %dma_start3A_104, %dma_start3A_105] : memref<2x64x512xf32, #tpu.memory_space<vmem>> -> memref<1x64x512xf32, #tpu.memory_space<vmem>>
        %dma_start3A_107 = tpu.memref_squeeze %dma_start3A_106 : memref<1x64x512xf32, #tpu.memory_space<vmem>> -> memref<64x512xf32, #tpu.memory_space<vmem>>
        %dma_start3A_108 = arith.constant 0 : i32
        %dma_start3A_109 = tpu.memref_slice %arg3[%dma_start3A_108, %multiple_of3A] : memref<64x1000000xf32, #tpu.memory_space<hbm>> -> memref<64x512xf32, #tpu.memory_space<hbm>>
        %dma_start3A_110 = tpu.memref_slice %arg10[%dma_start3A_103] : memref<3x!tpu.dma_semaphore, #tpu.memory_space<semaphore_mem>> -> memref<1x!tpu.dma_semaphore, #tpu.memory_space<semaphore_mem>>
        %dma_start3A_111 = tpu.memref_squeeze %dma_start3A_110 : memref<1x!tpu.dma_semaphore, #tpu.memory_space<semaphore_mem>> -> memref<!tpu.dma_semaphore, #tpu.memory_space<semaphore_mem>>
        %dma_start3A_112 = arith.constant 0 : i32
        %dma_start3A_113 = arith.constant 0 : i32
        %dma_start3A_114 = tpu.memref_slice %arg8[%dma_start3A, %dma_start3A_112, %dma_start3A_113] : memref<2x64x512xf32, #tpu.memory_space<vmem>> -> memref<1x64x512xf32, #tpu.memory_space<vmem>>
        %dma_start3A_115 = tpu.memref_squeeze %dma_start3A_114 : memref<1x64x512xf32, #tpu.memory_space<vmem>> -> memref<64x512xf32, #tpu.memory_space<vmem>>
        %dma_start3A_116 = arith.constant 0 : i32
        %dma_start3A_117 = tpu.memref_slice %arg3[%dma_start3A_116, %multiple_of3A] : memref<64x1000000xf32, #tpu.memory_space<hbm>> -> memref<64x512xf32, #tpu.memory_space<hbm>>
        tpu.enqueue_dma source(%dma_start3A_117 : memref<64x512xf32, #tpu.memory_space<hbm>>) target(%dma_start3A_115 : memref<64x512xf32, #tpu.memory_space<vmem>>) target_semaphore(%dma_start3A_111 : memref<!tpu.dma_semaphore, #tpu.memory_space<semaphore_mem>>)
      } else {
      }
      %mul3A_70 = arith.constant 2 : i32
      %mul3A_71 = arith.muli %scan3A_37, %mul3A_70 : i32
      %add3A_72 = arith.constant 1 : i32
      %add3A_73 = arith.addi %mul3A_71, %add3A_72 : i32
      %mul3A_74 = arith.constant 32 : i32
      %mul3A_75 = arith.muli %add3A_73, %mul3A_74 : i32
      %add3A_76 = arith.addi %mul3A_75, %add3A : i32
      %mul3A_77 = arith.constant 32 : i32
      %mul3A_78 = arith.muli %add3A_73, %mul3A_77 : i32
      %add3A_79 = arith.addi %mul3A_78, %add3A : i32
      %lt3A_80 = arith.constant 1953 : i32
      %lt3A_81 = arith.cmpi slt, %add3A_79, %lt3A_80 : i32
      %convert_element_type3A_82 = arith.extui %lt3A_81 : i1 to i32
      %cond3A_83 = arith.constant 0 : i32
      %cond3A_84 = arith.cmpi ne, %convert_element_type3A_82, %cond3A_83 : i32
      scf.if %cond3A_84 {
        %dma_wait3A = arith.constant 1 : i32
        %dma_wait3A_101 = arith.constant 1 : i32
        %dma_wait3A_102 = arith.constant 0 : i32
        %dma_wait3A_103 = arith.constant 0 : i32
        %dma_wait3A_104 = tpu.memref_slice %arg8[%dma_wait3A, %dma_wait3A_102, %dma_wait3A_103] : memref<2x64x512xf32, #tpu.memory_space<vmem>> -> memref<1x64x512xf32, #tpu.memory_space<vmem>>
        %dma_wait3A_105 = tpu.memref_squeeze %dma_wait3A_104 : memref<1x64x512xf32, #tpu.memory_space<vmem>> -> memref<64x512xf32, #tpu.memory_space<vmem>>
        %dma_wait3A_106 = arith.constant 0 : i32
        %dma_wait3A_107 = arith.constant 0 : i32
        %dma_wait3A_108 = tpu.memref_slice %arg3[%dma_wait3A_106, %dma_wait3A_107] : memref<64x1000000xf32, #tpu.memory_space<hbm>> -> memref<64x512xf32, #tpu.memory_space<hbm>>
        %dma_wait3A_109 = tpu.memref_slice %arg10[%dma_wait3A_101] : memref<3x!tpu.dma_semaphore, #tpu.memory_space<semaphore_mem>> -> memref<1x!tpu.dma_semaphore, #tpu.memory_space<semaphore_mem>>
        %dma_wait3A_110 = tpu.memref_squeeze %dma_wait3A_109 : memref<1x!tpu.dma_semaphore, #tpu.memory_space<semaphore_mem>> -> memref<!tpu.dma_semaphore, #tpu.memory_space<semaphore_mem>>
        %dma_wait3A_111 = arith.constant 0 : i32
        %dma_wait3A_112 = arith.constant 0 : i32
        %dma_wait3A_113 = tpu.memref_slice %arg8[%dma_wait3A, %dma_wait3A_111, %dma_wait3A_112] : memref<2x64x512xf32, #tpu.memory_space<vmem>> -> memref<1x64x512xf32, #tpu.memory_space<vmem>>
        %dma_wait3A_114 = tpu.memref_squeeze %dma_wait3A_113 : memref<1x64x512xf32, #tpu.memory_space<vmem>> -> memref<64x512xf32, #tpu.memory_space<vmem>>
        %dma_wait3A_115 = arith.constant 0 : i32
        %dma_wait3A_116 = arith.constant 0 : i32
        %dma_wait3A_117 = tpu.memref_slice %arg3[%dma_wait3A_115, %dma_wait3A_116] : memref<64x1000000xf32, #tpu.memory_space<hbm>> -> memref<64x512xf32, #tpu.memory_space<hbm>>
        tpu.wait_dma2 semaphore(%dma_wait3A_110 : memref<!tpu.dma_semaphore, #tpu.memory_space<semaphore_mem>>) src(%dma_wait3A_117 : memref<64x512xf32, #tpu.memory_space<hbm>>) dst(%dma_wait3A_114 : memref<64x512xf32, #tpu.memory_space<vmem>>)
      } else {
      }
      %lt3A_85 = arith.constant 1953 : i32
      %lt3A_86 = arith.cmpi slt, %add3A_76, %lt3A_85 : i32
      %convert_element_type3A_87 = arith.extui %lt3A_86 : i1 to i32
      %cond3A_88 = arith.constant 0 : i32
      %cond3A_89 = arith.cmpi ne, %convert_element_type3A_87, %cond3A_88 : i32
      %cond3A_90 = scf.if %cond3A_89 -> (i32) {
        %while3A = arith.constant 0 : i32
        %while3A_101 = arith.subi %shift_right_arithmetic3A_21, %while3A : i32
        %while3A_102 = arith.addi %while3A, %while3A_101 : i32
        %while3A_103 = arith.constant 1 : i32
        %while3A_104 = arith.divsi %while3A_101, %while3A_103 : i32
        %while3A_105 = arith.muli %while3A_104, %while3A_103 : i32
        %while3A_106 = arith.addi %while3A, %while3A_105 : i32
        %while3A_107 = arith.constant 1 : i32
        %while3A_108 = scf.for %while3A_111 = %while3A to %while3A_106 step %while3A_107 iter_args(%while3A_112 = %cond3A_59) -> (i32)  : i32 {
          %mul3A_113 = arith.constant 16 : i32
          %mul3A_114 = arith.muli %while3A_111, %mul3A_113 : i32
          %multiple_of3A = tpu.assume_multiple %mul3A_114, 16 : i32
          %get3A = arith.index_cast %multiple_of3A : i32 to index
          %get3A_115 = tpu.vector_load %arg7[%get3A] {strides = array<i32>} : memref<16384xi32, #tpu.memory_space<vmem>>, vector<16xi32>,
          %mul3A_116 = arith.constant 16 : i32
          %mul3A_117 = arith.muli %while3A_111, %mul3A_116 : i32
          %add3A_118 = vector.broadcast %mul3A_117 : i32 to vector<16xi32>
          %add3A_119 = arith.addi %add3A_118, %iota3A : vector<16xi32>
          %lt3A_120 = vector.broadcast %scan3A_16 : i32 to vector<16xi32>
          %lt3A_121 = arith.cmpi slt, %add3A_119, %lt3A_120 : vector<16xi32>
          %shift_right_arithmetic3A_122 = arith.constant 23 : i32
          %shift_right_arithmetic3A_123 = vector.broadcast %shift_right_arithmetic3A_122 : i32 to vector<16xi32>
          %shift_right_arithmetic3A_124 = arith.shrsi %get3A_115, %shift_right_arithmetic3A_123 : vector<16xi32>
          %eq3A_125 = vector.broadcast %add3A_73 : i32 to vector<16xi32>
          %eq3A_126 = arith.cmpi eq, %shift_right_arithmetic3A_124, %eq3A_125 : vector<16xi32>
          %and3A = arith.andi %eq3A_126, %lt3A_121 : vector<16xi1>
          %while3A_127:2 = scf.while (%while3A_128 = %and3A, %while3A_129 = %while3A_112) : (vector<16xi1>, i32) -> (vector<16xi1>, i32) {
            %reduce_or3A = arith.constant 1.000000e+00 : f32
            %reduce_or3A_130 = arith.constant 0.000000e+00 : f32
            %reduce_or3A_131 = vector.broadcast %reduce_or3A : f32 to vector<16xf32>
            %reduce_or3A_132 = vector.broadcast %reduce_or3A_130 : f32 to vector<16xf32>
            %reduce_or3A_133 = arith.select %while3A_128, %reduce_or3A_131, %reduce_or3A_132 : vector<16xi1>, vector<16xf32>
            %reduce_or3A_134 = arith.constant true
            %reduce_or3A_135 = vector.broadcast %reduce_or3A_134 : i1 to vector<16xi1>
            %reduce_or3A_136 = tpu.scan <max>, %reduce_or3A_133 masked %reduce_or3A_135 : vector<16xf32>, vector<16xi1> -> vector<16xf32>
            %reduce_or3A_137 = vector.extract %reduce_or3A_136[15] : f32 from vector<16xf32>
            %reduce_or3A_138 = arith.constant 0.000000e+00 : f32
            %reduce_or3A_139 = arith.cmpf ogt, %reduce_or3A_137, %reduce_or3A_138 : f32
            scf.condition(%reduce_or3A_139) %while3A_128, %while3A_129 : vector<16xi1>, i32
          } do {
          ^bb0(%while3A_128: vector<16xi1>, %while3A_129: i32):
            %all_reduce_ffs3A = tpu.all_reduce %while3A_128 {dim = 0 : i64, kind = #tpu.reduction_kind<find_first_set>} : vector<16xi1> -> vector<16xi32>
            %slice3A = vector.extract_strided_slice %all_reduce_ffs3A {offsets = [0], sizes = [1], strides = [1]} : vector<16xi32> to vector<1xi32>
            %squeeze3A = vector.extract %slice3A[0] : i32 from vector<1xi32>
            %eq3A_130 = vector.broadcast %squeeze3A : i32 to vector<16xi32>
            %eq3A_131 = arith.cmpi eq, %iota3A, %eq3A_130 : vector<16xi32>
            %jit3A = arith.constant 0 : i32
            %broadcast_in_dim3A = vector.broadcast %jit3A : i32 to vector<16xi32>
            %select_n3A = arith.select %eq3A_131, %get3A_115, %broadcast_in_dim3A : vector<16xi1>, vector<16xi32>
            %reduce_sum3A = arith.constant true
            %reduce_sum3A_132 = vector.broadcast %reduce_sum3A : i1 to vector<16xi1>
            %reduce_sum3A_133 = tpu.scan <sum>, %select_n3A masked %reduce_sum3A_132 : vector<16xi32>, vector<16xi1> -> vector<16xi32>
            %reduce_sum3A_134 = vector.extract %reduce_sum3A_133[15] : i32 from vector<16xi32>
            %shift_right_arithmetic3A_135 = arith.constant 14 : i32
            %shift_right_arithmetic3A_136 = arith.shrsi %reduce_sum3A_134, %shift_right_arithmetic3A_135 : i32
            %and3A_137 = arith.constant 511 : i32
            %and3A_138 = arith.andi %shift_right_arithmetic3A_136, %and3A_137 : i32
            %and3A_139 = arith.constant 16383 : i32
            %and3A_140 = arith.andi %reduce_sum3A_134, %and3A_139 : i32
            %ge3A = arith.constant 16 : i32
            %ge3A_141 = arith.cmpi sge, %while3A_129, %ge3A : i32
            %convert_element_type3A_142 = arith.extui %ge3A_141 : i1 to i32
            %cond3A_143 = arith.constant 0 : i32
            %cond3A_144 = arith.cmpi ne, %convert_element_type3A_142, %cond3A_143 : i32
            scf.if %cond3A_144 {
              %dma_wait3A = arith.constant 0 : i32
              %dma_wait3A_213 = arith.constant 0 : i32
              %dma_wait3A_214 = arith.constant 2 : i32
              %dma_wait3A_215 = arith.constant 0 : i32
              %dma_wait3A_216 = tpu.memref_slice %arg9[%dma_wait3A_213, %dma_wait3A_215] : memref<16x64xf32, #tpu.memory_space<vmem>> -> memref<1x64xf32, #tpu.memory_space<vmem>>
              %dma_wait3A_217 = tpu.memref_squeeze %dma_wait3A_216 : memref<1x64xf32, #tpu.memory_space<vmem>> -> memref<64xf32, #tpu.memory_space<vmem>>
              %dma_wait3A_218 = arith.constant 0 : i32
              %dma_wait3A_219 = tpu.memref_slice %arg5[%dma_wait3A, %dma_wait3A_218] : memref<16384x64xf32, #tpu.memory_space<hbm>> -> memref<1x64xf32, #tpu.memory_space<hbm>>
              %dma_wait3A_220 = tpu.memref_squeeze %dma_wait3A_219 : memref<1x64xf32, #tpu.memory_space<hbm>> -> memref<64xf32, #tpu.memory_space<hbm>>
              %dma_wait3A_221 = tpu.memref_slice %arg10[%dma_wait3A_214] : memref<3x!tpu.dma_semaphore, #tpu.memory_space<semaphore_mem>> -> memref<1x!tpu.dma_semaphore, #tpu.memory_space<semaphore_mem>>
              %dma_wait3A_222 = tpu.memref_squeeze %dma_wait3A_221 : memref<1x!tpu.dma_semaphore, #tpu.memory_space<semaphore_mem>> -> memref<!tpu.dma_semaphore, #tpu.memory_space<semaphore_mem>>
              %dma_wait3A_223 = arith.constant 0 : i32
              %dma_wait3A_224 = tpu.memref_slice %arg9[%dma_wait3A_213, %dma_wait3A_223] : memref<16x64xf32, #tpu.memory_space<vmem>> -> memref<1x64xf32, #tpu.memory_space<vmem>>
              %dma_wait3A_225 = tpu.memref_squeeze %dma_wait3A_224 : memref<1x64xf32, #tpu.memory_space<vmem>> -> memref<64xf32, #tpu.memory_space<vmem>>
              %dma_wait3A_226 = arith.constant 0 : i32
              %dma_wait3A_227 = tpu.memref_slice %arg5[%dma_wait3A, %dma_wait3A_226] : memref<16384x64xf32, #tpu.memory_space<hbm>> -> memref<1x64xf32, #tpu.memory_space<hbm>>
              %dma_wait3A_228 = tpu.memref_squeeze %dma_wait3A_227 : memref<1x64xf32, #tpu.memory_space<hbm>> -> memref<64xf32, #tpu.memory_space<hbm>>
              tpu.wait_dma2 semaphore(%dma_wait3A_222 : memref<!tpu.dma_semaphore, #tpu.memory_space<semaphore_mem>>) src(%dma_wait3A_228 : memref<64xf32, #tpu.memory_space<hbm>>) dst(%dma_wait3A_225 : memref<64xf32, #tpu.memory_space<vmem>>)
            } else {
            }
            %and3A_145 = arith.constant 15 : i32
            %and3A_146 = arith.andi %while3A_129, %and3A_145 : i32
            %broadcast_in_dim3A_147 = vector.broadcast %and3A_138 : i32 to vector<16xi32>
            %add3A_148 = arith.constant 0 : i32
            %add3A_149 = vector.broadcast %add3A_148 : i32 to vector<16xi32>
            %add3A_150 = arith.addi %iota3A, %add3A_149 : vector<16xi32>
            %gather3A = arith.constant 1 : i32
            %gather3A_151 = arith.constant 0 : i32
            %gather3A_152 = arith.constant 0 : i32
            %gather3A_153 = tpu.memref_slice %arg8[%gather3A, %gather3A_151, %gather3A_152] : memref<2x64x512xf32, #tpu.memory_space<vmem>> -> memref<1x64x512xf32, #tpu.memory_space<vmem>>
            %gather3A_154 = tpu.memref_squeeze %gather3A_153 : memref<1x64x512xf32, #tpu.memory_space<vmem>> -> memref<64x512xf32, #tpu.memory_space<vmem>>
            %gather3A_155 = tpu.vector_load_idx %gather3A_154[%add3A_150, %broadcast_in_dim3A_147] : memref<64x512xf32, #tpu.memory_space<vmem>>[vector<16xi32>, vector<16xi32>], vector<16xf32>,
            %swap3A = arith.index_cast %and3A_146 : i32 to index
            %swap3A_156 = arith.constant 0 : index
            %swap3A_157 = tpu.vector_load %arg9[%swap3A, %swap3A_156] {strides = array<i32>} : memref<16x64xf32, #tpu.memory_space<vmem>>, vector<16xf32>,
            tpu.vector_store %arg9[%swap3A, %swap3A_156], %gather3A_155 {strides = array<i32>} : memref<16x64xf32, #tpu.memory_space<vmem>>, vector<16xf32>,
            %add3A_158 = arith.constant 16 : i32
            %add3A_159 = vector.broadcast %add3A_158 : i32 to vector<16xi32>
            %add3A_160 = arith.addi %iota3A, %add3A_159 : vector<16xi32>
            %gather3A_161 = arith.constant 1 : i32
            %gather3A_162 = arith.constant 0 : i32
            %gather3A_163 = arith.constant 0 : i32
            %gather3A_164 = tpu.memref_slice %arg8[%gather3A_161, %gather3A_162, %gather3A_163] : memref<2x64x512xf32, #tpu.memory_space<vmem>> -> memref<1x64x512xf32, #tpu.memory_space<vmem>>
            %gather3A_165 = tpu.memref_squeeze %gather3A_164 : memref<1x64x512xf32, #tpu.memory_space<vmem>> -> memref<64x512xf32, #tpu.memory_space<vmem>>
            %gather3A_166 = tpu.vector_load_idx %gather3A_165[%add3A_160, %broadcast_in_dim3A_147] : memref<64x512xf32, #tpu.memory_space<vmem>>[vector<16xi32>, vector<16xi32>], vector<16xf32>,
            %swap3A_167 = arith.index_cast %and3A_146 : i32 to index
            %swap3A_168 = arith.constant 16 : index
            %swap3A_169 = tpu.vector_load %arg9[%swap3A_167, %swap3A_168] {strides = array<i32>} : memref<16x64xf32, #tpu.memory_space<vmem>>, vector<16xf32>,
            tpu.vector_store %arg9[%swap3A_167, %swap3A_168], %gather3A_166 {strides = array<i32>} : memref<16x64xf32, #tpu.memory_space<vmem>>, vector<16xf32>,
            %add3A_170 = arith.constant 32 : i32
            %add3A_171 = vector.broadcast %add3A_170 : i32 to vector<16xi32>
            %add3A_172 = arith.addi %iota3A, %add3A_171 : vector<16xi32>
            %gather3A_173 = arith.constant 1 : i32
            %gather3A_174 = arith.constant 0 : i32
            %gather3A_175 = arith.constant 0 : i32
            %gather3A_176 = tpu.memref_slice %arg8[%gather3A_173, %gather3A_174, %gather3A_175] : memref<2x64x512xf32, #tpu.memory_space<vmem>> -> memref<1x64x512xf32, #tpu.memory_space<vmem>>
            %gather3A_177 = tpu.memref_squeeze %gather3A_176 : memref<1x64x512xf32, #tpu.memory_space<vmem>> -> memref<64x512xf32, #tpu.memory_space<vmem>>
            %gather3A_178 = tpu.vector_load_idx %gather3A_177[%add3A_172, %broadcast_in_dim3A_147] : memref<64x512xf32, #tpu.memory_space<vmem>>[vector<16xi32>, vector<16xi32>], vector<16xf32>,
            %swap3A_179 = arith.index_cast %and3A_146 : i32 to index
            %swap3A_180 = arith.constant 32 : index
            %swap3A_181 = tpu.vector_load %arg9[%swap3A_179, %swap3A_180] {strides = array<i32>} : memref<16x64xf32, #tpu.memory_space<vmem>>, vector<16xf32>,
            tpu.vector_store %arg9[%swap3A_179, %swap3A_180], %gather3A_178 {strides = array<i32>} : memref<16x64xf32, #tpu.memory_space<vmem>>, vector<16xf32>,
            %add3A_182 = arith.constant 48 : i32
            %add3A_183 = vector.broadcast %add3A_182 : i32 to vector<16xi32>
            %add3A_184 = arith.addi %iota3A, %add3A_183 : vector<16xi32>
            %gather3A_185 = arith.constant 1 : i32
            %gather3A_186 = arith.constant 0 : i32
            %gather3A_187 = arith.constant 0 : i32
            %gather3A_188 = tpu.memref_slice %arg8[%gather3A_185, %gather3A_186, %gather3A_187] : memref<2x64x512xf32, #tpu.memory_space<vmem>> -> memref<1x64x512xf32, #tpu.memory_space<vmem>>
            %gather3A_189 = tpu.memref_squeeze %gather3A_188 : memref<1x64x512xf32, #tpu.memory_space<vmem>> -> memref<64x512xf32, #tpu.memory_space<vmem>>
            %gather3A_190 = tpu.vector_load_idx %gather3A_189[%add3A_184, %broadcast_in_dim3A_147] : memref<64x512xf32, #tpu.memory_space<vmem>>[vector<16xi32>, vector<16xi32>], vector<16xf32>,
            %swap3A_191 = arith.index_cast %and3A_146 : i32 to index
            %swap3A_192 = arith.constant 48 : index
            %swap3A_193 = tpu.vector_load %arg9[%swap3A_191, %swap3A_192] {strides = array<i32>} : memref<16x64xf32, #tpu.memory_space<vmem>>, vector<16xf32>,
            tpu.vector_store %arg9[%swap3A_191, %swap3A_192], %gather3A_190 {strides = array<i32>} : memref<16x64xf32, #tpu.memory_space<vmem>>, vector<16xf32>,
            %dma_start3A = arith.constant 2 : i32
            %dma_start3A_194 = arith.constant 0 : i32
            %dma_start3A_195 = tpu.memref_slice %arg9[%and3A_146, %dma_start3A_194] : memref<16x64xf32, #tpu.memory_space<vmem>> -> memref<1x64xf32, #tpu.memory_space<vmem>>
            %dma_start3A_196 = tpu.memref_squeeze %dma_start3A_195 : memref<1x64xf32, #tpu.memory_space<vmem>> -> memref<64xf32, #tpu.memory_space<vmem>>
            %dma_start3A_197 = arith.constant 0 : i32
            %dma_start3A_198 = tpu.memref_slice %arg5[%and3A_140, %dma_start3A_197] : memref<16384x64xf32, #tpu.memory_space<hbm>> -> memref<1x64xf32, #tpu.memory_space<hbm>>
            %dma_start3A_199 = tpu.memref_squeeze %dma_start3A_198 : memref<1x64xf32, #tpu.memory_space<hbm>> -> memref<64xf32, #tpu.memory_space<hbm>>
            %dma_start3A_200 = tpu.memref_slice %arg10[%dma_start3A] : memref<3x!tpu.dma_semaphore, #tpu.memory_space<semaphore_mem>> -> memref<1x!tpu.dma_semaphore, #tpu.memory_space<semaphore_mem>>
            %dma_start3A_201 = tpu.memref_squeeze %dma_start3A_200 : memref<1x!tpu.dma_semaphore, #tpu.memory_space<semaphore_mem>> -> memref<!tpu.dma_semaphore, #tpu.memory_space<semaphore_mem>>
            %dma_start3A_202 = arith.constant 0 : i32
            %dma_start3A_203 = tpu.memref_slice %arg5[%and3A_140, %dma_start3A_202] : memref<16384x64xf32, #tpu.memory_space<hbm>> -> memref<1x64xf32, #tpu.memory_space<hbm>>
            %dma_start3A_204 = tpu.memref_squeeze %dma_start3A_203 : memref<1x64xf32, #tpu.memory_space<hbm>> -> memref<64xf32, #tpu.memory_space<hbm>>
            %dma_start3A_205 = arith.constant 0 : i32
            %dma_start3A_206 = tpu.memref_slice %arg9[%and3A_146, %dma_start3A_205] : memref<16x64xf32, #tpu.memory_space<vmem>> -> memref<1x64xf32, #tpu.memory_space<vmem>>
            %dma_start3A_207 = tpu.memref_squeeze %dma_start3A_206 : memref<1x64xf32, #tpu.memory_space<vmem>> -> memref<64xf32, #tpu.memory_space<vmem>>
            tpu.enqueue_dma source(%dma_start3A_207 : memref<64xf32, #tpu.memory_space<vmem>>) target(%dma_start3A_204 : memref<64xf32, #tpu.memory_space<hbm>>) target_semaphore(%dma_start3A_201 : memref<!tpu.dma_semaphore, #tpu.memory_space<semaphore_mem>>)
            %add3A_208 = arith.constant 1 : i32
            %add3A_209 = arith.addi %while3A_129, %add3A_208 : i32
            %ne3A_210 = vector.broadcast %squeeze3A : i32 to vector<16xi32>
            %ne3A_211 = arith.cmpi ne, %iota3A, %ne3A_210 : vector<16xi32>
            %and3A_212 = arith.andi %while3A_128, %ne3A_211 : vector<16xi1>
            scf.yield %and3A_212, %add3A_209 : vector<16xi1>, i32
          }
          scf.yield %while3A_127#1 : i32
        }
        %while3A_109 = arith.constant 1 : i32
        %while3A_110 = scf.for %while3A_111 = %while3A_106 to %while3A_102 step %while3A_109 iter_args(%while3A_112 = %while3A_108) -> (i32)  : i32 {
          %mul3A_113 = arith.constant 16 : i32
          %mul3A_114 = arith.muli %while3A_111, %mul3A_113 : i32
          %multiple_of3A = tpu.assume_multiple %mul3A_114, 16 : i32
          %get3A = arith.index_cast %multiple_of3A : i32 to index
          %get3A_115 = tpu.vector_load %arg7[%get3A] {strides = array<i32>} : memref<16384xi32, #tpu.memory_space<vmem>>, vector<16xi32>,
          %mul3A_116 = arith.constant 16 : i32
          %mul3A_117 = arith.muli %while3A_111, %mul3A_116 : i32
          %add3A_118 = vector.broadcast %mul3A_117 : i32 to vector<16xi32>
          %add3A_119 = arith.addi %add3A_118, %iota3A : vector<16xi32>
          %lt3A_120 = vector.broadcast %scan3A_16 : i32 to vector<16xi32>
          %lt3A_121 = arith.cmpi slt, %add3A_119, %lt3A_120 : vector<16xi32>
          %shift_right_arithmetic3A_122 = arith.constant 23 : i32
          %shift_right_arithmetic3A_123 = vector.broadcast %shift_right_arithmetic3A_122 : i32 to vector<16xi32>
          %shift_right_arithmetic3A_124 = arith.shrsi %get3A_115, %shift_right_arithmetic3A_123 : vector<16xi32>
          %eq3A_125 = vector.broadcast %add3A_73 : i32 to vector<16xi32>
          %eq3A_126 = arith.cmpi eq, %shift_right_arithmetic3A_124, %eq3A_125 : vector<16xi32>
          %and3A = arith.andi %eq3A_126, %lt3A_121 : vector<16xi1>
          %while3A_127:2 = scf.while (%while3A_128 = %and3A, %while3A_129 = %while3A_112) : (vector<16xi1>, i32) -> (vector<16xi1>, i32) {
            %reduce_or3A = arith.constant 1.000000e+00 : f32
            %reduce_or3A_130 = arith.constant 0.000000e+00 : f32
            %reduce_or3A_131 = vector.broadcast %reduce_or3A : f32 to vector<16xf32>
            %reduce_or3A_132 = vector.broadcast %reduce_or3A_130 : f32 to vector<16xf32>
            %reduce_or3A_133 = arith.select %while3A_128, %reduce_or3A_131, %reduce_or3A_132 : vector<16xi1>, vector<16xf32>
            %reduce_or3A_134 = arith.constant true
            %reduce_or3A_135 = vector.broadcast %reduce_or3A_134 : i1 to vector<16xi1>
            %reduce_or3A_136 = tpu.scan <max>, %reduce_or3A_133 masked %reduce_or3A_135 : vector<16xf32>, vector<16xi1> -> vector<16xf32>
            %reduce_or3A_137 = vector.extract %reduce_or3A_136[15] : f32 from vector<16xf32>
            %reduce_or3A_138 = arith.constant 0.000000e+00 : f32
            %reduce_or3A_139 = arith.cmpf ogt, %reduce_or3A_137, %reduce_or3A_138 : f32
            scf.condition(%reduce_or3A_139) %while3A_128, %while3A_129 : vector<16xi1>, i32
          } do {
          ^bb0(%while3A_128: vector<16xi1>, %while3A_129: i32):
            %all_reduce_ffs3A = tpu.all_reduce %while3A_128 {dim = 0 : i64, kind = #tpu.reduction_kind<find_first_set>} : vector<16xi1> -> vector<16xi32>
            %slice3A = vector.extract_strided_slice %all_reduce_ffs3A {offsets = [0], sizes = [1], strides = [1]} : vector<16xi32> to vector<1xi32>
            %squeeze3A = vector.extract %slice3A[0] : i32 from vector<1xi32>
            %eq3A_130 = vector.broadcast %squeeze3A : i32 to vector<16xi32>
            %eq3A_131 = arith.cmpi eq, %iota3A, %eq3A_130 : vector<16xi32>
            %jit3A = arith.constant 0 : i32
            %broadcast_in_dim3A = vector.broadcast %jit3A : i32 to vector<16xi32>
            %select_n3A = arith.select %eq3A_131, %get3A_115, %broadcast_in_dim3A : vector<16xi1>, vector<16xi32>
            %reduce_sum3A = arith.constant true
            %reduce_sum3A_132 = vector.broadcast %reduce_sum3A : i1 to vector<16xi1>
            %reduce_sum3A_133 = tpu.scan <sum>, %select_n3A masked %reduce_sum3A_132 : vector<16xi32>, vector<16xi1> -> vector<16xi32>
            %reduce_sum3A_134 = vector.extract %reduce_sum3A_133[15] : i32 from vector<16xi32>
            %shift_right_arithmetic3A_135 = arith.constant 14 : i32
            %shift_right_arithmetic3A_136 = arith.shrsi %reduce_sum3A_134, %shift_right_arithmetic3A_135 : i32
            %and3A_137 = arith.constant 511 : i32
            %and3A_138 = arith.andi %shift_right_arithmetic3A_136, %and3A_137 : i32
            %and3A_139 = arith.constant 16383 : i32
            %and3A_140 = arith.andi %reduce_sum3A_134, %and3A_139 : i32
            %ge3A = arith.constant 16 : i32
            %ge3A_141 = arith.cmpi sge, %while3A_129, %ge3A : i32
            %convert_element_type3A_142 = arith.extui %ge3A_141 : i1 to i32
            %cond3A_143 = arith.constant 0 : i32
            %cond3A_144 = arith.cmpi ne, %convert_element_type3A_142, %cond3A_143 : i32
            scf.if %cond3A_144 {
              %dma_wait3A = arith.constant 0 : i32
              %dma_wait3A_213 = arith.constant 0 : i32
              %dma_wait3A_214 = arith.constant 2 : i32
              %dma_wait3A_215 = arith.constant 0 : i32
              %dma_wait3A_216 = tpu.memref_slice %arg9[%dma_wait3A_213, %dma_wait3A_215] : memref<16x64xf32, #tpu.memory_space<vmem>> -> memref<1x64xf32, #tpu.memory_space<vmem>>
              %dma_wait3A_217 = tpu.memref_squeeze %dma_wait3A_216 : memref<1x64xf32, #tpu.memory_space<vmem>> -> memref<64xf32, #tpu.memory_space<vmem>>
              %dma_wait3A_218 = arith.constant 0 : i32
              %dma_wait3A_219 = tpu.memref_slice %arg5[%dma_wait3A, %dma_wait3A_218] : memref<16384x64xf32, #tpu.memory_space<hbm>> -> memref<1x64xf32, #tpu.memory_space<hbm>>
              %dma_wait3A_220 = tpu.memref_squeeze %dma_wait3A_219 : memref<1x64xf32, #tpu.memory_space<hbm>> -> memref<64xf32, #tpu.memory_space<hbm>>
              %dma_wait3A_221 = tpu.memref_slice %arg10[%dma_wait3A_214] : memref<3x!tpu.dma_semaphore, #tpu.memory_space<semaphore_mem>> -> memref<1x!tpu.dma_semaphore, #tpu.memory_space<semaphore_mem>>
              %dma_wait3A_222 = tpu.memref_squeeze %dma_wait3A_221 : memref<1x!tpu.dma_semaphore, #tpu.memory_space<semaphore_mem>> -> memref<!tpu.dma_semaphore, #tpu.memory_space<semaphore_mem>>
              %dma_wait3A_223 = arith.constant 0 : i32
              %dma_wait3A_224 = tpu.memref_slice %arg9[%dma_wait3A_213, %dma_wait3A_223] : memref<16x64xf32, #tpu.memory_space<vmem>> -> memref<1x64xf32, #tpu.memory_space<vmem>>
              %dma_wait3A_225 = tpu.memref_squeeze %dma_wait3A_224 : memref<1x64xf32, #tpu.memory_space<vmem>> -> memref<64xf32, #tpu.memory_space<vmem>>
              %dma_wait3A_226 = arith.constant 0 : i32
              %dma_wait3A_227 = tpu.memref_slice %arg5[%dma_wait3A, %dma_wait3A_226] : memref<16384x64xf32, #tpu.memory_space<hbm>> -> memref<1x64xf32, #tpu.memory_space<hbm>>
              %dma_wait3A_228 = tpu.memref_squeeze %dma_wait3A_227 : memref<1x64xf32, #tpu.memory_space<hbm>> -> memref<64xf32, #tpu.memory_space<hbm>>
              tpu.wait_dma2 semaphore(%dma_wait3A_222 : memref<!tpu.dma_semaphore, #tpu.memory_space<semaphore_mem>>) src(%dma_wait3A_228 : memref<64xf32, #tpu.memory_space<hbm>>) dst(%dma_wait3A_225 : memref<64xf32, #tpu.memory_space<vmem>>)
            } else {
            }
            %and3A_145 = arith.constant 15 : i32
            %and3A_146 = arith.andi %while3A_129, %and3A_145 : i32
            %broadcast_in_dim3A_147 = vector.broadcast %and3A_138 : i32 to vector<16xi32>
            %add3A_148 = arith.constant 0 : i32
            %add3A_149 = vector.broadcast %add3A_148 : i32 to vector<16xi32>
            %add3A_150 = arith.addi %iota3A, %add3A_149 : vector<16xi32>
            %gather3A = arith.constant 1 : i32
            %gather3A_151 = arith.constant 0 : i32
            %gather3A_152 = arith.constant 0 : i32
            %gather3A_153 = tpu.memref_slice %arg8[%gather3A, %gather3A_151, %gather3A_152] : memref<2x64x512xf32, #tpu.memory_space<vmem>> -> memref<1x64x512xf32, #tpu.memory_space<vmem>>
            %gather3A_154 = tpu.memref_squeeze %gather3A_153 : memref<1x64x512xf32, #tpu.memory_space<vmem>> -> memref<64x512xf32, #tpu.memory_space<vmem>>
            %gather3A_155 = tpu.vector_load_idx %gather3A_154[%add3A_150, %broadcast_in_dim3A_147] : memref<64x512xf32, #tpu.memory_space<vmem>>[vector<16xi32>, vector<16xi32>], vector<16xf32>,
            %swap3A = arith.index_cast %and3A_146 : i32 to index
            %swap3A_156 = arith.constant 0 : index
            %swap3A_157 = tpu.vector_load %arg9[%swap3A, %swap3A_156] {strides = array<i32>} : memref<16x64xf32, #tpu.memory_space<vmem>>, vector<16xf32>,
            tpu.vector_store %arg9[%swap3A, %swap3A_156], %gather3A_155 {strides = array<i32>} : memref<16x64xf32, #tpu.memory_space<vmem>>, vector<16xf32>,
            %add3A_158 = arith.constant 16 : i32
            %add3A_159 = vector.broadcast %add3A_158 : i32 to vector<16xi32>
            %add3A_160 = arith.addi %iota3A, %add3A_159 : vector<16xi32>
            %gather3A_161 = arith.constant 1 : i32
            %gather3A_162 = arith.constant 0 : i32
            %gather3A_163 = arith.constant 0 : i32
            %gather3A_164 = tpu.memref_slice %arg8[%gather3A_161, %gather3A_162, %gather3A_163] : memref<2x64x512xf32, #tpu.memory_space<vmem>> -> memref<1x64x512xf32, #tpu.memory_space<vmem>>
            %gather3A_165 = tpu.memref_squeeze %gather3A_164 : memref<1x64x512xf32, #tpu.memory_space<vmem>> -> memref<64x512xf32, #tpu.memory_space<vmem>>
            %gather3A_166 = tpu.vector_load_idx %gather3A_165[%add3A_160, %broadcast_in_dim3A_147] : memref<64x512xf32, #tpu.memory_space<vmem>>[vector<16xi32>, vector<16xi32>], vector<16xf32>,
            %swap3A_167 = arith.index_cast %and3A_146 : i32 to index
            %swap3A_168 = arith.constant 16 : index
            %swap3A_169 = tpu.vector_load %arg9[%swap3A_167, %swap3A_168] {strides = array<i32>} : memref<16x64xf32, #tpu.memory_space<vmem>>, vector<16xf32>,
            tpu.vector_store %arg9[%swap3A_167, %swap3A_168], %gather3A_166 {strides = array<i32>} : memref<16x64xf32, #tpu.memory_space<vmem>>, vector<16xf32>,
            %add3A_170 = arith.constant 32 : i32
            %add3A_171 = vector.broadcast %add3A_170 : i32 to vector<16xi32>
            %add3A_172 = arith.addi %iota3A, %add3A_171 : vector<16xi32>
            %gather3A_173 = arith.constant 1 : i32
            %gather3A_174 = arith.constant 0 : i32
            %gather3A_175 = arith.constant 0 : i32
            %gather3A_176 = tpu.memref_slice %arg8[%gather3A_173, %gather3A_174, %gather3A_175] : memref<2x64x512xf32, #tpu.memory_space<vmem>> -> memref<1x64x512xf32, #tpu.memory_space<vmem>>
            %gather3A_177 = tpu.memref_squeeze %gather3A_176 : memref<1x64x512xf32, #tpu.memory_space<vmem>> -> memref<64x512xf32, #tpu.memory_space<vmem>>
            %gather3A_178 = tpu.vector_load_idx %gather3A_177[%add3A_172, %broadcast_in_dim3A_147] : memref<64x512xf32, #tpu.memory_space<vmem>>[vector<16xi32>, vector<16xi32>], vector<16xf32>,
            %swap3A_179 = arith.index_cast %and3A_146 : i32 to index
            %swap3A_180 = arith.constant 32 : index
            %swap3A_181 = tpu.vector_load %arg9[%swap3A_179, %swap3A_180] {strides = array<i32>} : memref<16x64xf32, #tpu.memory_space<vmem>>, vector<16xf32>,
            tpu.vector_store %arg9[%swap3A_179, %swap3A_180], %gather3A_178 {strides = array<i32>} : memref<16x64xf32, #tpu.memory_space<vmem>>, vector<16xf32>,
            %add3A_182 = arith.constant 48 : i32
            %add3A_183 = vector.broadcast %add3A_182 : i32 to vector<16xi32>
            %add3A_184 = arith.addi %iota3A, %add3A_183 : vector<16xi32>
            %gather3A_185 = arith.constant 1 : i32
            %gather3A_186 = arith.constant 0 : i32
            %gather3A_187 = arith.constant 0 : i32
            %gather3A_188 = tpu.memref_slice %arg8[%gather3A_185, %gather3A_186, %gather3A_187] : memref<2x64x512xf32, #tpu.memory_space<vmem>> -> memref<1x64x512xf32, #tpu.memory_space<vmem>>
            %gather3A_189 = tpu.memref_squeeze %gather3A_188 : memref<1x64x512xf32, #tpu.memory_space<vmem>> -> memref<64x512xf32, #tpu.memory_space<vmem>>
            %gather3A_190 = tpu.vector_load_idx %gather3A_189[%add3A_184, %broadcast_in_dim3A_147] : memref<64x512xf32, #tpu.memory_space<vmem>>[vector<16xi32>, vector<16xi32>], vector<16xf32>,
            %swap3A_191 = arith.index_cast %and3A_146 : i32 to index
            %swap3A_192 = arith.constant 48 : index
            %swap3A_193 = tpu.vector_load %arg9[%swap3A_191, %swap3A_192] {strides = array<i32>} : memref<16x64xf32, #tpu.memory_space<vmem>>, vector<16xf32>,
            tpu.vector_store %arg9[%swap3A_191, %swap3A_192], %gather3A_190 {strides = array<i32>} : memref<16x64xf32, #tpu.memory_space<vmem>>, vector<16xf32>,
            %dma_start3A = arith.constant 2 : i32
            %dma_start3A_194 = arith.constant 0 : i32
            %dma_start3A_195 = tpu.memref_slice %arg9[%and3A_146, %dma_start3A_194] : memref<16x64xf32, #tpu.memory_space<vmem>> -> memref<1x64xf32, #tpu.memory_space<vmem>>
            %dma_start3A_196 = tpu.memref_squeeze %dma_start3A_195 : memref<1x64xf32, #tpu.memory_space<vmem>> -> memref<64xf32, #tpu.memory_space<vmem>>
            %dma_start3A_197 = arith.constant 0 : i32
            %dma_start3A_198 = tpu.memref_slice %arg5[%and3A_140, %dma_start3A_197] : memref<16384x64xf32, #tpu.memory_space<hbm>> -> memref<1x64xf32, #tpu.memory_space<hbm>>
            %dma_start3A_199 = tpu.memref_squeeze %dma_start3A_198 : memref<1x64xf32, #tpu.memory_space<hbm>> -> memref<64xf32, #tpu.memory_space<hbm>>
            %dma_start3A_200 = tpu.memref_slice %arg10[%dma_start3A] : memref<3x!tpu.dma_semaphore, #tpu.memory_space<semaphore_mem>> -> memref<1x!tpu.dma_semaphore, #tpu.memory_space<semaphore_mem>>
            %dma_start3A_201 = tpu.memref_squeeze %dma_start3A_200 : memref<1x!tpu.dma_semaphore, #tpu.memory_space<semaphore_mem>> -> memref<!tpu.dma_semaphore, #tpu.memory_space<semaphore_mem>>
            %dma_start3A_202 = arith.constant 0 : i32
            %dma_start3A_203 = tpu.memref_slice %arg5[%and3A_140, %dma_start3A_202] : memref<16384x64xf32, #tpu.memory_space<hbm>> -> memref<1x64xf32, #tpu.memory_space<hbm>>
            %dma_start3A_204 = tpu.memref_squeeze %dma_start3A_203 : memref<1x64xf32, #tpu.memory_space<hbm>> -> memref<64xf32, #tpu.memory_space<hbm>>
            %dma_start3A_205 = arith.constant 0 : i32
            %dma_start3A_206 = tpu.memref_slice %arg9[%and3A_146, %dma_start3A_205] : memref<16x64xf32, #tpu.memory_space<vmem>> -> memref<1x64xf32, #tpu.memory_space<vmem>>
            %dma_start3A_207 = tpu.memref_squeeze %dma_start3A_206 : memref<1x64xf32, #tpu.memory_space<vmem>> -> memref<64xf32, #tpu.memory_space<vmem>>
            tpu.enqueue_dma source(%dma_start3A_207 : memref<64xf32, #tpu.memory_space<vmem>>) target(%dma_start3A_204 : memref<64xf32, #tpu.memory_space<hbm>>) target_semaphore(%dma_start3A_201 : memref<!tpu.dma_semaphore, #tpu.memory_space<semaphore_mem>>)
            %add3A_208 = arith.constant 1 : i32
            %add3A_209 = arith.addi %while3A_129, %add3A_208 : i32
            %ne3A_210 = vector.broadcast %squeeze3A : i32 to vector<16xi32>
            %ne3A_211 = arith.cmpi ne, %iota3A, %ne3A_210 : vector<16xi32>
            %and3A_212 = arith.andi %while3A_128, %ne3A_211 : vector<16xi1>
            scf.yield %and3A_212, %add3A_209 : vector<16xi1>, i32
          }
          scf.yield %while3A_127#1 : i32
        }
        scf.yield %while3A_110 : i32
      } else {
        scf.yield %cond3A_59 : i32
      }
      %add3A_91 = arith.constant 2 : i32
      %add3A_92 = arith.addi %add3A_73, %add3A_91 : i32
      %mul3A_93 = arith.constant 32 : i32
      %mul3A_94 = arith.muli %add3A_92, %mul3A_93 : i32
      %add3A_95 = arith.addi %mul3A_94, %add3A : i32
      %lt3A_96 = arith.constant 1953 : i32
      %lt3A_97 = arith.cmpi slt, %add3A_95, %lt3A_96 : i32
      %convert_element_type3A_98 = arith.extui %lt3A_97 : i1 to i32
      %cond3A_99 = arith.constant 0 : i32
      %cond3A_100 = arith.cmpi ne, %convert_element_type3A_98, %cond3A_99 : i32
      scf.if %cond3A_100 {
        %mul3A_101 = arith.constant 512 : i32
        %mul3A_102 = arith.muli %add3A_95, %mul3A_101 : i32
        %multiple_of3A = tpu.assume_multiple %mul3A_102, 512 : i32
        %dma_start3A = arith.constant 1 : i32
        %dma_start3A_103 = arith.constant 1 : i32
        %dma_start3A_104 = arith.constant 0 : i32
        %dma_start3A_105 = arith.constant 0 : i32
        %dma_start3A_106 = tpu.memref_slice %arg8[%dma_start3A, %dma_start3A_104, %dma_start3A_105] : memref<2x64x512xf32, #tpu.memory_space<vmem>> -> memref<1x64x512xf32, #tpu.memory_space<vmem>>
        %dma_start3A_107 = tpu.memref_squeeze %dma_start3A_106 : memref<1x64x512xf32, #tpu.memory_space<vmem>> -> memref<64x512xf32, #tpu.memory_space<vmem>>
        %dma_start3A_108 = arith.constant 0 : i32
        %dma_start3A_109 = tpu.memref_slice %arg3[%dma_start3A_108, %multiple_of3A] : memref<64x1000000xf32, #tpu.memory_space<hbm>> -> memref<64x512xf32, #tpu.memory_space<hbm>>
        %dma_start3A_110 = tpu.memref_slice %arg10[%dma_start3A_103] : memref<3x!tpu.dma_semaphore, #tpu.memory_space<semaphore_mem>> -> memref<1x!tpu.dma_semaphore, #tpu.memory_space<semaphore_mem>>
        %dma_start3A_111 = tpu.memref_squeeze %dma_start3A_110 : memref<1x!tpu.dma_semaphore, #tpu.memory_space<semaphore_mem>> -> memref<!tpu.dma_semaphore, #tpu.memory_space<semaphore_mem>>
        %dma_start3A_112 = arith.constant 0 : i32
        %dma_start3A_113 = arith.constant 0 : i32
        %dma_start3A_114 = tpu.memref_slice %arg8[%dma_start3A, %dma_start3A_112, %dma_start3A_113] : memref<2x64x512xf32, #tpu.memory_space<vmem>> -> memref<1x64x512xf32, #tpu.memory_space<vmem>>
        %dma_start3A_115 = tpu.memref_squeeze %dma_start3A_114 : memref<1x64x512xf32, #tpu.memory_space<vmem>> -> memref<64x512xf32, #tpu.memory_space<vmem>>
        %dma_start3A_116 = arith.constant 0 : i32
        %dma_start3A_117 = tpu.memref_slice %arg3[%dma_start3A_116, %multiple_of3A] : memref<64x1000000xf32, #tpu.memory_space<hbm>> -> memref<64x512xf32, #tpu.memory_space<hbm>>
        tpu.enqueue_dma source(%dma_start3A_117 : memref<64x512xf32, #tpu.memory_space<hbm>>) target(%dma_start3A_115 : memref<64x512xf32, #tpu.memory_space<vmem>>) target_semaphore(%dma_start3A_111 : memref<!tpu.dma_semaphore, #tpu.memory_space<semaphore_mem>>)
      } else {
      }
      scf.yield %cond3A_90 : i32
    }
    %scan3A_28 = arith.constant 31 : i32
    %eq3A = arith.constant 1 : i32
    %eq3A_29 = arith.cmpi eq, %add3A, %eq3A : i32
    %convert_element_type3A_30 = arith.extui %eq3A_29 : i1 to i32
    %cond3A_31 = arith.constant 0 : i32
    %cond3A_32 = arith.cmpi ne, %convert_element_type3A_30, %cond3A_31 : i32
    scf.if %cond3A_32 {
      %while3A = arith.constant 61 : i32
      %while3A_37 = arith.constant 0 : i32
      %while3A_38 = arith.subi %shift_right_arithmetic3A_21, %while3A_37 : i32
      %while3A_39 = arith.addi %while3A_37, %while3A_38 : i32
      %while3A_40 = arith.constant 1 : i32
      %while3A_41 = arith.divsi %while3A_38, %while3A_40 : i32
      %while3A_42 = arith.muli %while3A_41, %while3A_40 : i32
      %while3A_43 = arith.addi %while3A_37, %while3A_42 : i32
      %while3A_44 = arith.constant 1 : i32
      %while3A_45 = scf.for %while3A_61 = %while3A_37 to %while3A_43 step %while3A_44 iter_args(%while3A_62 = %scan3A_27) -> (i32)  : i32 {
        %mul3A_63 = arith.constant 16 : i32
        %mul3A_64 = arith.muli %while3A_61, %mul3A_63 : i32
        %multiple_of3A = tpu.assume_multiple %mul3A_64, 16 : i32
        %get3A = arith.index_cast %multiple_of3A : i32 to index
        %get3A_65 = tpu.vector_load %arg7[%get3A] {strides = array<i32>} : memref<16384xi32, #tpu.memory_space<vmem>>, vector<16xi32>,
        %mul3A_66 = arith.constant 16 : i32
        %mul3A_67 = arith.muli %while3A_61, %mul3A_66 : i32
        %add3A_68 = vector.broadcast %mul3A_67 : i32 to vector<16xi32>
        %add3A_69 = arith.addi %add3A_68, %iota3A : vector<16xi32>
        %lt3A_70 = vector.broadcast %scan3A_16 : i32 to vector<16xi32>
        %lt3A_71 = arith.cmpi slt, %add3A_69, %lt3A_70 : vector<16xi32>
        %shift_right_arithmetic3A_72 = arith.constant 23 : i32
        %shift_right_arithmetic3A_73 = vector.broadcast %shift_right_arithmetic3A_72 : i32 to vector<16xi32>
        %shift_right_arithmetic3A_74 = arith.shrsi %get3A_65, %shift_right_arithmetic3A_73 : vector<16xi32>
        %eq3A_75 = vector.broadcast %while3A : i32 to vector<16xi32>
        %eq3A_76 = arith.cmpi eq, %shift_right_arithmetic3A_74, %eq3A_75 : vector<16xi32>
        %and3A = arith.andi %eq3A_76, %lt3A_71 : vector<16xi1>
        %while3A_77:2 = scf.while (%while3A_78 = %and3A, %while3A_79 = %while3A_62) : (vector<16xi1>, i32) -> (vector<16xi1>, i32) {
          %reduce_or3A = arith.constant 1.000000e+00 : f32
          %reduce_or3A_80 = arith.constant 0.000000e+00 : f32
          %reduce_or3A_81 = vector.broadcast %reduce_or3A : f32 to vector<16xf32>
          %reduce_or3A_82 = vector.broadcast %reduce_or3A_80 : f32 to vector<16xf32>
          %reduce_or3A_83 = arith.select %while3A_78, %reduce_or3A_81, %reduce_or3A_82 : vector<16xi1>, vector<16xf32>
          %reduce_or3A_84 = arith.constant true
          %reduce_or3A_85 = vector.broadcast %reduce_or3A_84 : i1 to vector<16xi1>
          %reduce_or3A_86 = tpu.scan <max>, %reduce_or3A_83 masked %reduce_or3A_85 : vector<16xf32>, vector<16xi1> -> vector<16xf32>
          %reduce_or3A_87 = vector.extract %reduce_or3A_86[15] : f32 from vector<16xf32>
          %reduce_or3A_88 = arith.constant 0.000000e+00 : f32
          %reduce_or3A_89 = arith.cmpf ogt, %reduce_or3A_87, %reduce_or3A_88 : f32
          scf.condition(%reduce_or3A_89) %while3A_78, %while3A_79 : vector<16xi1>, i32
        } do {
        ^bb0(%while3A_78: vector<16xi1>, %while3A_79: i32):
          %all_reduce_ffs3A = tpu.all_reduce %while3A_78 {dim = 0 : i64, kind = #tpu.reduction_kind<find_first_set>} : vector<16xi1> -> vector<16xi32>
          %slice3A = vector.extract_strided_slice %all_reduce_ffs3A {offsets = [0], sizes = [1], strides = [1]} : vector<16xi32> to vector<1xi32>
          %squeeze3A = vector.extract %slice3A[0] : i32 from vector<1xi32>
          %eq3A_80 = vector.broadcast %squeeze3A : i32 to vector<16xi32>
          %eq3A_81 = arith.cmpi eq, %iota3A, %eq3A_80 : vector<16xi32>
          %jit3A = arith.constant 0 : i32
          %broadcast_in_dim3A = vector.broadcast %jit3A : i32 to vector<16xi32>
          %select_n3A = arith.select %eq3A_81, %get3A_65, %broadcast_in_dim3A : vector<16xi1>, vector<16xi32>
          %reduce_sum3A = arith.constant true
          %reduce_sum3A_82 = vector.broadcast %reduce_sum3A : i1 to vector<16xi1>
          %reduce_sum3A_83 = tpu.scan <sum>, %select_n3A masked %reduce_sum3A_82 : vector<16xi32>, vector<16xi1> -> vector<16xi32>
          %reduce_sum3A_84 = vector.extract %reduce_sum3A_83[15] : i32 from vector<16xi32>
          %shift_right_arithmetic3A_85 = arith.constant 14 : i32
          %shift_right_arithmetic3A_86 = arith.shrsi %reduce_sum3A_84, %shift_right_arithmetic3A_85 : i32
          %and3A_87 = arith.constant 511 : i32
          %and3A_88 = arith.andi %shift_right_arithmetic3A_86, %and3A_87 : i32
          %and3A_89 = arith.constant 16383 : i32
          %and3A_90 = arith.andi %reduce_sum3A_84, %and3A_89 : i32
          %ge3A = arith.constant 16 : i32
          %ge3A_91 = arith.cmpi sge, %while3A_79, %ge3A : i32
          %convert_element_type3A_92 = arith.extui %ge3A_91 : i1 to i32
          %cond3A_93 = arith.constant 0 : i32
          %cond3A_94 = arith.cmpi ne, %convert_element_type3A_92, %cond3A_93 : i32
          scf.if %cond3A_94 {
            %dma_wait3A = arith.constant 0 : i32
            %dma_wait3A_116 = arith.constant 0 : i32
            %dma_wait3A_117 = arith.constant 2 : i32
            %dma_wait3A_118 = arith.constant 0 : i32
            %dma_wait3A_119 = tpu.memref_slice %arg9[%dma_wait3A_116, %dma_wait3A_118] : memref<16x64xf32, #tpu.memory_space<vmem>> -> memref<1x64xf32, #tpu.memory_space<vmem>>
            %dma_wait3A_120 = tpu.memref_squeeze %dma_wait3A_119 : memref<1x64xf32, #tpu.memory_space<vmem>> -> memref<64xf32, #tpu.memory_space<vmem>>
            %dma_wait3A_121 = arith.constant 0 : i32
            %dma_wait3A_122 = tpu.memref_slice %arg5[%dma_wait3A, %dma_wait3A_121] : memref<16384x64xf32, #tpu.memory_space<hbm>> -> memref<1x64xf32, #tpu.memory_space<hbm>>
            %dma_wait3A_123 = tpu.memref_squeeze %dma_wait3A_122 : memref<1x64xf32, #tpu.memory_space<hbm>> -> memref<64xf32, #tpu.memory_space<hbm>>
            %dma_wait3A_124 = tpu.memref_slice %arg10[%dma_wait3A_117] : memref<3x!tpu.dma_semaphore, #tpu.memory_space<semaphore_mem>> -> memref<1x!tpu.dma_semaphore, #tpu.memory_space<semaphore_mem>>
            %dma_wait3A_125 = tpu.memref_squeeze %dma_wait3A_124 : memref<1x!tpu.dma_semaphore, #tpu.memory_space<semaphore_mem>> -> memref<!tpu.dma_semaphore, #tpu.memory_space<semaphore_mem>>
            %dma_wait3A_126 = arith.constant 0 : i32
            %dma_wait3A_127 = tpu.memref_slice %arg9[%dma_wait3A_116, %dma_wait3A_126] : memref<16x64xf32, #tpu.memory_space<vmem>> -> memref<1x64xf32, #tpu.memory_space<vmem>>
            %dma_wait3A_128 = tpu.memref_squeeze %dma_wait3A_127 : memref<1x64xf32, #tpu.memory_space<vmem>> -> memref<64xf32, #tpu.memory_space<vmem>>
            %dma_wait3A_129 = arith.constant 0 : i32
            %dma_wait3A_130 = tpu.memref_slice %arg5[%dma_wait3A, %dma_wait3A_129] : memref<16384x64xf32, #tpu.memory_space<hbm>> -> memref<1x64xf32, #tpu.memory_space<hbm>>
            %dma_wait3A_131 = tpu.memref_squeeze %dma_wait3A_130 : memref<1x64xf32, #tpu.memory_space<hbm>> -> memref<64xf32, #tpu.memory_space<hbm>>
            tpu.wait_dma2 semaphore(%dma_wait3A_125 : memref<!tpu.dma_semaphore, #tpu.memory_space<semaphore_mem>>) src(%dma_wait3A_131 : memref<64xf32, #tpu.memory_space<hbm>>) dst(%dma_wait3A_128 : memref<64xf32, #tpu.memory_space<vmem>>)
          } else {
          }
          %and3A_95 = arith.constant 15 : i32
          %and3A_96 = arith.andi %while3A_79, %and3A_95 : i32
          "tpu.region"() ({
            %run_scoped3A = tpu.sem_alloc : memref<!tpu.dma_semaphore, #tpu.memory_space<semaphore_mem>>
            %dma_start3A_116 = arith.constant 0 : i32
            %dma_start3A_117 = tpu.memref_slice %arg9[%and3A_96, %dma_start3A_116] : memref<16x64xf32, #tpu.memory_space<vmem>> -> memref<1x64xf32, #tpu.memory_space<vmem>>
            %dma_start3A_118 = tpu.memref_squeeze %dma_start3A_117 : memref<1x64xf32, #tpu.memory_space<vmem>> -> memref<64xf32, #tpu.memory_space<vmem>>
            %dma_start3A_119 = arith.constant 0 : i32
            %dma_start3A_120 = tpu.memref_slice %arg4[%and3A_88, %dma_start3A_119] : memref<64x64xf32, #tpu.memory_space<hbm>> -> memref<1x64xf32, #tpu.memory_space<hbm>>
            %dma_start3A_121 = tpu.memref_squeeze %dma_start3A_120 : memref<1x64xf32, #tpu.memory_space<hbm>> -> memref<64xf32, #tpu.memory_space<hbm>>
            %dma_start3A_122 = arith.constant 0 : i32
            %dma_start3A_123 = tpu.memref_slice %arg9[%and3A_96, %dma_start3A_122] : memref<16x64xf32, #tpu.memory_space<vmem>> -> memref<1x64xf32, #tpu.memory_space<vmem>>
            %dma_start3A_124 = tpu.memref_squeeze %dma_start3A_123 : memref<1x64xf32, #tpu.memory_space<vmem>> -> memref<64xf32, #tpu.memory_space<vmem>>
            %dma_start3A_125 = arith.constant 0 : i32
            %dma_start3A_126 = tpu.memref_slice %arg4[%and3A_88, %dma_start3A_125] : memref<64x64xf32, #tpu.memory_space<hbm>> -> memref<1x64xf32, #tpu.memory_space<hbm>>
            %dma_start3A_127 = tpu.memref_squeeze %dma_start3A_126 : memref<1x64xf32, #tpu.memory_space<hbm>> -> memref<64xf32, #tpu.memory_space<hbm>>
            tpu.enqueue_dma source(%dma_start3A_127 : memref<64xf32, #tpu.memory_space<hbm>>) target(%dma_start3A_124 : memref<64xf32, #tpu.memory_space<vmem>>) target_semaphore(%run_scoped3A : memref<!tpu.dma_semaphore, #tpu.memory_space<semaphore_mem>>)
            %dma_wait3A = arith.constant 0 : i32
            %dma_wait3A_128 = tpu.memref_slice %arg9[%and3A_96, %dma_wait3A] : memref<16x64xf32, #tpu.memory_space<vmem>> -> memref<1x64xf32, #tpu.memory_space<vmem>>
            %dma_wait3A_129 = tpu.memref_squeeze %dma_wait3A_128 : memref<1x64xf32, #tpu.memory_space<vmem>> -> memref<64xf32, #tpu.memory_space<vmem>>
            %dma_wait3A_130 = arith.constant 0 : i32
            %dma_wait3A_131 = tpu.memref_slice %arg4[%and3A_88, %dma_wait3A_130] : memref<64x64xf32, #tpu.memory_space<hbm>> -> memref<1x64xf32, #tpu.memory_space<hbm>>
            %dma_wait3A_132 = tpu.memref_squeeze %dma_wait3A_131 : memref<1x64xf32, #tpu.memory_space<hbm>> -> memref<64xf32, #tpu.memory_space<hbm>>
            %dma_wait3A_133 = arith.constant 0 : i32
            %dma_wait3A_134 = tpu.memref_slice %arg9[%and3A_96, %dma_wait3A_133] : memref<16x64xf32, #tpu.memory_space<vmem>> -> memref<1x64xf32, #tpu.memory_space<vmem>>
            %dma_wait3A_135 = tpu.memref_squeeze %dma_wait3A_134 : memref<1x64xf32, #tpu.memory_space<vmem>> -> memref<64xf32, #tpu.memory_space<vmem>>
            %dma_wait3A_136 = arith.constant 0 : i32
            %dma_wait3A_137 = tpu.memref_slice %arg4[%and3A_88, %dma_wait3A_136] : memref<64x64xf32, #tpu.memory_space<hbm>> -> memref<1x64xf32, #tpu.memory_space<hbm>>
            %dma_wait3A_138 = tpu.memref_squeeze %dma_wait3A_137 : memref<1x64xf32, #tpu.memory_space<hbm>> -> memref<64xf32, #tpu.memory_space<hbm>>
            tpu.wait_dma2 semaphore(%run_scoped3A : memref<!tpu.dma_semaphore, #tpu.memory_space<semaphore_mem>>) src(%dma_wait3A_138 : memref<64xf32, #tpu.memory_space<hbm>>) dst(%dma_wait3A_135 : memref<64xf32, #tpu.memory_space<vmem>>)
            tpu.yield
          }) : () -> ()
          %dma_start3A = arith.constant 2 : i32
          %dma_start3A_97 = arith.constant 0 : i32
          %dma_start3A_98 = tpu.memref_slice %arg9[%and3A_96, %dma_start3A_97] : memref<16x64xf32, #tpu.memory_space<vmem>> -> memref<1x64xf32, #tpu.memory_space<vmem>>
          %dma_start3A_99 = tpu.memref_squeeze %dma_start3A_98 : memref<1x64xf32, #tpu.memory_space<vmem>> -> memref<64xf32, #tpu.memory_space<vmem>>
          %dma_start3A_100 = arith.constant 0 : i32
          %dma_start3A_101 = tpu.memref_slice %arg5[%and3A_90, %dma_start3A_100] : memref<16384x64xf32, #tpu.memory_space<hbm>> -> memref<1x64xf32, #tpu.memory_space<hbm>>
          %dma_start3A_102 = tpu.memref_squeeze %dma_start3A_101 : memref<1x64xf32, #tpu.memory_space<hbm>> -> memref<64xf32, #tpu.memory_space<hbm>>
          %dma_start3A_103 = tpu.memref_slice %arg10[%dma_start3A] : memref<3x!tpu.dma_semaphore, #tpu.memory_space<semaphore_mem>> -> memref<1x!tpu.dma_semaphore, #tpu.memory_space<semaphore_mem>>
          %dma_start3A_104 = tpu.memref_squeeze %dma_start3A_103 : memref<1x!tpu.dma_semaphore, #tpu.memory_space<semaphore_mem>> -> memref<!tpu.dma_semaphore, #tpu.memory_space<semaphore_mem>>
          %dma_start3A_105 = arith.constant 0 : i32
          %dma_start3A_106 = tpu.memref_slice %arg5[%and3A_90, %dma_start3A_105] : memref<16384x64xf32, #tpu.memory_space<hbm>> -> memref<1x64xf32, #tpu.memory_space<hbm>>
          %dma_start3A_107 = tpu.memref_squeeze %dma_start3A_106 : memref<1x64xf32, #tpu.memory_space<hbm>> -> memref<64xf32, #tpu.memory_space<hbm>>
          %dma_start3A_108 = arith.constant 0 : i32
          %dma_start3A_109 = tpu.memref_slice %arg9[%and3A_96, %dma_start3A_108] : memref<16x64xf32, #tpu.memory_space<vmem>> -> memref<1x64xf32, #tpu.memory_space<vmem>>
          %dma_start3A_110 = tpu.memref_squeeze %dma_start3A_109 : memref<1x64xf32, #tpu.memory_space<vmem>> -> memref<64xf32, #tpu.memory_space<vmem>>
          tpu.enqueue_dma source(%dma_start3A_110 : memref<64xf32, #tpu.memory_space<vmem>>) target(%dma_start3A_107 : memref<64xf32, #tpu.memory_space<hbm>>) target_semaphore(%dma_start3A_104 : memref<!tpu.dma_semaphore, #tpu.memory_space<semaphore_mem>>)
          %add3A_111 = arith.constant 1 : i32
          %add3A_112 = arith.addi %while3A_79, %add3A_111 : i32
          %ne3A_113 = vector.broadcast %squeeze3A : i32 to vector<16xi32>
          %ne3A_114 = arith.cmpi ne, %iota3A, %ne3A_113 : vector<16xi32>
          %and3A_115 = arith.andi %while3A_78, %ne3A_114 : vector<16xi1>
          scf.yield %and3A_115, %add3A_112 : vector<16xi1>, i32
        }
        scf.yield %while3A_77#1 : i32
      }
      %while3A_46 = arith.constant 1 : i32
      %while3A_47 = scf.for %while3A_61 = %while3A_43 to %while3A_39 step %while3A_46 iter_args(%while3A_62 = %while3A_45) -> (i32)  : i32 {
        %mul3A_63 = arith.constant 16 : i32
        %mul3A_64 = arith.muli %while3A_61, %mul3A_63 : i32
        %multiple_of3A = tpu.assume_multiple %mul3A_64, 16 : i32
        %get3A = arith.index_cast %multiple_of3A : i32 to index
        %get3A_65 = tpu.vector_load %arg7[%get3A] {strides = array<i32>} : memref<16384xi32, #tpu.memory_space<vmem>>, vector<16xi32>,
        %mul3A_66 = arith.constant 16 : i32
        %mul3A_67 = arith.muli %while3A_61, %mul3A_66 : i32
        %add3A_68 = vector.broadcast %mul3A_67 : i32 to vector<16xi32>
        %add3A_69 = arith.addi %add3A_68, %iota3A : vector<16xi32>
        %lt3A_70 = vector.broadcast %scan3A_16 : i32 to vector<16xi32>
        %lt3A_71 = arith.cmpi slt, %add3A_69, %lt3A_70 : vector<16xi32>
        %shift_right_arithmetic3A_72 = arith.constant 23 : i32
        %shift_right_arithmetic3A_73 = vector.broadcast %shift_right_arithmetic3A_72 : i32 to vector<16xi32>
        %shift_right_arithmetic3A_74 = arith.shrsi %get3A_65, %shift_right_arithmetic3A_73 : vector<16xi32>
        %eq3A_75 = vector.broadcast %while3A : i32 to vector<16xi32>
        %eq3A_76 = arith.cmpi eq, %shift_right_arithmetic3A_74, %eq3A_75 : vector<16xi32>
        %and3A = arith.andi %eq3A_76, %lt3A_71 : vector<16xi1>
        %while3A_77:2 = scf.while (%while3A_78 = %and3A, %while3A_79 = %while3A_62) : (vector<16xi1>, i32) -> (vector<16xi1>, i32) {
          %reduce_or3A = arith.constant 1.000000e+00 : f32
          %reduce_or3A_80 = arith.constant 0.000000e+00 : f32
          %reduce_or3A_81 = vector.broadcast %reduce_or3A : f32 to vector<16xf32>
          %reduce_or3A_82 = vector.broadcast %reduce_or3A_80 : f32 to vector<16xf32>
          %reduce_or3A_83 = arith.select %while3A_78, %reduce_or3A_81, %reduce_or3A_82 : vector<16xi1>, vector<16xf32>
          %reduce_or3A_84 = arith.constant true
          %reduce_or3A_85 = vector.broadcast %reduce_or3A_84 : i1 to vector<16xi1>
          %reduce_or3A_86 = tpu.scan <max>, %reduce_or3A_83 masked %reduce_or3A_85 : vector<16xf32>, vector<16xi1> -> vector<16xf32>
          %reduce_or3A_87 = vector.extract %reduce_or3A_86[15] : f32 from vector<16xf32>
          %reduce_or3A_88 = arith.constant 0.000000e+00 : f32
          %reduce_or3A_89 = arith.cmpf ogt, %reduce_or3A_87, %reduce_or3A_88 : f32
          scf.condition(%reduce_or3A_89) %while3A_78, %while3A_79 : vector<16xi1>, i32
        } do {
        ^bb0(%while3A_78: vector<16xi1>, %while3A_79: i32):
          %all_reduce_ffs3A = tpu.all_reduce %while3A_78 {dim = 0 : i64, kind = #tpu.reduction_kind<find_first_set>} : vector<16xi1> -> vector<16xi32>
          %slice3A = vector.extract_strided_slice %all_reduce_ffs3A {offsets = [0], sizes = [1], strides = [1]} : vector<16xi32> to vector<1xi32>
          %squeeze3A = vector.extract %slice3A[0] : i32 from vector<1xi32>
          %eq3A_80 = vector.broadcast %squeeze3A : i32 to vector<16xi32>
          %eq3A_81 = arith.cmpi eq, %iota3A, %eq3A_80 : vector<16xi32>
          %jit3A = arith.constant 0 : i32
          %broadcast_in_dim3A = vector.broadcast %jit3A : i32 to vector<16xi32>
          %select_n3A = arith.select %eq3A_81, %get3A_65, %broadcast_in_dim3A : vector<16xi1>, vector<16xi32>
          %reduce_sum3A = arith.constant true
          %reduce_sum3A_82 = vector.broadcast %reduce_sum3A : i1 to vector<16xi1>
          %reduce_sum3A_83 = tpu.scan <sum>, %select_n3A masked %reduce_sum3A_82 : vector<16xi32>, vector<16xi1> -> vector<16xi32>
          %reduce_sum3A_84 = vector.extract %reduce_sum3A_83[15] : i32 from vector<16xi32>
          %shift_right_arithmetic3A_85 = arith.constant 14 : i32
          %shift_right_arithmetic3A_86 = arith.shrsi %reduce_sum3A_84, %shift_right_arithmetic3A_85 : i32
          %and3A_87 = arith.constant 511 : i32
          %and3A_88 = arith.andi %shift_right_arithmetic3A_86, %and3A_87 : i32
          %and3A_89 = arith.constant 16383 : i32
          %and3A_90 = arith.andi %reduce_sum3A_84, %and3A_89 : i32
          %ge3A = arith.constant 16 : i32
          %ge3A_91 = arith.cmpi sge, %while3A_79, %ge3A : i32
          %convert_element_type3A_92 = arith.extui %ge3A_91 : i1 to i32
          %cond3A_93 = arith.constant 0 : i32
          %cond3A_94 = arith.cmpi ne, %convert_element_type3A_92, %cond3A_93 : i32
          scf.if %cond3A_94 {
            %dma_wait3A = arith.constant 0 : i32
            %dma_wait3A_116 = arith.constant 0 : i32
            %dma_wait3A_117 = arith.constant 2 : i32
            %dma_wait3A_118 = arith.constant 0 : i32
            %dma_wait3A_119 = tpu.memref_slice %arg9[%dma_wait3A_116, %dma_wait3A_118] : memref<16x64xf32, #tpu.memory_space<vmem>> -> memref<1x64xf32, #tpu.memory_space<vmem>>
            %dma_wait3A_120 = tpu.memref_squeeze %dma_wait3A_119 : memref<1x64xf32, #tpu.memory_space<vmem>> -> memref<64xf32, #tpu.memory_space<vmem>>
            %dma_wait3A_121 = arith.constant 0 : i32
            %dma_wait3A_122 = tpu.memref_slice %arg5[%dma_wait3A, %dma_wait3A_121] : memref<16384x64xf32, #tpu.memory_space<hbm>> -> memref<1x64xf32, #tpu.memory_space<hbm>>
            %dma_wait3A_123 = tpu.memref_squeeze %dma_wait3A_122 : memref<1x64xf32, #tpu.memory_space<hbm>> -> memref<64xf32, #tpu.memory_space<hbm>>
            %dma_wait3A_124 = tpu.memref_slice %arg10[%dma_wait3A_117] : memref<3x!tpu.dma_semaphore, #tpu.memory_space<semaphore_mem>> -> memref<1x!tpu.dma_semaphore, #tpu.memory_space<semaphore_mem>>
            %dma_wait3A_125 = tpu.memref_squeeze %dma_wait3A_124 : memref<1x!tpu.dma_semaphore, #tpu.memory_space<semaphore_mem>> -> memref<!tpu.dma_semaphore, #tpu.memory_space<semaphore_mem>>
            %dma_wait3A_126 = arith.constant 0 : i32
            %dma_wait3A_127 = tpu.memref_slice %arg9[%dma_wait3A_116, %dma_wait3A_126] : memref<16x64xf32, #tpu.memory_space<vmem>> -> memref<1x64xf32, #tpu.memory_space<vmem>>
            %dma_wait3A_128 = tpu.memref_squeeze %dma_wait3A_127 : memref<1x64xf32, #tpu.memory_space<vmem>> -> memref<64xf32, #tpu.memory_space<vmem>>
            %dma_wait3A_129 = arith.constant 0 : i32
            %dma_wait3A_130 = tpu.memref_slice %arg5[%dma_wait3A, %dma_wait3A_129] : memref<16384x64xf32, #tpu.memory_space<hbm>> -> memref<1x64xf32, #tpu.memory_space<hbm>>
            %dma_wait3A_131 = tpu.memref_squeeze %dma_wait3A_130 : memref<1x64xf32, #tpu.memory_space<hbm>> -> memref<64xf32, #tpu.memory_space<hbm>>
            tpu.wait_dma2 semaphore(%dma_wait3A_125 : memref<!tpu.dma_semaphore, #tpu.memory_space<semaphore_mem>>) src(%dma_wait3A_131 : memref<64xf32, #tpu.memory_space<hbm>>) dst(%dma_wait3A_128 : memref<64xf32, #tpu.memory_space<vmem>>)
          } else {
          }
          %and3A_95 = arith.constant 15 : i32
          %and3A_96 = arith.andi %while3A_79, %and3A_95 : i32
          "tpu.region"() ({
            %run_scoped3A = tpu.sem_alloc : memref<!tpu.dma_semaphore, #tpu.memory_space<semaphore_mem>>
            %dma_start3A_116 = arith.constant 0 : i32
            %dma_start3A_117 = tpu.memref_slice %arg9[%and3A_96, %dma_start3A_116] : memref<16x64xf32, #tpu.memory_space<vmem>> -> memref<1x64xf32, #tpu.memory_space<vmem>>
            %dma_start3A_118 = tpu.memref_squeeze %dma_start3A_117 : memref<1x64xf32, #tpu.memory_space<vmem>> -> memref<64xf32, #tpu.memory_space<vmem>>
            %dma_start3A_119 = arith.constant 0 : i32
            %dma_start3A_120 = tpu.memref_slice %arg4[%and3A_88, %dma_start3A_119] : memref<64x64xf32, #tpu.memory_space<hbm>> -> memref<1x64xf32, #tpu.memory_space<hbm>>
            %dma_start3A_121 = tpu.memref_squeeze %dma_start3A_120 : memref<1x64xf32, #tpu.memory_space<hbm>> -> memref<64xf32, #tpu.memory_space<hbm>>
            %dma_start3A_122 = arith.constant 0 : i32
            %dma_start3A_123 = tpu.memref_slice %arg9[%and3A_96, %dma_start3A_122] : memref<16x64xf32, #tpu.memory_space<vmem>> -> memref<1x64xf32, #tpu.memory_space<vmem>>
            %dma_start3A_124 = tpu.memref_squeeze %dma_start3A_123 : memref<1x64xf32, #tpu.memory_space<vmem>> -> memref<64xf32, #tpu.memory_space<vmem>>
            %dma_start3A_125 = arith.constant 0 : i32
            %dma_start3A_126 = tpu.memref_slice %arg4[%and3A_88, %dma_start3A_125] : memref<64x64xf32, #tpu.memory_space<hbm>> -> memref<1x64xf32, #tpu.memory_space<hbm>>
            %dma_start3A_127 = tpu.memref_squeeze %dma_start3A_126 : memref<1x64xf32, #tpu.memory_space<hbm>> -> memref<64xf32, #tpu.memory_space<hbm>>
            tpu.enqueue_dma source(%dma_start3A_127 : memref<64xf32, #tpu.memory_space<hbm>>) target(%dma_start3A_124 : memref<64xf32, #tpu.memory_space<vmem>>) target_semaphore(%run_scoped3A : memref<!tpu.dma_semaphore, #tpu.memory_space<semaphore_mem>>)
            %dma_wait3A = arith.constant 0 : i32
            %dma_wait3A_128 = tpu.memref_slice %arg9[%and3A_96, %dma_wait3A] : memref<16x64xf32, #tpu.memory_space<vmem>> -> memref<1x64xf32, #tpu.memory_space<vmem>>
            %dma_wait3A_129 = tpu.memref_squeeze %dma_wait3A_128 : memref<1x64xf32, #tpu.memory_space<vmem>> -> memref<64xf32, #tpu.memory_space<vmem>>
            %dma_wait3A_130 = arith.constant 0 : i32
            %dma_wait3A_131 = tpu.memref_slice %arg4[%and3A_88, %dma_wait3A_130] : memref<64x64xf32, #tpu.memory_space<hbm>> -> memref<1x64xf32, #tpu.memory_space<hbm>>
            %dma_wait3A_132 = tpu.memref_squeeze %dma_wait3A_131 : memref<1x64xf32, #tpu.memory_space<hbm>> -> memref<64xf32, #tpu.memory_space<hbm>>
            %dma_wait3A_133 = arith.constant 0 : i32
            %dma_wait3A_134 = tpu.memref_slice %arg9[%and3A_96, %dma_wait3A_133] : memref<16x64xf32, #tpu.memory_space<vmem>> -> memref<1x64xf32, #tpu.memory_space<vmem>>
            %dma_wait3A_135 = tpu.memref_squeeze %dma_wait3A_134 : memref<1x64xf32, #tpu.memory_space<vmem>> -> memref<64xf32, #tpu.memory_space<vmem>>
            %dma_wait3A_136 = arith.constant 0 : i32
            %dma_wait3A_137 = tpu.memref_slice %arg4[%and3A_88, %dma_wait3A_136] : memref<64x64xf32, #tpu.memory_space<hbm>> -> memref<1x64xf32, #tpu.memory_space<hbm>>
            %dma_wait3A_138 = tpu.memref_squeeze %dma_wait3A_137 : memref<1x64xf32, #tpu.memory_space<hbm>> -> memref<64xf32, #tpu.memory_space<hbm>>
            tpu.wait_dma2 semaphore(%run_scoped3A : memref<!tpu.dma_semaphore, #tpu.memory_space<semaphore_mem>>) src(%dma_wait3A_138 : memref<64xf32, #tpu.memory_space<hbm>>) dst(%dma_wait3A_135 : memref<64xf32, #tpu.memory_space<vmem>>)
            tpu.yield
          }) : () -> ()
          %dma_start3A = arith.constant 2 : i32
          %dma_start3A_97 = arith.constant 0 : i32
          %dma_start3A_98 = tpu.memref_slice %arg9[%and3A_96, %dma_start3A_97] : memref<16x64xf32, #tpu.memory_space<vmem>> -> memref<1x64xf32, #tpu.memory_space<vmem>>
          %dma_start3A_99 = tpu.memref_squeeze %dma_start3A_98 : memref<1x64xf32, #tpu.memory_space<vmem>> -> memref<64xf32, #tpu.memory_space<vmem>>
          %dma_start3A_100 = arith.constant 0 : i32
          %dma_start3A_101 = tpu.memref_slice %arg5[%and3A_90, %dma_start3A_100] : memref<16384x64xf32, #tpu.memory_space<hbm>> -> memref<1x64xf32, #tpu.memory_space<hbm>>
          %dma_start3A_102 = tpu.memref_squeeze %dma_start3A_101 : memref<1x64xf32, #tpu.memory_space<hbm>> -> memref<64xf32, #tpu.memory_space<hbm>>
          %dma_start3A_103 = tpu.memref_slice %arg10[%dma_start3A] : memref<3x!tpu.dma_semaphore, #tpu.memory_space<semaphore_mem>> -> memref<1x!tpu.dma_semaphore, #tpu.memory_space<semaphore_mem>>
          %dma_start3A_104 = tpu.memref_squeeze %dma_start3A_103 : memref<1x!tpu.dma_semaphore, #tpu.memory_space<semaphore_mem>> -> memref<!tpu.dma_semaphore, #tpu.memory_space<semaphore_mem>>
          %dma_start3A_105 = arith.constant 0 : i32
          %dma_start3A_106 = tpu.memref_slice %arg5[%and3A_90, %dma_start3A_105] : memref<16384x64xf32, #tpu.memory_space<hbm>> -> memref<1x64xf32, #tpu.memory_space<hbm>>
          %dma_start3A_107 = tpu.memref_squeeze %dma_start3A_106 : memref<1x64xf32, #tpu.memory_space<hbm>> -> memref<64xf32, #tpu.memory_space<hbm>>
          %dma_start3A_108 = arith.constant 0 : i32
          %dma_start3A_109 = tpu.memref_slice %arg9[%and3A_96, %dma_start3A_108] : memref<16x64xf32, #tpu.memory_space<vmem>> -> memref<1x64xf32, #tpu.memory_space<vmem>>
          %dma_start3A_110 = tpu.memref_squeeze %dma_start3A_109 : memref<1x64xf32, #tpu.memory_space<vmem>> -> memref<64xf32, #tpu.memory_space<vmem>>
          tpu.enqueue_dma source(%dma_start3A_110 : memref<64xf32, #tpu.memory_space<vmem>>) target(%dma_start3A_107 : memref<64xf32, #tpu.memory_space<hbm>>) target_semaphore(%dma_start3A_104 : memref<!tpu.dma_semaphore, #tpu.memory_space<semaphore_mem>>)
          %add3A_111 = arith.constant 1 : i32
          %add3A_112 = arith.addi %while3A_79, %add3A_111 : i32
          %ne3A_113 = vector.broadcast %squeeze3A : i32 to vector<16xi32>
          %ne3A_114 = arith.cmpi ne, %iota3A, %ne3A_113 : vector<16xi32>
          %and3A_115 = arith.andi %while3A_78, %ne3A_114 : vector<16xi1>
          scf.yield %and3A_115, %add3A_112 : vector<16xi1>, i32
        }
        scf.yield %while3A_77#1 : i32
      }
      %min3A = arith.constant 16 : i32
      %min3A_48 = arith.minsi %while3A_47, %min3A : i32
      %while3A_49 = arith.constant 0 : i32
      %while3A_50 = arith.constant 0 : i32
      %while3A_51 = arith.subi %min3A_48, %while3A_49 : i32
      %while3A_52 = arith.addi %while3A_49, %while3A_51 : i32
      %while3A_53 = arith.constant 1 : i32
      %while3A_54 = arith.divsi %while3A_51, %while3A_53 : i32
      %while3A_55 = arith.muli %while3A_54, %while3A_53 : i32
      %while3A_56 = arith.addi %while3A_49, %while3A_55 : i32
      %while3A_57 = arith.constant 1 : i32
      %while3A_58 = scf.for %while3A_61 = %while3A_49 to %while3A_56 step %while3A_57 iter_args(%while3A_62 = %while3A_50) -> (i32)  : i32 {
        %dma_wait3A = arith.constant 0 : i32
        %dma_wait3A_63 = arith.constant 0 : i32
        %dma_wait3A_64 = arith.constant 2 : i32
        %dma_wait3A_65 = arith.constant 0 : i32
        %dma_wait3A_66 = tpu.memref_slice %arg9[%dma_wait3A_63, %dma_wait3A_65] : memref<16x64xf32, #tpu.memory_space<vmem>> -> memref<1x64xf32, #tpu.memory_space<vmem>>
        %dma_wait3A_67 = tpu.memref_squeeze %dma_wait3A_66 : memref<1x64xf32, #tpu.memory_space<vmem>> -> memref<64xf32, #tpu.memory_space<vmem>>
        %dma_wait3A_68 = arith.constant 0 : i32
        %dma_wait3A_69 = tpu.memref_slice %arg5[%dma_wait3A, %dma_wait3A_68] : memref<16384x64xf32, #tpu.memory_space<hbm>> -> memref<1x64xf32, #tpu.memory_space<hbm>>
        %dma_wait3A_70 = tpu.memref_squeeze %dma_wait3A_69 : memref<1x64xf32, #tpu.memory_space<hbm>> -> memref<64xf32, #tpu.memory_space<hbm>>
        %dma_wait3A_71 = tpu.memref_slice %arg10[%dma_wait3A_64] : memref<3x!tpu.dma_semaphore, #tpu.memory_space<semaphore_mem>> -> memref<1x!tpu.dma_semaphore, #tpu.memory_space<semaphore_mem>>
        %dma_wait3A_72 = tpu.memref_squeeze %dma_wait3A_71 : memref<1x!tpu.dma_semaphore, #tpu.memory_space<semaphore_mem>> -> memref<!tpu.dma_semaphore, #tpu.memory_space<semaphore_mem>>
        %dma_wait3A_73 = arith.constant 0 : i32
        %dma_wait3A_74 = tpu.memref_slice %arg9[%dma_wait3A_63, %dma_wait3A_73] : memref<16x64xf32, #tpu.memory_space<vmem>> -> memref<1x64xf32, #tpu.memory_space<vmem>>
        %dma_wait3A_75 = tpu.memref_squeeze %dma_wait3A_74 : memref<1x64xf32, #tpu.memory_space<vmem>> -> memref<64xf32, #tpu.memory_space<vmem>>
        %dma_wait3A_76 = arith.constant 0 : i32
        %dma_wait3A_77 = tpu.memref_slice %arg5[%dma_wait3A, %dma_wait3A_76] : memref<16384x64xf32, #tpu.memory_space<hbm>> -> memref<1x64xf32, #tpu.memory_space<hbm>>
        %dma_wait3A_78 = tpu.memref_squeeze %dma_wait3A_77 : memref<1x64xf32, #tpu.memory_space<hbm>> -> memref<64xf32, #tpu.memory_space<hbm>>
        tpu.wait_dma2 semaphore(%dma_wait3A_72 : memref<!tpu.dma_semaphore, #tpu.memory_space<semaphore_mem>>) src(%dma_wait3A_78 : memref<64xf32, #tpu.memory_space<hbm>>) dst(%dma_wait3A_75 : memref<64xf32, #tpu.memory_space<vmem>>)
        %while3A_79 = arith.constant 0 : i32
        scf.yield %while3A_79 : i32
      }
      %while3A_59 = arith.constant 1 : i32
      %while3A_60 = scf.for %while3A_61 = %while3A_56 to %while3A_52 step %while3A_59 iter_args(%while3A_62 = %while3A_58) -> (i32)  : i32 {
        %dma_wait3A = arith.constant 0 : i32
        %dma_wait3A_63 = arith.constant 0 : i32
        %dma_wait3A_64 = arith.constant 2 : i32
        %dma_wait3A_65 = arith.constant 0 : i32
        %dma_wait3A_66 = tpu.memref_slice %arg9[%dma_wait3A_63, %dma_wait3A_65] : memref<16x64xf32, #tpu.memory_space<vmem>> -> memref<1x64xf32, #tpu.memory_space<vmem>>
        %dma_wait3A_67 = tpu.memref_squeeze %dma_wait3A_66 : memref<1x64xf32, #tpu.memory_space<vmem>> -> memref<64xf32, #tpu.memory_space<vmem>>
        %dma_wait3A_68 = arith.constant 0 : i32
        %dma_wait3A_69 = tpu.memref_slice %arg5[%dma_wait3A, %dma_wait3A_68] : memref<16384x64xf32, #tpu.memory_space<hbm>> -> memref<1x64xf32, #tpu.memory_space<hbm>>
        %dma_wait3A_70 = tpu.memref_squeeze %dma_wait3A_69 : memref<1x64xf32, #tpu.memory_space<hbm>> -> memref<64xf32, #tpu.memory_space<hbm>>
        %dma_wait3A_71 = tpu.memref_slice %arg10[%dma_wait3A_64] : memref<3x!tpu.dma_semaphore, #tpu.memory_space<semaphore_mem>> -> memref<1x!tpu.dma_semaphore, #tpu.memory_space<semaphore_mem>>
        %dma_wait3A_72 = tpu.memref_squeeze %dma_wait3A_71 : memref<1x!tpu.dma_semaphore, #tpu.memory_space<semaphore_mem>> -> memref<!tpu.dma_semaphore, #tpu.memory_space<semaphore_mem>>
        %dma_wait3A_73 = arith.constant 0 : i32
        %dma_wait3A_74 = tpu.memref_slice %arg9[%dma_wait3A_63, %dma_wait3A_73] : memref<16x64xf32, #tpu.memory_space<vmem>> -> memref<1x64xf32, #tpu.memory_space<vmem>>
        %dma_wait3A_75 = tpu.memref_squeeze %dma_wait3A_74 : memref<1x64xf32, #tpu.memory_space<vmem>> -> memref<64xf32, #tpu.memory_space<vmem>>
        %dma_wait3A_76 = arith.constant 0 : i32
        %dma_wait3A_77 = tpu.memref_slice %arg5[%dma_wait3A, %dma_wait3A_76] : memref<16384x64xf32, #tpu.memory_space<hbm>> -> memref<1x64xf32, #tpu.memory_space<hbm>>
        %dma_wait3A_78 = tpu.memref_squeeze %dma_wait3A_77 : memref<1x64xf32, #tpu.memory_space<hbm>> -> memref<64xf32, #tpu.memory_space<hbm>>
        tpu.wait_dma2 semaphore(%dma_wait3A_72 : memref<!tpu.dma_semaphore, #tpu.memory_space<semaphore_mem>>) src(%dma_wait3A_78 : memref<64xf32, #tpu.memory_space<hbm>>) dst(%dma_wait3A_75 : memref<64xf32, #tpu.memory_space<vmem>>)
        %while3A_79 = arith.constant 0 : i32
        scf.yield %while3A_79 : i32
      }
    } else {
    }
    %ne3A = arith.constant 1 : i32
    %ne3A_33 = arith.cmpi ne, %add3A, %ne3A : i32
    %convert_element_type3A_34 = arith.extui %ne3A_33 : i1 to i32
    %cond3A_35 = arith.constant 0 : i32
    %cond3A_36 = arith.cmpi ne, %convert_element_type3A_34, %cond3A_35 : i32
    scf.if %cond3A_36 {
      %min3A = arith.constant 16 : i32
      %min3A_37 = arith.minsi %scan3A_27, %min3A : i32
      %while3A = arith.constant 0 : i32
      %while3A_38 = arith.constant 0 : i32
      %while3A_39 = arith.subi %min3A_37, %while3A : i32
      %while3A_40 = arith.addi %while3A, %while3A_39 : i32
      %while3A_41 = arith.constant 1 : i32
      %while3A_42 = arith.divsi %while3A_39, %while3A_41 : i32
      %while3A_43 = arith.muli %while3A_42, %while3A_41 : i32
      %while3A_44 = arith.addi %while3A, %while3A_43 : i32
      %while3A_45 = arith.constant 1 : i32
      %while3A_46 = scf.for %while3A_49 = %while3A to %while3A_44 step %while3A_45 iter_args(%while3A_50 = %while3A_38) -> (i32)  : i32 {
        %dma_wait3A = arith.constant 0 : i32
        %dma_wait3A_51 = arith.constant 0 : i32
        %dma_wait3A_52 = arith.constant 2 : i32
        %dma_wait3A_53 = arith.constant 0 : i32
        %dma_wait3A_54 = tpu.memref_slice %arg9[%dma_wait3A_51, %dma_wait3A_53] : memref<16x64xf32, #tpu.memory_space<vmem>> -> memref<1x64xf32, #tpu.memory_space<vmem>>
        %dma_wait3A_55 = tpu.memref_squeeze %dma_wait3A_54 : memref<1x64xf32, #tpu.memory_space<vmem>> -> memref<64xf32, #tpu.memory_space<vmem>>
        %dma_wait3A_56 = arith.constant 0 : i32
        %dma_wait3A_57 = tpu.memref_slice %arg5[%dma_wait3A, %dma_wait3A_56] : memref<16384x64xf32, #tpu.memory_space<hbm>> -> memref<1x64xf32, #tpu.memory_space<hbm>>
        %dma_wait3A_58 = tpu.memref_squeeze %dma_wait3A_57 : memref<1x64xf32, #tpu.memory_space<hbm>> -> memref<64xf32, #tpu.memory_space<hbm>>
        %dma_wait3A_59 = tpu.memref_slice %arg10[%dma_wait3A_52] : memref<3x!tpu.dma_semaphore, #tpu.memory_space<semaphore_mem>> -> memref<1x!tpu.dma_semaphore, #tpu.memory_space<semaphore_mem>>
        %dma_wait3A_60 = tpu.memref_squeeze %dma_wait3A_59 : memref<1x!tpu.dma_semaphore, #tpu.memory_space<semaphore_mem>> -> memref<!tpu.dma_semaphore, #tpu.memory_space<semaphore_mem>>
        %dma_wait3A_61 = arith.constant 0 : i32
        %dma_wait3A_62 = tpu.memref_slice %arg9[%dma_wait3A_51, %dma_wait3A_61] : memref<16x64xf32, #tpu.memory_space<vmem>> -> memref<1x64xf32, #tpu.memory_space<vmem>>
        %dma_wait3A_63 = tpu.memref_squeeze %dma_wait3A_62 : memref<1x64xf32, #tpu.memory_space<vmem>> -> memref<64xf32, #tpu.memory_space<vmem>>
        %dma_wait3A_64 = arith.constant 0 : i32
        %dma_wait3A_65 = tpu.memref_slice %arg5[%dma_wait3A, %dma_wait3A_64] : memref<16384x64xf32, #tpu.memory_space<hbm>> -> memref<1x64xf32, #tpu.memory_space<hbm>>
        %dma_wait3A_66 = tpu.memref_squeeze %dma_wait3A_65 : memref<1x64xf32, #tpu.memory_space<hbm>> -> memref<64xf32, #tpu.memory_space<hbm>>
        tpu.wait_dma2 semaphore(%dma_wait3A_60 : memref<!tpu.dma_semaphore, #tpu.memory_space<semaphore_mem>>) src(%dma_wait3A_66 : memref<64xf32, #tpu.memory_space<hbm>>) dst(%dma_wait3A_63 : memref<64xf32, #tpu.memory_space<vmem>>)
        %while3A_67 = arith.constant 0 : i32
        scf.yield %while3A_67 : i32
      }
      %while3A_47 = arith.constant 1 : i32
      %while3A_48 = scf.for %while3A_49 = %while3A_44 to %while3A_40 step %while3A_47 iter_args(%while3A_50 = %while3A_46) -> (i32)  : i32 {
        %dma_wait3A = arith.constant 0 : i32
        %dma_wait3A_51 = arith.constant 0 : i32
        %dma_wait3A_52 = arith.constant 2 : i32
        %dma_wait3A_53 = arith.constant 0 : i32
        %dma_wait3A_54 = tpu.memref_slice %arg9[%dma_wait3A_51, %dma_wait3A_53] : memref<16x64xf32, #tpu.memory_space<vmem>> -> memref<1x64xf32, #tpu.memory_space<vmem>>
        %dma_wait3A_55 = tpu.memref_squeeze %dma_wait3A_54 : memref<1x64xf32, #tpu.memory_space<vmem>> -> memref<64xf32, #tpu.memory_space<vmem>>
        %dma_wait3A_56 = arith.constant 0 : i32
        %dma_wait3A_57 = tpu.memref_slice %arg5[%dma_wait3A, %dma_wait3A_56] : memref<16384x64xf32, #tpu.memory_space<hbm>> -> memref<1x64xf32, #tpu.memory_space<hbm>>
        %dma_wait3A_58 = tpu.memref_squeeze %dma_wait3A_57 : memref<1x64xf32, #tpu.memory_space<hbm>> -> memref<64xf32, #tpu.memory_space<hbm>>
        %dma_wait3A_59 = tpu.memref_slice %arg10[%dma_wait3A_52] : memref<3x!tpu.dma_semaphore, #tpu.memory_space<semaphore_mem>> -> memref<1x!tpu.dma_semaphore, #tpu.memory_space<semaphore_mem>>
        %dma_wait3A_60 = tpu.memref_squeeze %dma_wait3A_59 : memref<1x!tpu.dma_semaphore, #tpu.memory_space<semaphore_mem>> -> memref<!tpu.dma_semaphore, #tpu.memory_space<semaphore_mem>>
        %dma_wait3A_61 = arith.constant 0 : i32
        %dma_wait3A_62 = tpu.memref_slice %arg9[%dma_wait3A_51, %dma_wait3A_61] : memref<16x64xf32, #tpu.memory_space<vmem>> -> memref<1x64xf32, #tpu.memory_space<vmem>>
        %dma_wait3A_63 = tpu.memref_squeeze %dma_wait3A_62 : memref<1x64xf32, #tpu.memory_space<vmem>> -> memref<64xf32, #tpu.memory_space<vmem>>
        %dma_wait3A_64 = arith.constant 0 : i32
        %dma_wait3A_65 = tpu.memref_slice %arg5[%dma_wait3A, %dma_wait3A_64] : memref<16384x64xf32, #tpu.memory_space<hbm>> -> memref<1x64xf32, #tpu.memory_space<hbm>>
        %dma_wait3A_66 = tpu.memref_squeeze %dma_wait3A_65 : memref<1x64xf32, #tpu.memory_space<hbm>> -> memref<64xf32, #tpu.memory_space<hbm>>
        tpu.wait_dma2 semaphore(%dma_wait3A_60 : memref<!tpu.dma_semaphore, #tpu.memory_space<semaphore_mem>>) src(%dma_wait3A_66 : memref<64xf32, #tpu.memory_space<hbm>>) dst(%dma_wait3A_63 : memref<64xf32, #tpu.memory_space<vmem>>)
        %while3A_67 = arith.constant 0 : i32
        scf.yield %while3A_67 : i32
      }
    } else {
    }
    return
  }
}

#map = affine_map<(d0, d1) -> (0, 0)>
#map1 = affine_map<(d0, d1) -> (0)>
module attributes {stable_mosaic.version = 14 : i64} {
  func.func @_mse_body(%arg0: i32, %arg1: i32, %arg2: memref<16384x64xf32, #tpu.memory_space<hbm>>, %arg3: memref<16384x64xf32, #tpu.memory_space<hbm>>, %arg4: memref<512xf32, #tpu.memory_space<hbm>>, %arg5: memref<2x128x64xf32, #tpu.memory_space<vmem>>, %arg6: memref<2x128x64xf32, #tpu.memory_space<vmem>>, %arg7: memref<16xf32, #tpu.memory_space<vmem>>, %arg8: memref<4x!tpu.dma_semaphore, #tpu.memory_space<semaphore_mem>>) attributes {dimension_semantics = [#tpu.dimension_semantics<core_parallel>, #tpu.dimension_semantics<subcore_parallel>], iteration_bounds = array<i64: 2, 16>, scalar_prefetch = 0 : i64, scratch_operands = 4 : i64, tpu.core_type = #tpu.core_type<sc_vector_subcore>, window_params = [{transform_indices = #map}, {transform_indices = #map}, {transform_indices = #map1}]} {
    %mul3A = arith.constant 2 : i32
    %mul3A_0 = arith.muli %arg1, %mul3A : i32
    %add3A = arith.addi %mul3A_0, %arg0 : i32
    %mul3A_1 = arith.constant 512 : i32
    %mul3A_2 = arith.muli %add3A, %mul3A_1 : i32
    %add3A_3 = arith.constant 0 : i32
    %add3A_4 = arith.addi %mul3A_2, %add3A_3 : i32
    %dma_start3A = arith.constant 0 : i32
    %dma_start3A_5 = arith.constant 0 : i32
    %dma_start3A_6 = arith.constant 0 : i32
    %dma_start3A_7 = arith.constant 0 : i32
    %dma_start3A_8 = tpu.memref_slice %arg5[%dma_start3A, %dma_start3A_6, %dma_start3A_7] : memref<2x128x64xf32, #tpu.memory_space<vmem>> -> memref<1x128x64xf32, #tpu.memory_space<vmem>>
    %dma_start3A_9 = tpu.memref_squeeze %dma_start3A_8 : memref<1x128x64xf32, #tpu.memory_space<vmem>> -> memref<128x64xf32, #tpu.memory_space<vmem>>
    %dma_start3A_10 = arith.constant 0 : i32
    %dma_start3A_11 = tpu.memref_slice %arg2[%add3A_4, %dma_start3A_10] : memref<16384x64xf32, #tpu.memory_space<hbm>> -> memref<128x64xf32, #tpu.memory_space<hbm>>
    %dma_start3A_12 = tpu.memref_slice %arg8[%dma_start3A_5] : memref<4x!tpu.dma_semaphore, #tpu.memory_space<semaphore_mem>> -> memref<1x!tpu.dma_semaphore, #tpu.memory_space<semaphore_mem>>
    %dma_start3A_13 = tpu.memref_squeeze %dma_start3A_12 : memref<1x!tpu.dma_semaphore, #tpu.memory_space<semaphore_mem>> -> memref<!tpu.dma_semaphore, #tpu.memory_space<semaphore_mem>>
    %dma_start3A_14 = arith.constant 0 : i32
    %dma_start3A_15 = arith.constant 0 : i32
    %dma_start3A_16 = tpu.memref_slice %arg5[%dma_start3A, %dma_start3A_14, %dma_start3A_15] : memref<2x128x64xf32, #tpu.memory_space<vmem>> -> memref<1x128x64xf32, #tpu.memory_space<vmem>>
    %dma_start3A_17 = tpu.memref_squeeze %dma_start3A_16 : memref<1x128x64xf32, #tpu.memory_space<vmem>> -> memref<128x64xf32, #tpu.memory_space<vmem>>
    %dma_start3A_18 = arith.constant 0 : i32
    %dma_start3A_19 = tpu.memref_slice %arg2[%add3A_4, %dma_start3A_18] : memref<16384x64xf32, #tpu.memory_space<hbm>> -> memref<128x64xf32, #tpu.memory_space<hbm>>
    tpu.enqueue_dma source(%dma_start3A_19 : memref<128x64xf32, #tpu.memory_space<hbm>>) target(%dma_start3A_17 : memref<128x64xf32, #tpu.memory_space<vmem>>) target_semaphore(%dma_start3A_13 : memref<!tpu.dma_semaphore, #tpu.memory_space<semaphore_mem>>)
    %add3A_20 = arith.constant 0 : i32
    %add3A_21 = arith.addi %mul3A_2, %add3A_20 : i32
    %dma_start3A_22 = arith.constant 0 : i32
    %dma_start3A_23 = arith.constant 1 : i32
    %dma_start3A_24 = arith.constant 0 : i32
    %dma_start3A_25 = arith.constant 0 : i32
    %dma_start3A_26 = tpu.memref_slice %arg6[%dma_start3A_22, %dma_start3A_24, %dma_start3A_25] : memref<2x128x64xf32, #tpu.memory_space<vmem>> -> memref<1x128x64xf32, #tpu.memory_space<vmem>>
    %dma_start3A_27 = tpu.memref_squeeze %dma_start3A_26 : memref<1x128x64xf32, #tpu.memory_space<vmem>> -> memref<128x64xf32, #tpu.memory_space<vmem>>
    %dma_start3A_28 = arith.constant 0 : i32
    %dma_start3A_29 = tpu.memref_slice %arg3[%add3A_21, %dma_start3A_28] : memref<16384x64xf32, #tpu.memory_space<hbm>> -> memref<128x64xf32, #tpu.memory_space<hbm>>
    %dma_start3A_30 = tpu.memref_slice %arg8[%dma_start3A_23] : memref<4x!tpu.dma_semaphore, #tpu.memory_space<semaphore_mem>> -> memref<1x!tpu.dma_semaphore, #tpu.memory_space<semaphore_mem>>
    %dma_start3A_31 = tpu.memref_squeeze %dma_start3A_30 : memref<1x!tpu.dma_semaphore, #tpu.memory_space<semaphore_mem>> -> memref<!tpu.dma_semaphore, #tpu.memory_space<semaphore_mem>>
    %dma_start3A_32 = arith.constant 0 : i32
    %dma_start3A_33 = arith.constant 0 : i32
    %dma_start3A_34 = tpu.memref_slice %arg6[%dma_start3A_22, %dma_start3A_32, %dma_start3A_33] : memref<2x128x64xf32, #tpu.memory_space<vmem>> -> memref<1x128x64xf32, #tpu.memory_space<vmem>>
    %dma_start3A_35 = tpu.memref_squeeze %dma_start3A_34 : memref<1x128x64xf32, #tpu.memory_space<vmem>> -> memref<128x64xf32, #tpu.memory_space<vmem>>
    %dma_start3A_36 = arith.constant 0 : i32
    %dma_start3A_37 = tpu.memref_slice %arg3[%add3A_21, %dma_start3A_36] : memref<16384x64xf32, #tpu.memory_space<hbm>> -> memref<128x64xf32, #tpu.memory_space<hbm>>
    tpu.enqueue_dma source(%dma_start3A_37 : memref<128x64xf32, #tpu.memory_space<hbm>>) target(%dma_start3A_35 : memref<128x64xf32, #tpu.memory_space<vmem>>) target_semaphore(%dma_start3A_31 : memref<!tpu.dma_semaphore, #tpu.memory_space<semaphore_mem>>)
    %add3A_38 = arith.constant 128 : i32
    %add3A_39 = arith.addi %mul3A_2, %add3A_38 : i32
    %dma_start3A_40 = arith.constant 1 : i32
    %dma_start3A_41 = arith.constant 2 : i32
    %dma_start3A_42 = arith.constant 0 : i32
    %dma_start3A_43 = arith.constant 0 : i32
    %dma_start3A_44 = tpu.memref_slice %arg5[%dma_start3A_40, %dma_start3A_42, %dma_start3A_43] : memref<2x128x64xf32, #tpu.memory_space<vmem>> -> memref<1x128x64xf32, #tpu.memory_space<vmem>>
    %dma_start3A_45 = tpu.memref_squeeze %dma_start3A_44 : memref<1x128x64xf32, #tpu.memory_space<vmem>> -> memref<128x64xf32, #tpu.memory_space<vmem>>
    %dma_start3A_46 = arith.constant 0 : i32
    %dma_start3A_47 = tpu.memref_slice %arg2[%add3A_39, %dma_start3A_46] : memref<16384x64xf32, #tpu.memory_space<hbm>> -> memref<128x64xf32, #tpu.memory_space<hbm>>
    %dma_start3A_48 = tpu.memref_slice %arg8[%dma_start3A_41] : memref<4x!tpu.dma_semaphore, #tpu.memory_space<semaphore_mem>> -> memref<1x!tpu.dma_semaphore, #tpu.memory_space<semaphore_mem>>
    %dma_start3A_49 = tpu.memref_squeeze %dma_start3A_48 : memref<1x!tpu.dma_semaphore, #tpu.memory_space<semaphore_mem>> -> memref<!tpu.dma_semaphore, #tpu.memory_space<semaphore_mem>>
    %dma_start3A_50 = arith.constant 0 : i32
    %dma_start3A_51 = arith.constant 0 : i32
    %dma_start3A_52 = tpu.memref_slice %arg5[%dma_start3A_40, %dma_start3A_50, %dma_start3A_51] : memref<2x128x64xf32, #tpu.memory_space<vmem>> -> memref<1x128x64xf32, #tpu.memory_space<vmem>>
    %dma_start3A_53 = tpu.memref_squeeze %dma_start3A_52 : memref<1x128x64xf32, #tpu.memory_space<vmem>> -> memref<128x64xf32, #tpu.memory_space<vmem>>
    %dma_start3A_54 = arith.constant 0 : i32
    %dma_start3A_55 = tpu.memref_slice %arg2[%add3A_39, %dma_start3A_54] : memref<16384x64xf32, #tpu.memory_space<hbm>> -> memref<128x64xf32, #tpu.memory_space<hbm>>
    tpu.enqueue_dma source(%dma_start3A_55 : memref<128x64xf32, #tpu.memory_space<hbm>>) target(%dma_start3A_53 : memref<128x64xf32, #tpu.memory_space<vmem>>) target_semaphore(%dma_start3A_49 : memref<!tpu.dma_semaphore, #tpu.memory_space<semaphore_mem>>)
    %add3A_56 = arith.constant 128 : i32
    %add3A_57 = arith.addi %mul3A_2, %add3A_56 : i32
    %dma_start3A_58 = arith.constant 1 : i32
    %dma_start3A_59 = arith.constant 3 : i32
    %dma_start3A_60 = arith.constant 0 : i32
    %dma_start3A_61 = arith.constant 0 : i32
    %dma_start3A_62 = tpu.memref_slice %arg6[%dma_start3A_58, %dma_start3A_60, %dma_start3A_61] : memref<2x128x64xf32, #tpu.memory_space<vmem>> -> memref<1x128x64xf32, #tpu.memory_space<vmem>>
    %dma_start3A_63 = tpu.memref_squeeze %dma_start3A_62 : memref<1x128x64xf32, #tpu.memory_space<vmem>> -> memref<128x64xf32, #tpu.memory_space<vmem>>
    %dma_start3A_64 = arith.constant 0 : i32
    %dma_start3A_65 = tpu.memref_slice %arg3[%add3A_57, %dma_start3A_64] : memref<16384x64xf32, #tpu.memory_space<hbm>> -> memref<128x64xf32, #tpu.memory_space<hbm>>
    %dma_start3A_66 = tpu.memref_slice %arg8[%dma_start3A_59] : memref<4x!tpu.dma_semaphore, #tpu.memory_space<semaphore_mem>> -> memref<1x!tpu.dma_semaphore, #tpu.memory_space<semaphore_mem>>
    %dma_start3A_67 = tpu.memref_squeeze %dma_start3A_66 : memref<1x!tpu.dma_semaphore, #tpu.memory_space<semaphore_mem>> -> memref<!tpu.dma_semaphore, #tpu.memory_space<semaphore_mem>>
    %dma_start3A_68 = arith.constant 0 : i32
    %dma_start3A_69 = arith.constant 0 : i32
    %dma_start3A_70 = tpu.memref_slice %arg6[%dma_start3A_58, %dma_start3A_68, %dma_start3A_69] : memref<2x128x64xf32, #tpu.memory_space<vmem>> -> memref<1x128x64xf32, #tpu.memory_space<vmem>>
    %dma_start3A_71 = tpu.memref_squeeze %dma_start3A_70 : memref<1x128x64xf32, #tpu.memory_space<vmem>> -> memref<128x64xf32, #tpu.memory_space<vmem>>
    %dma_start3A_72 = arith.constant 0 : i32
    %dma_start3A_73 = tpu.memref_slice %arg3[%add3A_57, %dma_start3A_72] : memref<16384x64xf32, #tpu.memory_space<hbm>> -> memref<128x64xf32, #tpu.memory_space<hbm>>
    tpu.enqueue_dma source(%dma_start3A_73 : memref<128x64xf32, #tpu.memory_space<hbm>>) target(%dma_start3A_71 : memref<128x64xf32, #tpu.memory_space<vmem>>) target_semaphore(%dma_start3A_67 : memref<!tpu.dma_semaphore, #tpu.memory_space<semaphore_mem>>)
    %broadcast_in_dim3A = arith.constant 0.000000e+00 : f32
    %broadcast_in_dim3A_74 = vector.broadcast %broadcast_in_dim3A : f32 to vector<16xf32>
    %dma_wait3A = arith.constant 0 : i32
    %dma_wait3A_75 = arith.constant 0 : i32
    %dma_wait3A_76 = arith.constant 0 : i32
    %dma_wait3A_77 = arith.constant 0 : i32
    %dma_wait3A_78 = tpu.memref_slice %arg5[%dma_wait3A, %dma_wait3A_76, %dma_wait3A_77] : memref<2x128x64xf32, #tpu.memory_space<vmem>> -> memref<1x128x64xf32, #tpu.memory_space<vmem>>
    %dma_wait3A_79 = tpu.memref_squeeze %dma_wait3A_78 : memref<1x128x64xf32, #tpu.memory_space<vmem>> -> memref<128x64xf32, #tpu.memory_space<vmem>>
    %dma_wait3A_80 = arith.constant 0 : i32
    %dma_wait3A_81 = arith.constant 0 : i32
    %dma_wait3A_82 = tpu.memref_slice %arg2[%dma_wait3A_80, %dma_wait3A_81] : memref<16384x64xf32, #tpu.memory_space<hbm>> -> memref<128x64xf32, #tpu.memory_space<hbm>>
    %dma_wait3A_83 = tpu.memref_slice %arg8[%dma_wait3A_75] : memref<4x!tpu.dma_semaphore, #tpu.memory_space<semaphore_mem>> -> memref<1x!tpu.dma_semaphore, #tpu.memory_space<semaphore_mem>>
    %dma_wait3A_84 = tpu.memref_squeeze %dma_wait3A_83 : memref<1x!tpu.dma_semaphore, #tpu.memory_space<semaphore_mem>> -> memref<!tpu.dma_semaphore, #tpu.memory_space<semaphore_mem>>
    %dma_wait3A_85 = arith.constant 0 : i32
    %dma_wait3A_86 = arith.constant 0 : i32
    %dma_wait3A_87 = tpu.memref_slice %arg5[%dma_wait3A, %dma_wait3A_85, %dma_wait3A_86] : memref<2x128x64xf32, #tpu.memory_space<vmem>> -> memref<1x128x64xf32, #tpu.memory_space<vmem>>
    %dma_wait3A_88 = tpu.memref_squeeze %dma_wait3A_87 : memref<1x128x64xf32, #tpu.memory_space<vmem>> -> memref<128x64xf32, #tpu.memory_space<vmem>>
    %dma_wait3A_89 = arith.constant 0 : i32
    %dma_wait3A_90 = arith.constant 0 : i32
    %dma_wait3A_91 = tpu.memref_slice %arg2[%dma_wait3A_89, %dma_wait3A_90] : memref<16384x64xf32, #tpu.memory_space<hbm>> -> memref<128x64xf32, #tpu.memory_space<hbm>>
    tpu.wait_dma2 semaphore(%dma_wait3A_84 : memref<!tpu.dma_semaphore, #tpu.memory_space<semaphore_mem>>) src(%dma_wait3A_91 : memref<128x64xf32, #tpu.memory_space<hbm>>) dst(%dma_wait3A_88 : memref<128x64xf32, #tpu.memory_space<vmem>>)
    %dma_wait3A_92 = arith.constant 0 : i32
    %dma_wait3A_93 = arith.constant 1 : i32
    %dma_wait3A_94 = arith.constant 0 : i32
    %dma_wait3A_95 = arith.constant 0 : i32
    %dma_wait3A_96 = tpu.memref_slice %arg6[%dma_wait3A_92, %dma_wait3A_94, %dma_wait3A_95] : memref<2x128x64xf32, #tpu.memory_space<vmem>> -> memref<1x128x64xf32, #tpu.memory_space<vmem>>
    %dma_wait3A_97 = tpu.memref_squeeze %dma_wait3A_96 : memref<1x128x64xf32, #tpu.memory_space<vmem>> -> memref<128x64xf32, #tpu.memory_space<vmem>>
    %dma_wait3A_98 = arith.constant 0 : i32
    %dma_wait3A_99 = arith.constant 0 : i32
    %dma_wait3A_100 = tpu.memref_slice %arg3[%dma_wait3A_98, %dma_wait3A_99] : memref<16384x64xf32, #tpu.memory_space<hbm>> -> memref<128x64xf32, #tpu.memory_space<hbm>>
    %dma_wait3A_101 = tpu.memref_slice %arg8[%dma_wait3A_93] : memref<4x!tpu.dma_semaphore, #tpu.memory_space<semaphore_mem>> -> memref<1x!tpu.dma_semaphore, #tpu.memory_space<semaphore_mem>>
    %dma_wait3A_102 = tpu.memref_squeeze %dma_wait3A_101 : memref<1x!tpu.dma_semaphore, #tpu.memory_space<semaphore_mem>> -> memref<!tpu.dma_semaphore, #tpu.memory_space<semaphore_mem>>
    %dma_wait3A_103 = arith.constant 0 : i32
    %dma_wait3A_104 = arith.constant 0 : i32
    %dma_wait3A_105 = tpu.memref_slice %arg6[%dma_wait3A_92, %dma_wait3A_103, %dma_wait3A_104] : memref<2x128x64xf32, #tpu.memory_space<vmem>> -> memref<1x128x64xf32, #tpu.memory_space<vmem>>
    %dma_wait3A_106 = tpu.memref_squeeze %dma_wait3A_105 : memref<1x128x64xf32, #tpu.memory_space<vmem>> -> memref<128x64xf32, #tpu.memory_space<vmem>>
    %dma_wait3A_107 = arith.constant 0 : i32
    %dma_wait3A_108 = arith.constant 0 : i32
    %dma_wait3A_109 = tpu.memref_slice %arg3[%dma_wait3A_107, %dma_wait3A_108] : memref<16384x64xf32, #tpu.memory_space<hbm>> -> memref<128x64xf32, #tpu.memory_space<hbm>>
    tpu.wait_dma2 semaphore(%dma_wait3A_102 : memref<!tpu.dma_semaphore, #tpu.memory_space<semaphore_mem>>) src(%dma_wait3A_109 : memref<128x64xf32, #tpu.memory_space<hbm>>) dst(%dma_wait3A_106 : memref<128x64xf32, #tpu.memory_space<vmem>>)
    %scan3A = arith.constant 0 : i32
    %scan3A_110 = arith.constant 128 : i32
    %scan3A_111 = arith.addi %scan3A, %scan3A_110 : i32
    %scan3A_112 = arith.constant 1 : i32
    %scan3A_113 = scf.for %scan3A_318 = %scan3A to %scan3A_111 step %scan3A_112 iter_args(%scan3A_319 = %broadcast_in_dim3A_74) -> (vector<16xf32>)  : i32 {
      %get3A = arith.constant 0 : i32
      %get3A_320 = arith.index_cast %get3A : i32 to index
      %get3A_321 = arith.index_cast %scan3A_318 : i32 to index
      %get3A_322 = arith.constant 0 : index
      %get3A_323 = tpu.vector_load %arg6[%get3A_320, %get3A_321, %get3A_322] {strides = array<i32>} : memref<2x128x64xf32, #tpu.memory_space<vmem>>, vector<1x1x16xf32>,
      %get3A_324 = vector.shape_cast %get3A_323 : vector<1x1x16xf32> to vector<16xf32>
      %get3A_325 = arith.constant 0 : i32
      %get3A_326 = arith.index_cast %get3A_325 : i32 to index
      %get3A_327 = arith.index_cast %scan3A_318 : i32 to index
      %get3A_328 = arith.constant 0 : index
      %get3A_329 = tpu.vector_load %arg5[%get3A_326, %get3A_327, %get3A_328] {strides = array<i32>} : memref<2x128x64xf32, #tpu.memory_space<vmem>>, vector<1x1x16xf32>,
      %get3A_330 = vector.shape_cast %get3A_329 : vector<1x1x16xf32> to vector<16xf32>
      %sub3A = arith.subf %get3A_324, %get3A_330 : vector<16xf32>
      %mul3A_331 = arith.mulf %sub3A, %sub3A : vector<16xf32>
      %add3A_332 = arith.addf %scan3A_319, %mul3A_331 : vector<16xf32>
      %get3A_333 = arith.constant 0 : i32
      %get3A_334 = arith.index_cast %get3A_333 : i32 to index
      %get3A_335 = arith.index_cast %scan3A_318 : i32 to index
      %get3A_336 = arith.constant 16 : index
      %get3A_337 = tpu.vector_load %arg6[%get3A_334, %get3A_335, %get3A_336] {strides = array<i32>} : memref<2x128x64xf32, #tpu.memory_space<vmem>>, vector<1x1x16xf32>,
      %get3A_338 = vector.shape_cast %get3A_337 : vector<1x1x16xf32> to vector<16xf32>
      %get3A_339 = arith.constant 0 : i32
      %get3A_340 = arith.index_cast %get3A_339 : i32 to index
      %get3A_341 = arith.index_cast %scan3A_318 : i32 to index
      %get3A_342 = arith.constant 16 : index
      %get3A_343 = tpu.vector_load %arg5[%get3A_340, %get3A_341, %get3A_342] {strides = array<i32>} : memref<2x128x64xf32, #tpu.memory_space<vmem>>, vector<1x1x16xf32>,
      %get3A_344 = vector.shape_cast %get3A_343 : vector<1x1x16xf32> to vector<16xf32>
      %sub3A_345 = arith.subf %get3A_338, %get3A_344 : vector<16xf32>
      %mul3A_346 = arith.mulf %sub3A_345, %sub3A_345 : vector<16xf32>
      %add3A_347 = arith.addf %add3A_332, %mul3A_346 : vector<16xf32>
      %get3A_348 = arith.constant 0 : i32
      %get3A_349 = arith.index_cast %get3A_348 : i32 to index
      %get3A_350 = arith.index_cast %scan3A_318 : i32 to index
      %get3A_351 = arith.constant 32 : index
      %get3A_352 = tpu.vector_load %arg6[%get3A_349, %get3A_350, %get3A_351] {strides = array<i32>} : memref<2x128x64xf32, #tpu.memory_space<vmem>>, vector<1x1x16xf32>,
      %get3A_353 = vector.shape_cast %get3A_352 : vector<1x1x16xf32> to vector<16xf32>
      %get3A_354 = arith.constant 0 : i32
      %get3A_355 = arith.index_cast %get3A_354 : i32 to index
      %get3A_356 = arith.index_cast %scan3A_318 : i32 to index
      %get3A_357 = arith.constant 32 : index
      %get3A_358 = tpu.vector_load %arg5[%get3A_355, %get3A_356, %get3A_357] {strides = array<i32>} : memref<2x128x64xf32, #tpu.memory_space<vmem>>, vector<1x1x16xf32>,
      %get3A_359 = vector.shape_cast %get3A_358 : vector<1x1x16xf32> to vector<16xf32>
      %sub3A_360 = arith.subf %get3A_353, %get3A_359 : vector<16xf32>
      %mul3A_361 = arith.mulf %sub3A_360, %sub3A_360 : vector<16xf32>
      %add3A_362 = arith.addf %add3A_347, %mul3A_361 : vector<16xf32>
      %get3A_363 = arith.constant 0 : i32
      %get3A_364 = arith.index_cast %get3A_363 : i32 to index
      %get3A_365 = arith.index_cast %scan3A_318 : i32 to index
      %get3A_366 = arith.constant 48 : index
      %get3A_367 = tpu.vector_load %arg6[%get3A_364, %get3A_365, %get3A_366] {strides = array<i32>} : memref<2x128x64xf32, #tpu.memory_space<vmem>>, vector<1x1x16xf32>,
      %get3A_368 = vector.shape_cast %get3A_367 : vector<1x1x16xf32> to vector<16xf32>
      %get3A_369 = arith.constant 0 : i32
      %get3A_370 = arith.index_cast %get3A_369 : i32 to index
      %get3A_371 = arith.index_cast %scan3A_318 : i32 to index
      %get3A_372 = arith.constant 48 : index
      %get3A_373 = tpu.vector_load %arg5[%get3A_370, %get3A_371, %get3A_372] {strides = array<i32>} : memref<2x128x64xf32, #tpu.memory_space<vmem>>, vector<1x1x16xf32>,
      %get3A_374 = vector.shape_cast %get3A_373 : vector<1x1x16xf32> to vector<16xf32>
      %sub3A_375 = arith.subf %get3A_368, %get3A_374 : vector<16xf32>
      %mul3A_376 = arith.mulf %sub3A_375, %sub3A_375 : vector<16xf32>
      %add3A_377 = arith.addf %add3A_362, %mul3A_376 : vector<16xf32>
      scf.yield %add3A_377 : vector<16xf32>
    }
    %scan3A_114 = arith.constant 128 : i32
    %add3A_115 = arith.constant 256 : i32
    %add3A_116 = arith.addi %mul3A_2, %add3A_115 : i32
    %dma_start3A_117 = arith.constant 0 : i32
    %dma_start3A_118 = arith.constant 0 : i32
    %dma_start3A_119 = arith.constant 0 : i32
    %dma_start3A_120 = arith.constant 0 : i32
    %dma_start3A_121 = tpu.memref_slice %arg5[%dma_start3A_117, %dma_start3A_119, %dma_start3A_120] : memref<2x128x64xf32, #tpu.memory_space<vmem>> -> memref<1x128x64xf32, #tpu.memory_space<vmem>>
    %dma_start3A_122 = tpu.memref_squeeze %dma_start3A_121 : memref<1x128x64xf32, #tpu.memory_space<vmem>> -> memref<128x64xf32, #tpu.memory_space<vmem>>
    %dma_start3A_123 = arith.constant 0 : i32
    %dma_start3A_124 = tpu.memref_slice %arg2[%add3A_116, %dma_start3A_123] : memref<16384x64xf32, #tpu.memory_space<hbm>> -> memref<128x64xf32, #tpu.memory_space<hbm>>
    %dma_start3A_125 = tpu.memref_slice %arg8[%dma_start3A_118] : memref<4x!tpu.dma_semaphore, #tpu.memory_space<semaphore_mem>> -> memref<1x!tpu.dma_semaphore, #tpu.memory_space<semaphore_mem>>
    %dma_start3A_126 = tpu.memref_squeeze %dma_start3A_125 : memref<1x!tpu.dma_semaphore, #tpu.memory_space<semaphore_mem>> -> memref<!tpu.dma_semaphore, #tpu.memory_space<semaphore_mem>>
    %dma_start3A_127 = arith.constant 0 : i32
    %dma_start3A_128 = arith.constant 0 : i32
    %dma_start3A_129 = tpu.memref_slice %arg5[%dma_start3A_117, %dma_start3A_127, %dma_start3A_128] : memref<2x128x64xf32, #tpu.memory_space<vmem>> -> memref<1x128x64xf32, #tpu.memory_space<vmem>>
    %dma_start3A_130 = tpu.memref_squeeze %dma_start3A_129 : memref<1x128x64xf32, #tpu.memory_space<vmem>> -> memref<128x64xf32, #tpu.memory_space<vmem>>
    %dma_start3A_131 = arith.constant 0 : i32
    %dma_start3A_132 = tpu.memref_slice %arg2[%add3A_116, %dma_start3A_131] : memref<16384x64xf32, #tpu.memory_space<hbm>> -> memref<128x64xf32, #tpu.memory_space<hbm>>
    tpu.enqueue_dma source(%dma_start3A_132 : memref<128x64xf32, #tpu.memory_space<hbm>>) target(%dma_start3A_130 : memref<128x64xf32, #tpu.memory_space<vmem>>) target_semaphore(%dma_start3A_126 : memref<!tpu.dma_semaphore, #tpu.memory_space<semaphore_mem>>)
    %add3A_133 = arith.constant 256 : i32
    %add3A_134 = arith.addi %mul3A_2, %add3A_133 : i32
    %dma_start3A_135 = arith.constant 0 : i32
    %dma_start3A_136 = arith.constant 1 : i32
    %dma_start3A_137 = arith.constant 0 : i32
    %dma_start3A_138 = arith.constant 0 : i32
    %dma_start3A_139 = tpu.memref_slice %arg6[%dma_start3A_135, %dma_start3A_137, %dma_start3A_138] : memref<2x128x64xf32, #tpu.memory_space<vmem>> -> memref<1x128x64xf32, #tpu.memory_space<vmem>>
    %dma_start3A_140 = tpu.memref_squeeze %dma_start3A_139 : memref<1x128x64xf32, #tpu.memory_space<vmem>> -> memref<128x64xf32, #tpu.memory_space<vmem>>
    %dma_start3A_141 = arith.constant 0 : i32
    %dma_start3A_142 = tpu.memref_slice %arg3[%add3A_134, %dma_start3A_141] : memref<16384x64xf32, #tpu.memory_space<hbm>> -> memref<128x64xf32, #tpu.memory_space<hbm>>
    %dma_start3A_143 = tpu.memref_slice %arg8[%dma_start3A_136] : memref<4x!tpu.dma_semaphore, #tpu.memory_space<semaphore_mem>> -> memref<1x!tpu.dma_semaphore, #tpu.memory_space<semaphore_mem>>
    %dma_start3A_144 = tpu.memref_squeeze %dma_start3A_143 : memref<1x!tpu.dma_semaphore, #tpu.memory_space<semaphore_mem>> -> memref<!tpu.dma_semaphore, #tpu.memory_space<semaphore_mem>>
    %dma_start3A_145 = arith.constant 0 : i32
    %dma_start3A_146 = arith.constant 0 : i32
    %dma_start3A_147 = tpu.memref_slice %arg6[%dma_start3A_135, %dma_start3A_145, %dma_start3A_146] : memref<2x128x64xf32, #tpu.memory_space<vmem>> -> memref<1x128x64xf32, #tpu.memory_space<vmem>>
    %dma_start3A_148 = tpu.memref_squeeze %dma_start3A_147 : memref<1x128x64xf32, #tpu.memory_space<vmem>> -> memref<128x64xf32, #tpu.memory_space<vmem>>
    %dma_start3A_149 = arith.constant 0 : i32
    %dma_start3A_150 = tpu.memref_slice %arg3[%add3A_134, %dma_start3A_149] : memref<16384x64xf32, #tpu.memory_space<hbm>> -> memref<128x64xf32, #tpu.memory_space<hbm>>
    tpu.enqueue_dma source(%dma_start3A_150 : memref<128x64xf32, #tpu.memory_space<hbm>>) target(%dma_start3A_148 : memref<128x64xf32, #tpu.memory_space<vmem>>) target_semaphore(%dma_start3A_144 : memref<!tpu.dma_semaphore, #tpu.memory_space<semaphore_mem>>)
    %dma_wait3A_151 = arith.constant 1 : i32
    %dma_wait3A_152 = arith.constant 2 : i32
    %dma_wait3A_153 = arith.constant 0 : i32
    %dma_wait3A_154 = arith.constant 0 : i32
    %dma_wait3A_155 = tpu.memref_slice %arg5[%dma_wait3A_151, %dma_wait3A_153, %dma_wait3A_154] : memref<2x128x64xf32, #tpu.memory_space<vmem>> -> memref<1x128x64xf32, #tpu.memory_space<vmem>>
    %dma_wait3A_156 = tpu.memref_squeeze %dma_wait3A_155 : memref<1x128x64xf32, #tpu.memory_space<vmem>> -> memref<128x64xf32, #tpu.memory_space<vmem>>
    %dma_wait3A_157 = arith.constant 0 : i32
    %dma_wait3A_158 = arith.constant 0 : i32
    %dma_wait3A_159 = tpu.memref_slice %arg2[%dma_wait3A_157, %dma_wait3A_158] : memref<16384x64xf32, #tpu.memory_space<hbm>> -> memref<128x64xf32, #tpu.memory_space<hbm>>
    %dma_wait3A_160 = tpu.memref_slice %arg8[%dma_wait3A_152] : memref<4x!tpu.dma_semaphore, #tpu.memory_space<semaphore_mem>> -> memref<1x!tpu.dma_semaphore, #tpu.memory_space<semaphore_mem>>
    %dma_wait3A_161 = tpu.memref_squeeze %dma_wait3A_160 : memref<1x!tpu.dma_semaphore, #tpu.memory_space<semaphore_mem>> -> memref<!tpu.dma_semaphore, #tpu.memory_space<semaphore_mem>>
    %dma_wait3A_162 = arith.constant 0 : i32
    %dma_wait3A_163 = arith.constant 0 : i32
    %dma_wait3A_164 = tpu.memref_slice %arg5[%dma_wait3A_151, %dma_wait3A_162, %dma_wait3A_163] : memref<2x128x64xf32, #tpu.memory_space<vmem>> -> memref<1x128x64xf32, #tpu.memory_space<vmem>>
    %dma_wait3A_165 = tpu.memref_squeeze %dma_wait3A_164 : memref<1x128x64xf32, #tpu.memory_space<vmem>> -> memref<128x64xf32, #tpu.memory_space<vmem>>
    %dma_wait3A_166 = arith.constant 0 : i32
    %dma_wait3A_167 = arith.constant 0 : i32
    %dma_wait3A_168 = tpu.memref_slice %arg2[%dma_wait3A_166, %dma_wait3A_167] : memref<16384x64xf32, #tpu.memory_space<hbm>> -> memref<128x64xf32, #tpu.memory_space<hbm>>
    tpu.wait_dma2 semaphore(%dma_wait3A_161 : memref<!tpu.dma_semaphore, #tpu.memory_space<semaphore_mem>>) src(%dma_wait3A_168 : memref<128x64xf32, #tpu.memory_space<hbm>>) dst(%dma_wait3A_165 : memref<128x64xf32, #tpu.memory_space<vmem>>)
    %dma_wait3A_169 = arith.constant 1 : i32
    %dma_wait3A_170 = arith.constant 3 : i32
    %dma_wait3A_171 = arith.constant 0 : i32
    %dma_wait3A_172 = arith.constant 0 : i32
    %dma_wait3A_173 = tpu.memref_slice %arg6[%dma_wait3A_169, %dma_wait3A_171, %dma_wait3A_172] : memref<2x128x64xf32, #tpu.memory_space<vmem>> -> memref<1x128x64xf32, #tpu.memory_space<vmem>>
    %dma_wait3A_174 = tpu.memref_squeeze %dma_wait3A_173 : memref<1x128x64xf32, #tpu.memory_space<vmem>> -> memref<128x64xf32, #tpu.memory_space<vmem>>
    %dma_wait3A_175 = arith.constant 0 : i32
    %dma_wait3A_176 = arith.constant 0 : i32
    %dma_wait3A_177 = tpu.memref_slice %arg3[%dma_wait3A_175, %dma_wait3A_176] : memref<16384x64xf32, #tpu.memory_space<hbm>> -> memref<128x64xf32, #tpu.memory_space<hbm>>
    %dma_wait3A_178 = tpu.memref_slice %arg8[%dma_wait3A_170] : memref<4x!tpu.dma_semaphore, #tpu.memory_space<semaphore_mem>> -> memref<1x!tpu.dma_semaphore, #tpu.memory_space<semaphore_mem>>
    %dma_wait3A_179 = tpu.memref_squeeze %dma_wait3A_178 : memref<1x!tpu.dma_semaphore, #tpu.memory_space<semaphore_mem>> -> memref<!tpu.dma_semaphore, #tpu.memory_space<semaphore_mem>>
    %dma_wait3A_180 = arith.constant 0 : i32
    %dma_wait3A_181 = arith.constant 0 : i32
    %dma_wait3A_182 = tpu.memref_slice %arg6[%dma_wait3A_169, %dma_wait3A_180, %dma_wait3A_181] : memref<2x128x64xf32, #tpu.memory_space<vmem>> -> memref<1x128x64xf32, #tpu.memory_space<vmem>>
    %dma_wait3A_183 = tpu.memref_squeeze %dma_wait3A_182 : memref<1x128x64xf32, #tpu.memory_space<vmem>> -> memref<128x64xf32, #tpu.memory_space<vmem>>
    %dma_wait3A_184 = arith.constant 0 : i32
    %dma_wait3A_185 = arith.constant 0 : i32
    %dma_wait3A_186 = tpu.memref_slice %arg3[%dma_wait3A_184, %dma_wait3A_185] : memref<16384x64xf32, #tpu.memory_space<hbm>> -> memref<128x64xf32, #tpu.memory_space<hbm>>
    tpu.wait_dma2 semaphore(%dma_wait3A_179 : memref<!tpu.dma_semaphore, #tpu.memory_space<semaphore_mem>>) src(%dma_wait3A_186 : memref<128x64xf32, #tpu.memory_space<hbm>>) dst(%dma_wait3A_183 : memref<128x64xf32, #tpu.memory_space<vmem>>)
    %scan3A_187 = arith.constant 0 : i32
    %scan3A_188 = arith.constant 128 : i32
    %scan3A_189 = arith.addi %scan3A_187, %scan3A_188 : i32
    %scan3A_190 = arith.constant 1 : i32
    %scan3A_191 = scf.for %scan3A_318 = %scan3A_187 to %scan3A_189 step %scan3A_190 iter_args(%scan3A_319 = %scan3A_113) -> (vector<16xf32>)  : i32 {
      %get3A = arith.constant 1 : i32
      %get3A_320 = arith.index_cast %get3A : i32 to index
      %get3A_321 = arith.index_cast %scan3A_318 : i32 to index
      %get3A_322 = arith.constant 0 : index
      %get3A_323 = tpu.vector_load %arg6[%get3A_320, %get3A_321, %get3A_322] {strides = array<i32>} : memref<2x128x64xf32, #tpu.memory_space<vmem>>, vector<1x1x16xf32>,
      %get3A_324 = vector.shape_cast %get3A_323 : vector<1x1x16xf32> to vector<16xf32>
      %get3A_325 = arith.constant 1 : i32
      %get3A_326 = arith.index_cast %get3A_325 : i32 to index
      %get3A_327 = arith.index_cast %scan3A_318 : i32 to index
      %get3A_328 = arith.constant 0 : index
      %get3A_329 = tpu.vector_load %arg5[%get3A_326, %get3A_327, %get3A_328] {strides = array<i32>} : memref<2x128x64xf32, #tpu.memory_space<vmem>>, vector<1x1x16xf32>,
      %get3A_330 = vector.shape_cast %get3A_329 : vector<1x1x16xf32> to vector<16xf32>
      %sub3A = arith.subf %get3A_324, %get3A_330 : vector<16xf32>
      %mul3A_331 = arith.mulf %sub3A, %sub3A : vector<16xf32>
      %add3A_332 = arith.addf %scan3A_319, %mul3A_331 : vector<16xf32>
      %get3A_333 = arith.constant 1 : i32
      %get3A_334 = arith.index_cast %get3A_333 : i32 to index
      %get3A_335 = arith.index_cast %scan3A_318 : i32 to index
      %get3A_336 = arith.constant 16 : index
      %get3A_337 = tpu.vector_load %arg6[%get3A_334, %get3A_335, %get3A_336] {strides = array<i32>} : memref<2x128x64xf32, #tpu.memory_space<vmem>>, vector<1x1x16xf32>,
      %get3A_338 = vector.shape_cast %get3A_337 : vector<1x1x16xf32> to vector<16xf32>
      %get3A_339 = arith.constant 1 : i32
      %get3A_340 = arith.index_cast %get3A_339 : i32 to index
      %get3A_341 = arith.index_cast %scan3A_318 : i32 to index
      %get3A_342 = arith.constant 16 : index
      %get3A_343 = tpu.vector_load %arg5[%get3A_340, %get3A_341, %get3A_342] {strides = array<i32>} : memref<2x128x64xf32, #tpu.memory_space<vmem>>, vector<1x1x16xf32>,
      %get3A_344 = vector.shape_cast %get3A_343 : vector<1x1x16xf32> to vector<16xf32>
      %sub3A_345 = arith.subf %get3A_338, %get3A_344 : vector<16xf32>
      %mul3A_346 = arith.mulf %sub3A_345, %sub3A_345 : vector<16xf32>
      %add3A_347 = arith.addf %add3A_332, %mul3A_346 : vector<16xf32>
      %get3A_348 = arith.constant 1 : i32
      %get3A_349 = arith.index_cast %get3A_348 : i32 to index
      %get3A_350 = arith.index_cast %scan3A_318 : i32 to index
      %get3A_351 = arith.constant 32 : index
      %get3A_352 = tpu.vector_load %arg6[%get3A_349, %get3A_350, %get3A_351] {strides = array<i32>} : memref<2x128x64xf32, #tpu.memory_space<vmem>>, vector<1x1x16xf32>,
      %get3A_353 = vector.shape_cast %get3A_352 : vector<1x1x16xf32> to vector<16xf32>
      %get3A_354 = arith.constant 1 : i32
      %get3A_355 = arith.index_cast %get3A_354 : i32 to index
      %get3A_356 = arith.index_cast %scan3A_318 : i32 to index
      %get3A_357 = arith.constant 32 : index
      %get3A_358 = tpu.vector_load %arg5[%get3A_355, %get3A_356, %get3A_357] {strides = array<i32>} : memref<2x128x64xf32, #tpu.memory_space<vmem>>, vector<1x1x16xf32>,
      %get3A_359 = vector.shape_cast %get3A_358 : vector<1x1x16xf32> to vector<16xf32>
      %sub3A_360 = arith.subf %get3A_353, %get3A_359 : vector<16xf32>
      %mul3A_361 = arith.mulf %sub3A_360, %sub3A_360 : vector<16xf32>
      %add3A_362 = arith.addf %add3A_347, %mul3A_361 : vector<16xf32>
      %get3A_363 = arith.constant 1 : i32
      %get3A_364 = arith.index_cast %get3A_363 : i32 to index
      %get3A_365 = arith.index_cast %scan3A_318 : i32 to index
      %get3A_366 = arith.constant 48 : index
      %get3A_367 = tpu.vector_load %arg6[%get3A_364, %get3A_365, %get3A_366] {strides = array<i32>} : memref<2x128x64xf32, #tpu.memory_space<vmem>>, vector<1x1x16xf32>,
      %get3A_368 = vector.shape_cast %get3A_367 : vector<1x1x16xf32> to vector<16xf32>
      %get3A_369 = arith.constant 1 : i32
      %get3A_370 = arith.index_cast %get3A_369 : i32 to index
      %get3A_371 = arith.index_cast %scan3A_318 : i32 to index
      %get3A_372 = arith.constant 48 : index
      %get3A_373 = tpu.vector_load %arg5[%get3A_370, %get3A_371, %get3A_372] {strides = array<i32>} : memref<2x128x64xf32, #tpu.memory_space<vmem>>, vector<1x1x16xf32>,
      %get3A_374 = vector.shape_cast %get3A_373 : vector<1x1x16xf32> to vector<16xf32>
      %sub3A_375 = arith.subf %get3A_368, %get3A_374 : vector<16xf32>
      %mul3A_376 = arith.mulf %sub3A_375, %sub3A_375 : vector<16xf32>
      %add3A_377 = arith.addf %add3A_362, %mul3A_376 : vector<16xf32>
      scf.yield %add3A_377 : vector<16xf32>
    }
    %scan3A_192 = arith.constant 128 : i32
    %add3A_193 = arith.constant 384 : i32
    %add3A_194 = arith.addi %mul3A_2, %add3A_193 : i32
    %dma_start3A_195 = arith.constant 1 : i32
    %dma_start3A_196 = arith.constant 2 : i32
    %dma_start3A_197 = arith.constant 0 : i32
    %dma_start3A_198 = arith.constant 0 : i32
    %dma_start3A_199 = tpu.memref_slice %arg5[%dma_start3A_195, %dma_start3A_197, %dma_start3A_198] : memref<2x128x64xf32, #tpu.memory_space<vmem>> -> memref<1x128x64xf32, #tpu.memory_space<vmem>>
    %dma_start3A_200 = tpu.memref_squeeze %dma_start3A_199 : memref<1x128x64xf32, #tpu.memory_space<vmem>> -> memref<128x64xf32, #tpu.memory_space<vmem>>
    %dma_start3A_201 = arith.constant 0 : i32
    %dma_start3A_202 = tpu.memref_slice %arg2[%add3A_194, %dma_start3A_201] : memref<16384x64xf32, #tpu.memory_space<hbm>> -> memref<128x64xf32, #tpu.memory_space<hbm>>
    %dma_start3A_203 = tpu.memref_slice %arg8[%dma_start3A_196] : memref<4x!tpu.dma_semaphore, #tpu.memory_space<semaphore_mem>> -> memref<1x!tpu.dma_semaphore, #tpu.memory_space<semaphore_mem>>
    %dma_start3A_204 = tpu.memref_squeeze %dma_start3A_203 : memref<1x!tpu.dma_semaphore, #tpu.memory_space<semaphore_mem>> -> memref<!tpu.dma_semaphore, #tpu.memory_space<semaphore_mem>>
    %dma_start3A_205 = arith.constant 0 : i32
    %dma_start3A_206 = arith.constant 0 : i32
    %dma_start3A_207 = tpu.memref_slice %arg5[%dma_start3A_195, %dma_start3A_205, %dma_start3A_206] : memref<2x128x64xf32, #tpu.memory_space<vmem>> -> memref<1x128x64xf32, #tpu.memory_space<vmem>>
    %dma_start3A_208 = tpu.memref_squeeze %dma_start3A_207 : memref<1x128x64xf32, #tpu.memory_space<vmem>> -> memref<128x64xf32, #tpu.memory_space<vmem>>
    %dma_start3A_209 = arith.constant 0 : i32
    %dma_start3A_210 = tpu.memref_slice %arg2[%add3A_194, %dma_start3A_209] : memref<16384x64xf32, #tpu.memory_space<hbm>> -> memref<128x64xf32, #tpu.memory_space<hbm>>
    tpu.enqueue_dma source(%dma_start3A_210 : memref<128x64xf32, #tpu.memory_space<hbm>>) target(%dma_start3A_208 : memref<128x64xf32, #tpu.memory_space<vmem>>) target_semaphore(%dma_start3A_204 : memref<!tpu.dma_semaphore, #tpu.memory_space<semaphore_mem>>)
    %add3A_211 = arith.constant 384 : i32
    %add3A_212 = arith.addi %mul3A_2, %add3A_211 : i32
    %dma_start3A_213 = arith.constant 1 : i32
    %dma_start3A_214 = arith.constant 3 : i32
    %dma_start3A_215 = arith.constant 0 : i32
    %dma_start3A_216 = arith.constant 0 : i32
    %dma_start3A_217 = tpu.memref_slice %arg6[%dma_start3A_213, %dma_start3A_215, %dma_start3A_216] : memref<2x128x64xf32, #tpu.memory_space<vmem>> -> memref<1x128x64xf32, #tpu.memory_space<vmem>>
    %dma_start3A_218 = tpu.memref_squeeze %dma_start3A_217 : memref<1x128x64xf32, #tpu.memory_space<vmem>> -> memref<128x64xf32, #tpu.memory_space<vmem>>
    %dma_start3A_219 = arith.constant 0 : i32
    %dma_start3A_220 = tpu.memref_slice %arg3[%add3A_212, %dma_start3A_219] : memref<16384x64xf32, #tpu.memory_space<hbm>> -> memref<128x64xf32, #tpu.memory_space<hbm>>
    %dma_start3A_221 = tpu.memref_slice %arg8[%dma_start3A_214] : memref<4x!tpu.dma_semaphore, #tpu.memory_space<semaphore_mem>> -> memref<1x!tpu.dma_semaphore, #tpu.memory_space<semaphore_mem>>
    %dma_start3A_222 = tpu.memref_squeeze %dma_start3A_221 : memref<1x!tpu.dma_semaphore, #tpu.memory_space<semaphore_mem>> -> memref<!tpu.dma_semaphore, #tpu.memory_space<semaphore_mem>>
    %dma_start3A_223 = arith.constant 0 : i32
    %dma_start3A_224 = arith.constant 0 : i32
    %dma_start3A_225 = tpu.memref_slice %arg6[%dma_start3A_213, %dma_start3A_223, %dma_start3A_224] : memref<2x128x64xf32, #tpu.memory_space<vmem>> -> memref<1x128x64xf32, #tpu.memory_space<vmem>>
    %dma_start3A_226 = tpu.memref_squeeze %dma_start3A_225 : memref<1x128x64xf32, #tpu.memory_space<vmem>> -> memref<128x64xf32, #tpu.memory_space<vmem>>
    %dma_start3A_227 = arith.constant 0 : i32
    %dma_start3A_228 = tpu.memref_slice %arg3[%add3A_212, %dma_start3A_227] : memref<16384x64xf32, #tpu.memory_space<hbm>> -> memref<128x64xf32, #tpu.memory_space<hbm>>
    tpu.enqueue_dma source(%dma_start3A_228 : memref<128x64xf32, #tpu.memory_space<hbm>>) target(%dma_start3A_226 : memref<128x64xf32, #tpu.memory_space<vmem>>) target_semaphore(%dma_start3A_222 : memref<!tpu.dma_semaphore, #tpu.memory_space<semaphore_mem>>)
    %dma_wait3A_229 = arith.constant 0 : i32
    %dma_wait3A_230 = arith.constant 0 : i32
    %dma_wait3A_231 = arith.constant 0 : i32
    %dma_wait3A_232 = arith.constant 0 : i32
    %dma_wait3A_233 = tpu.memref_slice %arg5[%dma_wait3A_229, %dma_wait3A_231, %dma_wait3A_232] : memref<2x128x64xf32, #tpu.memory_space<vmem>> -> memref<1x128x64xf32, #tpu.memory_space<vmem>>
    %dma_wait3A_234 = tpu.memref_squeeze %dma_wait3A_233 : memref<1x128x64xf32, #tpu.memory_space<vmem>> -> memref<128x64xf32, #tpu.memory_space<vmem>>
    %dma_wait3A_235 = arith.constant 0 : i32
    %dma_wait3A_236 = arith.constant 0 : i32
    %dma_wait3A_237 = tpu.memref_slice %arg2[%dma_wait3A_235, %dma_wait3A_236] : memref<16384x64xf32, #tpu.memory_space<hbm>> -> memref<128x64xf32, #tpu.memory_space<hbm>>
    %dma_wait3A_238 = tpu.memref_slice %arg8[%dma_wait3A_230] : memref<4x!tpu.dma_semaphore, #tpu.memory_space<semaphore_mem>> -> memref<1x!tpu.dma_semaphore, #tpu.memory_space<semaphore_mem>>
    %dma_wait3A_239 = tpu.memref_squeeze %dma_wait3A_238 : memref<1x!tpu.dma_semaphore, #tpu.memory_space<semaphore_mem>> -> memref<!tpu.dma_semaphore, #tpu.memory_space<semaphore_mem>>
    %dma_wait3A_240 = arith.constant 0 : i32
    %dma_wait3A_241 = arith.constant 0 : i32
    %dma_wait3A_242 = tpu.memref_slice %arg5[%dma_wait3A_229, %dma_wait3A_240, %dma_wait3A_241] : memref<2x128x64xf32, #tpu.memory_space<vmem>> -> memref<1x128x64xf32, #tpu.memory_space<vmem>>
    %dma_wait3A_243 = tpu.memref_squeeze %dma_wait3A_242 : memref<1x128x64xf32, #tpu.memory_space<vmem>> -> memref<128x64xf32, #tpu.memory_space<vmem>>
    %dma_wait3A_244 = arith.constant 0 : i32
    %dma_wait3A_245 = arith.constant 0 : i32
    %dma_wait3A_246 = tpu.memref_slice %arg2[%dma_wait3A_244, %dma_wait3A_245] : memref<16384x64xf32, #tpu.memory_space<hbm>> -> memref<128x64xf32, #tpu.memory_space<hbm>>
    tpu.wait_dma2 semaphore(%dma_wait3A_239 : memref<!tpu.dma_semaphore, #tpu.memory_space<semaphore_mem>>) src(%dma_wait3A_246 : memref<128x64xf32, #tpu.memory_space<hbm>>) dst(%dma_wait3A_243 : memref<128x64xf32, #tpu.memory_space<vmem>>)
    %dma_wait3A_247 = arith.constant 0 : i32
    %dma_wait3A_248 = arith.constant 1 : i32
    %dma_wait3A_249 = arith.constant 0 : i32
    %dma_wait3A_250 = arith.constant 0 : i32
    %dma_wait3A_251 = tpu.memref_slice %arg6[%dma_wait3A_247, %dma_wait3A_249, %dma_wait3A_250] : memref<2x128x64xf32, #tpu.memory_space<vmem>> -> memref<1x128x64xf32, #tpu.memory_space<vmem>>
    %dma_wait3A_252 = tpu.memref_squeeze %dma_wait3A_251 : memref<1x128x64xf32, #tpu.memory_space<vmem>> -> memref<128x64xf32, #tpu.memory_space<vmem>>
    %dma_wait3A_253 = arith.constant 0 : i32
    %dma_wait3A_254 = arith.constant 0 : i32
    %dma_wait3A_255 = tpu.memref_slice %arg3[%dma_wait3A_253, %dma_wait3A_254] : memref<16384x64xf32, #tpu.memory_space<hbm>> -> memref<128x64xf32, #tpu.memory_space<hbm>>
    %dma_wait3A_256 = tpu.memref_slice %arg8[%dma_wait3A_248] : memref<4x!tpu.dma_semaphore, #tpu.memory_space<semaphore_mem>> -> memref<1x!tpu.dma_semaphore, #tpu.memory_space<semaphore_mem>>
    %dma_wait3A_257 = tpu.memref_squeeze %dma_wait3A_256 : memref<1x!tpu.dma_semaphore, #tpu.memory_space<semaphore_mem>> -> memref<!tpu.dma_semaphore, #tpu.memory_space<semaphore_mem>>
    %dma_wait3A_258 = arith.constant 0 : i32
    %dma_wait3A_259 = arith.constant 0 : i32
    %dma_wait3A_260 = tpu.memref_slice %arg6[%dma_wait3A_247, %dma_wait3A_258, %dma_wait3A_259] : memref<2x128x64xf32, #tpu.memory_space<vmem>> -> memref<1x128x64xf32, #tpu.memory_space<vmem>>
    %dma_wait3A_261 = tpu.memref_squeeze %dma_wait3A_260 : memref<1x128x64xf32, #tpu.memory_space<vmem>> -> memref<128x64xf32, #tpu.memory_space<vmem>>
    %dma_wait3A_262 = arith.constant 0 : i32
    %dma_wait3A_263 = arith.constant 0 : i32
    %dma_wait3A_264 = tpu.memref_slice %arg3[%dma_wait3A_262, %dma_wait3A_263] : memref<16384x64xf32, #tpu.memory_space<hbm>> -> memref<128x64xf32, #tpu.memory_space<hbm>>
    tpu.wait_dma2 semaphore(%dma_wait3A_257 : memref<!tpu.dma_semaphore, #tpu.memory_space<semaphore_mem>>) src(%dma_wait3A_264 : memref<128x64xf32, #tpu.memory_space<hbm>>) dst(%dma_wait3A_261 : memref<128x64xf32, #tpu.memory_space<vmem>>)
    %scan3A_265 = arith.constant 0 : i32
    %scan3A_266 = arith.constant 128 : i32
    %scan3A_267 = arith.addi %scan3A_265, %scan3A_266 : i32
    %scan3A_268 = arith.constant 1 : i32
    %scan3A_269 = scf.for %scan3A_318 = %scan3A_265 to %scan3A_267 step %scan3A_268 iter_args(%scan3A_319 = %scan3A_191) -> (vector<16xf32>)  : i32 {
      %get3A = arith.constant 0 : i32
      %get3A_320 = arith.index_cast %get3A : i32 to index
      %get3A_321 = arith.index_cast %scan3A_318 : i32 to index
      %get3A_322 = arith.constant 0 : index
      %get3A_323 = tpu.vector_load %arg6[%get3A_320, %get3A_321, %get3A_322] {strides = array<i32>} : memref<2x128x64xf32, #tpu.memory_space<vmem>>, vector<1x1x16xf32>,
      %get3A_324 = vector.shape_cast %get3A_323 : vector<1x1x16xf32> to vector<16xf32>
      %get3A_325 = arith.constant 0 : i32
      %get3A_326 = arith.index_cast %get3A_325 : i32 to index
      %get3A_327 = arith.index_cast %scan3A_318 : i32 to index
      %get3A_328 = arith.constant 0 : index
      %get3A_329 = tpu.vector_load %arg5[%get3A_326, %get3A_327, %get3A_328] {strides = array<i32>} : memref<2x128x64xf32, #tpu.memory_space<vmem>>, vector<1x1x16xf32>,
      %get3A_330 = vector.shape_cast %get3A_329 : vector<1x1x16xf32> to vector<16xf32>
      %sub3A = arith.subf %get3A_324, %get3A_330 : vector<16xf32>
      %mul3A_331 = arith.mulf %sub3A, %sub3A : vector<16xf32>
      %add3A_332 = arith.addf %scan3A_319, %mul3A_331 : vector<16xf32>
      %get3A_333 = arith.constant 0 : i32
      %get3A_334 = arith.index_cast %get3A_333 : i32 to index
      %get3A_335 = arith.index_cast %scan3A_318 : i32 to index
      %get3A_336 = arith.constant 16 : index
      %get3A_337 = tpu.vector_load %arg6[%get3A_334, %get3A_335, %get3A_336] {strides = array<i32>} : memref<2x128x64xf32, #tpu.memory_space<vmem>>, vector<1x1x16xf32>,
      %get3A_338 = vector.shape_cast %get3A_337 : vector<1x1x16xf32> to vector<16xf32>
      %get3A_339 = arith.constant 0 : i32
      %get3A_340 = arith.index_cast %get3A_339 : i32 to index
      %get3A_341 = arith.index_cast %scan3A_318 : i32 to index
      %get3A_342 = arith.constant 16 : index
      %get3A_343 = tpu.vector_load %arg5[%get3A_340, %get3A_341, %get3A_342] {strides = array<i32>} : memref<2x128x64xf32, #tpu.memory_space<vmem>>, vector<1x1x16xf32>,
      %get3A_344 = vector.shape_cast %get3A_343 : vector<1x1x16xf32> to vector<16xf32>
      %sub3A_345 = arith.subf %get3A_338, %get3A_344 : vector<16xf32>
      %mul3A_346 = arith.mulf %sub3A_345, %sub3A_345 : vector<16xf32>
      %add3A_347 = arith.addf %add3A_332, %mul3A_346 : vector<16xf32>
      %get3A_348 = arith.constant 0 : i32
      %get3A_349 = arith.index_cast %get3A_348 : i32 to index
      %get3A_350 = arith.index_cast %scan3A_318 : i32 to index
      %get3A_351 = arith.constant 32 : index
      %get3A_352 = tpu.vector_load %arg6[%get3A_349, %get3A_350, %get3A_351] {strides = array<i32>} : memref<2x128x64xf32, #tpu.memory_space<vmem>>, vector<1x1x16xf32>,
      %get3A_353 = vector.shape_cast %get3A_352 : vector<1x1x16xf32> to vector<16xf32>
      %get3A_354 = arith.constant 0 : i32
      %get3A_355 = arith.index_cast %get3A_354 : i32 to index
      %get3A_356 = arith.index_cast %scan3A_318 : i32 to index
      %get3A_357 = arith.constant 32 : index
      %get3A_358 = tpu.vector_load %arg5[%get3A_355, %get3A_356, %get3A_357] {strides = array<i32>} : memref<2x128x64xf32, #tpu.memory_space<vmem>>, vector<1x1x16xf32>,
      %get3A_359 = vector.shape_cast %get3A_358 : vector<1x1x16xf32> to vector<16xf32>
      %sub3A_360 = arith.subf %get3A_353, %get3A_359 : vector<16xf32>
      %mul3A_361 = arith.mulf %sub3A_360, %sub3A_360 : vector<16xf32>
      %add3A_362 = arith.addf %add3A_347, %mul3A_361 : vector<16xf32>
      %get3A_363 = arith.constant 0 : i32
      %get3A_364 = arith.index_cast %get3A_363 : i32 to index
      %get3A_365 = arith.index_cast %scan3A_318 : i32 to index
      %get3A_366 = arith.constant 48 : index
      %get3A_367 = tpu.vector_load %arg6[%get3A_364, %get3A_365, %get3A_366] {strides = array<i32>} : memref<2x128x64xf32, #tpu.memory_space<vmem>>, vector<1x1x16xf32>,
      %get3A_368 = vector.shape_cast %get3A_367 : vector<1x1x16xf32> to vector<16xf32>
      %get3A_369 = arith.constant 0 : i32
      %get3A_370 = arith.index_cast %get3A_369 : i32 to index
      %get3A_371 = arith.index_cast %scan3A_318 : i32 to index
      %get3A_372 = arith.constant 48 : index
      %get3A_373 = tpu.vector_load %arg5[%get3A_370, %get3A_371, %get3A_372] {strides = array<i32>} : memref<2x128x64xf32, #tpu.memory_space<vmem>>, vector<1x1x16xf32>,
      %get3A_374 = vector.shape_cast %get3A_373 : vector<1x1x16xf32> to vector<16xf32>
      %sub3A_375 = arith.subf %get3A_368, %get3A_374 : vector<16xf32>
      %mul3A_376 = arith.mulf %sub3A_375, %sub3A_375 : vector<16xf32>
      %add3A_377 = arith.addf %add3A_362, %mul3A_376 : vector<16xf32>
      scf.yield %add3A_377 : vector<16xf32>
    }
    %scan3A_270 = arith.constant 128 : i32
    %dma_wait3A_271 = arith.constant 1 : i32
    %dma_wait3A_272 = arith.constant 2 : i32
    %dma_wait3A_273 = arith.constant 0 : i32
    %dma_wait3A_274 = arith.constant 0 : i32
    %dma_wait3A_275 = tpu.memref_slice %arg5[%dma_wait3A_271, %dma_wait3A_273, %dma_wait3A_274] : memref<2x128x64xf32, #tpu.memory_space<vmem>> -> memref<1x128x64xf32, #tpu.memory_space<vmem>>
    %dma_wait3A_276 = tpu.memref_squeeze %dma_wait3A_275 : memref<1x128x64xf32, #tpu.memory_space<vmem>> -> memref<128x64xf32, #tpu.memory_space<vmem>>
    %dma_wait3A_277 = arith.constant 0 : i32
    %dma_wait3A_278 = arith.constant 0 : i32
    %dma_wait3A_279 = tpu.memref_slice %arg2[%dma_wait3A_277, %dma_wait3A_278] : memref<16384x64xf32, #tpu.memory_space<hbm>> -> memref<128x64xf32, #tpu.memory_space<hbm>>
    %dma_wait3A_280 = tpu.memref_slice %arg8[%dma_wait3A_272] : memref<4x!tpu.dma_semaphore, #tpu.memory_space<semaphore_mem>> -> memref<1x!tpu.dma_semaphore, #tpu.memory_space<semaphore_mem>>
    %dma_wait3A_281 = tpu.memref_squeeze %dma_wait3A_280 : memref<1x!tpu.dma_semaphore, #tpu.memory_space<semaphore_mem>> -> memref<!tpu.dma_semaphore, #tpu.memory_space<semaphore_mem>>
    %dma_wait3A_282 = arith.constant 0 : i32
    %dma_wait3A_283 = arith.constant 0 : i32
    %dma_wait3A_284 = tpu.memref_slice %arg5[%dma_wait3A_271, %dma_wait3A_282, %dma_wait3A_283] : memref<2x128x64xf32, #tpu.memory_space<vmem>> -> memref<1x128x64xf32, #tpu.memory_space<vmem>>
    %dma_wait3A_285 = tpu.memref_squeeze %dma_wait3A_284 : memref<1x128x64xf32, #tpu.memory_space<vmem>> -> memref<128x64xf32, #tpu.memory_space<vmem>>
    %dma_wait3A_286 = arith.constant 0 : i32
    %dma_wait3A_287 = arith.constant 0 : i32
    %dma_wait3A_288 = tpu.memref_slice %arg2[%dma_wait3A_286, %dma_wait3A_287] : memref<16384x64xf32, #tpu.memory_space<hbm>> -> memref<128x64xf32, #tpu.memory_space<hbm>>
    tpu.wait_dma2 semaphore(%dma_wait3A_281 : memref<!tpu.dma_semaphore, #tpu.memory_space<semaphore_mem>>) src(%dma_wait3A_288 : memref<128x64xf32, #tpu.memory_space<hbm>>) dst(%dma_wait3A_285 : memref<128x64xf32, #tpu.memory_space<vmem>>)
    %dma_wait3A_289 = arith.constant 1 : i32
    %dma_wait3A_290 = arith.constant 3 : i32
    %dma_wait3A_291 = arith.constant 0 : i32
    %dma_wait3A_292 = arith.constant 0 : i32
    %dma_wait3A_293 = tpu.memref_slice %arg6[%dma_wait3A_289, %dma_wait3A_291, %dma_wait3A_292] : memref<2x128x64xf32, #tpu.memory_space<vmem>> -> memref<1x128x64xf32, #tpu.memory_space<vmem>>
    %dma_wait3A_294 = tpu.memref_squeeze %dma_wait3A_293 : memref<1x128x64xf32, #tpu.memory_space<vmem>> -> memref<128x64xf32, #tpu.memory_space<vmem>>
    %dma_wait3A_295 = arith.constant 0 : i32
    %dma_wait3A_296 = arith.constant 0 : i32
    %dma_wait3A_297 = tpu.memref_slice %arg3[%dma_wait3A_295, %dma_wait3A_296] : memref<16384x64xf32, #tpu.memory_space<hbm>> -> memref<128x64xf32, #tpu.memory_space<hbm>>
    %dma_wait3A_298 = tpu.memref_slice %arg8[%dma_wait3A_290] : memref<4x!tpu.dma_semaphore, #tpu.memory_space<semaphore_mem>> -> memref<1x!tpu.dma_semaphore, #tpu.memory_space<semaphore_mem>>
    %dma_wait3A_299 = tpu.memref_squeeze %dma_wait3A_298 : memref<1x!tpu.dma_semaphore, #tpu.memory_space<semaphore_mem>> -> memref<!tpu.dma_semaphore, #tpu.memory_space<semaphore_mem>>
    %dma_wait3A_300 = arith.constant 0 : i32
    %dma_wait3A_301 = arith.constant 0 : i32
    %dma_wait3A_302 = tpu.memref_slice %arg6[%dma_wait3A_289, %dma_wait3A_300, %dma_wait3A_301] : memref<2x128x64xf32, #tpu.memory_space<vmem>> -> memref<1x128x64xf32, #tpu.memory_space<vmem>>
    %dma_wait3A_303 = tpu.memref_squeeze %dma_wait3A_302 : memref<1x128x64xf32, #tpu.memory_space<vmem>> -> memref<128x64xf32, #tpu.memory_space<vmem>>
    %dma_wait3A_304 = arith.constant 0 : i32
    %dma_wait3A_305 = arith.constant 0 : i32
    %dma_wait3A_306 = tpu.memref_slice %arg3[%dma_wait3A_304, %dma_wait3A_305] : memref<16384x64xf32, #tpu.memory_space<hbm>> -> memref<128x64xf32, #tpu.memory_space<hbm>>
    tpu.wait_dma2 semaphore(%dma_wait3A_299 : memref<!tpu.dma_semaphore, #tpu.memory_space<semaphore_mem>>) src(%dma_wait3A_306 : memref<128x64xf32, #tpu.memory_space<hbm>>) dst(%dma_wait3A_303 : memref<128x64xf32, #tpu.memory_space<vmem>>)
    %scan3A_307 = arith.constant 0 : i32
    %scan3A_308 = arith.constant 128 : i32
    %scan3A_309 = arith.addi %scan3A_307, %scan3A_308 : i32
    %scan3A_310 = arith.constant 1 : i32
    %scan3A_311 = scf.for %scan3A_318 = %scan3A_307 to %scan3A_309 step %scan3A_310 iter_args(%scan3A_319 = %scan3A_269) -> (vector<16xf32>)  : i32 {
      %get3A = arith.constant 1 : i32
      %get3A_320 = arith.index_cast %get3A : i32 to index
      %get3A_321 = arith.index_cast %scan3A_318 : i32 to index
      %get3A_322 = arith.constant 0 : index
      %get3A_323 = tpu.vector_load %arg6[%get3A_320, %get3A_321, %get3A_322] {strides = array<i32>} : memref<2x128x64xf32, #tpu.memory_space<vmem>>, vector<1x1x16xf32>,
      %get3A_324 = vector.shape_cast %get3A_323 : vector<1x1x16xf32> to vector<16xf32>
      %get3A_325 = arith.constant 1 : i32
      %get3A_326 = arith.index_cast %get3A_325 : i32 to index
      %get3A_327 = arith.index_cast %scan3A_318 : i32 to index
      %get3A_328 = arith.constant 0 : index
      %get3A_329 = tpu.vector_load %arg5[%get3A_326, %get3A_327, %get3A_328] {strides = array<i32>} : memref<2x128x64xf32, #tpu.memory_space<vmem>>, vector<1x1x16xf32>,
      %get3A_330 = vector.shape_cast %get3A_329 : vector<1x1x16xf32> to vector<16xf32>
      %sub3A = arith.subf %get3A_324, %get3A_330 : vector<16xf32>
      %mul3A_331 = arith.mulf %sub3A, %sub3A : vector<16xf32>
      %add3A_332 = arith.addf %scan3A_319, %mul3A_331 : vector<16xf32>
      %get3A_333 = arith.constant 1 : i32
      %get3A_334 = arith.index_cast %get3A_333 : i32 to index
      %get3A_335 = arith.index_cast %scan3A_318 : i32 to index
      %get3A_336 = arith.constant 16 : index
      %get3A_337 = tpu.vector_load %arg6[%get3A_334, %get3A_335, %get3A_336] {strides = array<i32>} : memref<2x128x64xf32, #tpu.memory_space<vmem>>, vector<1x1x16xf32>,
      %get3A_338 = vector.shape_cast %get3A_337 : vector<1x1x16xf32> to vector<16xf32>
      %get3A_339 = arith.constant 1 : i32
      %get3A_340 = arith.index_cast %get3A_339 : i32 to index
      %get3A_341 = arith.index_cast %scan3A_318 : i32 to index
      %get3A_342 = arith.constant 16 : index
      %get3A_343 = tpu.vector_load %arg5[%get3A_340, %get3A_341, %get3A_342] {strides = array<i32>} : memref<2x128x64xf32, #tpu.memory_space<vmem>>, vector<1x1x16xf32>,
      %get3A_344 = vector.shape_cast %get3A_343 : vector<1x1x16xf32> to vector<16xf32>
      %sub3A_345 = arith.subf %get3A_338, %get3A_344 : vector<16xf32>
      %mul3A_346 = arith.mulf %sub3A_345, %sub3A_345 : vector<16xf32>
      %add3A_347 = arith.addf %add3A_332, %mul3A_346 : vector<16xf32>
      %get3A_348 = arith.constant 1 : i32
      %get3A_349 = arith.index_cast %get3A_348 : i32 to index
      %get3A_350 = arith.index_cast %scan3A_318 : i32 to index
      %get3A_351 = arith.constant 32 : index
      %get3A_352 = tpu.vector_load %arg6[%get3A_349, %get3A_350, %get3A_351] {strides = array<i32>} : memref<2x128x64xf32, #tpu.memory_space<vmem>>, vector<1x1x16xf32>,
      %get3A_353 = vector.shape_cast %get3A_352 : vector<1x1x16xf32> to vector<16xf32>
      %get3A_354 = arith.constant 1 : i32
      %get3A_355 = arith.index_cast %get3A_354 : i32 to index
      %get3A_356 = arith.index_cast %scan3A_318 : i32 to index
      %get3A_357 = arith.constant 32 : index
      %get3A_358 = tpu.vector_load %arg5[%get3A_355, %get3A_356, %get3A_357] {strides = array<i32>} : memref<2x128x64xf32, #tpu.memory_space<vmem>>, vector<1x1x16xf32>,
      %get3A_359 = vector.shape_cast %get3A_358 : vector<1x1x16xf32> to vector<16xf32>
      %sub3A_360 = arith.subf %get3A_353, %get3A_359 : vector<16xf32>
      %mul3A_361 = arith.mulf %sub3A_360, %sub3A_360 : vector<16xf32>
      %add3A_362 = arith.addf %add3A_347, %mul3A_361 : vector<16xf32>
      %get3A_363 = arith.constant 1 : i32
      %get3A_364 = arith.index_cast %get3A_363 : i32 to index
      %get3A_365 = arith.index_cast %scan3A_318 : i32 to index
      %get3A_366 = arith.constant 48 : index
      %get3A_367 = tpu.vector_load %arg6[%get3A_364, %get3A_365, %get3A_366] {strides = array<i32>} : memref<2x128x64xf32, #tpu.memory_space<vmem>>, vector<1x1x16xf32>,
      %get3A_368 = vector.shape_cast %get3A_367 : vector<1x1x16xf32> to vector<16xf32>
      %get3A_369 = arith.constant 1 : i32
      %get3A_370 = arith.index_cast %get3A_369 : i32 to index
      %get3A_371 = arith.index_cast %scan3A_318 : i32 to index
      %get3A_372 = arith.constant 48 : index
      %get3A_373 = tpu.vector_load %arg5[%get3A_370, %get3A_371, %get3A_372] {strides = array<i32>} : memref<2x128x64xf32, #tpu.memory_space<vmem>>, vector<1x1x16xf32>,
      %get3A_374 = vector.shape_cast %get3A_373 : vector<1x1x16xf32> to vector<16xf32>
      %sub3A_375 = arith.subf %get3A_368, %get3A_374 : vector<16xf32>
      %mul3A_376 = arith.mulf %sub3A_375, %sub3A_375 : vector<16xf32>
      %add3A_377 = arith.addf %add3A_362, %mul3A_376 : vector<16xf32>
      scf.yield %add3A_377 : vector<16xf32>
    }
    %scan3A_312 = arith.constant 128 : i32
    %swap3A = arith.constant 0 : index
    %swap3A_313 = tpu.vector_load %arg7[%swap3A] {strides = array<i32>} : memref<16xf32, #tpu.memory_space<vmem>>, vector<16xf32>,
    %swap3A_314 = vector.shape_cast %swap3A_313 : vector<16xf32> to vector<16xf32>
    %swap3A_315 = vector.shape_cast %scan3A_311 : vector<16xf32> to vector<16xf32>
    tpu.vector_store %arg7[%swap3A], %swap3A_315 {strides = array<i32>} : memref<16xf32, #tpu.memory_space<vmem>>, vector<16xf32>,
    %mul3A_316 = arith.constant 16 : i32
    %mul3A_317 = arith.muli %add3A, %mul3A_316 : i32
    "tpu.region"() ({
      %run_scoped3A = tpu.sem_alloc : memref<!tpu.dma_semaphore, #tpu.memory_space<semaphore_mem>>
      %dma_start3A_318 = tpu.memref_slice %arg4[%mul3A_317] : memref<512xf32, #tpu.memory_space<hbm>> -> memref<16xf32, #tpu.memory_space<hbm>>
      %dma_start3A_319 = tpu.memref_slice %arg4[%mul3A_317] : memref<512xf32, #tpu.memory_space<hbm>> -> memref<16xf32, #tpu.memory_space<hbm>>
      tpu.enqueue_dma source(%arg7 : memref<16xf32, #tpu.memory_space<vmem>>) target(%dma_start3A_319 : memref<16xf32, #tpu.memory_space<hbm>>) target_semaphore(%run_scoped3A : memref<!tpu.dma_semaphore, #tpu.memory_space<semaphore_mem>>)
      %dma_wait3A_320 = tpu.memref_slice %arg4[%mul3A_317] : memref<512xf32, #tpu.memory_space<hbm>> -> memref<16xf32, #tpu.memory_space<hbm>>
      %dma_wait3A_321 = tpu.memref_slice %arg4[%mul3A_317] : memref<512xf32, #tpu.memory_space<hbm>> -> memref<16xf32, #tpu.memory_space<hbm>>
      tpu.wait_dma2 semaphore(%run_scoped3A : memref<!tpu.dma_semaphore, #tpu.memory_space<semaphore_mem>>) src(%arg7 : memref<16xf32, #tpu.memory_space<vmem>>) dst(%dma_wait3A_321 : memref<16xf32, #tpu.memory_space<hbm>>)
      tpu.yield
    }) : () -> ()
    return
  }
}

</mosaic_0001>

<sc_bundles>
// kernel: kernel.4.cloned.1.call-start
scs
__scs_entry_jumppad:
0x0: {  	(pc) =	sbr.rel $0x88, $3  }
0x1: {  	(tag) =	ssettag $0x0;
	lr =	simm.s32 $0x1  }
0x2: {  	[smem:$0x3F9E] =	sst lr;
	_ =	strace $0xD0000000  }
0x3: {  	_ = 	snop  }
0x4: {  	_ = 	snop  }
0x5: {  	_ = 	snop  }
0x6: {  	_ = 	snop  }
0x7: {  	_ = 	snop  }
__scs_overlays_trampoline_lowered:
0x8: {  	[smem:$0x3FAD] =	sst s0  }
0x9: {  	[smem:$0x3FAE] =	sst s1  }
0xa: {  	[smem:$0x3FAF] =	sst s2  }
0xb: {  	[smem:$0x3FB0] =	sst s3  }
0xc: {  	[smem:$0x3FB1] =	sst s4  }
0xd: {  	[smem:$0x3FB2] =	sst s5  }
0xe: {  	[smem:$0x3FB3] =	sst s6  }
0xf: {  	[smem:$0x3FB4] =	sst s7  }
0x10: {  	[smem:$0x3FB5] =	sst s8  }
0x11: {  	[smem:$0x3FB6] =	sst s9;
	s0 =	simm.s32 @!p0 $0x0  }
0x12: {  	s1 =	sld [smem:$0x3F9C];
	s0 =	simm.s32 @p0 $0x1  }
0x13: {  	[smem:$0x3FB7] =	sst s0;
	s0 =	simm.s32 @!p1 $0x0  }
0x14: {  	s2 =	sld [smem:$0x3F9B];
	s0 =	simm.s32 @p1 $0x1  }
0x15: {  	[smem:$0x3FB8] =	sst s0;
	s0 =	simm.s32 @!p2 $0x0  }
0x16: {  	s3 =	sld [smem:$0x3FDB];
	s0 =	simm.s32 @p2 $0x1  }
0x17: {  	s4 =	simm.s32 $0x1BF5;
	[smem:$0x3FBA] =	sst s0  }
0x18: {  	s0 =	sld [smem:$0x3F9D];
	_ =	swait.ge [sflag:s4], $0x0  }
0x19: {  	s7 =	sld [smem:$0x3F9E]  }
0x1a: {  	s8 =	sadd.s32 $0xFFFFE003, lr  }
0x1b: {  	s9 =	sadd.s32 $0xFFFFFEF7, lr;
	s5 =	simm.s32 $0xFFFFFFFF;
	p2 =	slt.u32 s8, $0xFFFFF086  }
0x1c: {  	p1 =	slt.u32 s9, $0xF7A;
	s5 =	simm.s32 @!p2 $0x0  }
0x1d: {  	s5 =	simm.s32 @p1 $0x1;
	p0 =	seq.s32 s7, s2  }
0x1e: {  	s7 =	smul.u32 @!p0 $0xF7A, s2;
	p2 =	seq.s32 @!p0 s5, $0x0  }
0x1f: {  	s9 =	smul.u32 $0xF7A, s1;
	s8 =	simm.s32 @!p0 $0x1BF5;
	p2 =	por !p2, p0  }
0x20: {  	[sflag:s8] =	ssyncset.s32 @!p0 $0xFFFFF086;
	s6 =	sadd.s32 @!p0 s3, s7;
	s7 =	simm.s32 @!p0 $0x108  }
0x21: {  	s3 =	sadd.s32 s3, s9;
	s6 =	sadd.s32 @!p0 $0x88, s6;
	s7 =	simm.s32 @p2 $0x1082  }
0x22: {  	[simem:s7], [sflag:s8] =	dma.local @!p0 [hbm:s6], $0xF7A  }
0x23: {  	s9 =	sor.u32 $0xD0000000, s2;
	s6 =	simm.s32 $0x108;
	_ =	swait.ge @!p0 [sflag:s8], $0x0  }
0x24: {  	s3 =	sadd.s32 $0x88, s3;
	s6 =	simm.s32 @!p1 $0x1082;
	[sflag:s4] =	ssyncset.s32 $0xFFFFF086  }
0x25: {  	[simem:s6], [sflag:s4] =	dma.local [hbm:s3], $0xF7A  }
0x26: {  	[smem:$0x3F9E] =	sst s1;
	(tag) =	ssettag s2;
	_ =	strace s9  }
0x27: {  	s1 =	sld [smem:$0x3FAE]  }
0x28: {  	s2 =	sld [smem:$0x3FAF]  }
0x29: {  	s4 =	sld [smem:$0x3FB1]  }
0x2a: {  	p0 =	seq.s32 s5, $0x0;
	s5 =	sld [smem:$0x3FB2]  }
0x2b: {  	s6 =	sld [smem:$0x3FB3]  }
0x2c: {  	s7 =	sld [smem:$0x3FB4]  }
0x2d: {  	s3 =	simm.s32 $0x108;
	s8 =	sld [smem:$0x3FB5]  }
0x2e: {  	s3 =	simm.s32 @!p0 $0x1082;
	s9 =	sld [smem:$0x3FB6]  }
0x2f: {  	lr =	sadd.s32 s0, s3;
	s0 =	sld [smem:$0x3FAD]  }
0x30: {  	s3 =	sld [smem:$0x3FB0]  }
0x31: {  	[smem:$0x3FB9] =	sst s10  }
0x32: {  	s10 =	sld [smem:$0x3FB7];
	_ =	sdelay $0x3  }
0x33: {  	p0 =	seq.s32 s10, $0x1;
	s10 =	sld [smem:$0x3FB9];
	_ =	sdelay $0x3  }
0x34: {  	[smem:$0x3FB9] =	sst s10  }
0x35: {  	s10 =	sld [smem:$0x3FB8];
	_ =	sdelay $0x3  }
0x36: {  	p1 =	seq.s32 s10, $0x1;
	s10 =	sld [smem:$0x3FB9];
	_ =	sdelay $0x3  }
0x37: {  	[smem:$0x3FB9] =	sst s10  }
0x38: {  	s10 =	sld [smem:$0x3FBA]  }
0x39: {  	_ = 	snop;
	(pc) =	sbr.ind lr, $3  }
0x3a: {  	_ = 	snop  }
0x3b: {  	_ = 	snop  }
0x3c: {  	p2 =	seq.s32 s10, $0x1;
	s10 =	sld [smem:$0x3FB9]  }
0x3d: {  	_ =	shalt  }
0x3e: {  	_ =	shalt  }
0x3f: {  	_ =	shalt  }
0x40: {  	_ =	shalt  }
0x41: {  	_ =	shalt  }
0x42: {  	_ =	shalt  }
0x43: {  	_ =	shalt  }
0x44: {  	_ =	shalt  }
0x45: {  	_ =	shalt  }
0x46: {  	_ =	shalt  }
0x47: {  	_ =	shalt  }
0x48: {  	_ =	shalt  }
0x49: {  	_ =	shalt  }
0x4a: {  	_ =	shalt  }
0x4b: {  	_ =	shalt  }
0x4c: {  	_ =	shalt  }
0x4d: {  	_ =	shalt  }
0x4e: {  	_ =	shalt  }
0x4f: {  	_ =	shalt  }
0x50: {  	_ =	shalt  }
0x51: {  	_ =	shalt  }
0x52: {  	_ =	shalt  }
0x53: {  	_ =	shalt  }
0x54: {  	_ =	shalt  }
0x55: {  	_ =	shalt  }
0x56: {  	_ =	shalt  }
0x57: {  	_ =	shalt  }
0x58: {  	_ =	shalt  }
0x59: {  	_ =	shalt  }
0x5a: {  	_ =	shalt  }
0x5b: {  	_ =	shalt  }
0x5c: {  	_ =	shalt  }
0x5d: {  	_ =	shalt  }
0x5e: {  	_ =	shalt  }
0x5f: {  	_ =	shalt  }
0x60: {  	_ =	shalt  }
0x61: {  	_ =	shalt  }
0x62: {  	_ =	shalt  }
0x63: {  	_ =	shalt  }
0x64: {  	_ =	shalt  }
0x65: {  	_ =	shalt  }
0x66: {  	_ =	shalt  }
0x67: {  	_ =	shalt  }
0x68: {  	_ =	shalt  }
0x69: {  	_ =	shalt  }
0x6a: {  	_ =	shalt  }
0x6b: {  	_ =	shalt  }
0x6c: {  	_ =	shalt  }
0x6d: {  	_ =	shalt  }
0x6e: {  	_ =	shalt  }
0x6f: {  	_ =	shalt  }
0x70: {  	_ =	shalt  }
0x71: {  	_ =	shalt  }
0x72: {  	_ =	shalt  }
0x73: {  	_ =	shalt  }
0x74: {  	_ =	shalt  }
0x75: {  	_ =	shalt  }
0x76: {  	_ =	shalt  }
0x77: {  	_ =	shalt  }
0x78: {  	_ =	shalt  }
0x79: {  	_ =	shalt  }
0x7a: {  	_ =	shalt  }
0x7b: {  	_ =	shalt  }
0x7c: {  	_ =	shalt  }
0x7d: {  	_ =	shalt  }
0x7e: {  	_ =	shalt  }
0x7f: {  	_ =	shalt  }
0x80: {  	_ =	shalt  }
0x81: {  	_ =	shalt  }
0x82: {  	_ =	shalt  }
0x83: {  	_ =	shalt  }
0x84: {  	_ =	shalt  }
0x85: {  	_ =	shalt  }
0x86: {  	_ =	shalt  }
0x87: {  	_ =	shalt  }
.Lfunc_end0:
.L_simem_size_0:
called_computation_lowered:
.L_overlay_start_0:
0x88: {  	s2 =	sld [smem:$0x3FD9]  }
0x89: {  	s3 =	sld [smem:$0x3FFE];
	_ =	sdelay $0x1  }
0x8a: {  	s1 =	srdreg.scid  }
0x8b: {  	s0 =	sand.u32 $0x1, s1  }
0x8c: {  	s17 =	sshll.u32 s0, $0xA;
	s2 =	sadd.s32 s3, s2  }
0x8d: {  	s2 =	sadd.s32 s2, s17  }
0x8e: {  	[smem:$0x3FC5] =	sst s2  }
0x8f: {  	_ = 	snop  }
0x90: {  	s2 =	sld [smem:$0x3FC8]  }
0x91: {  	s18 =	sld [smem:$0x3FC7];
	(tm) =	ssettm $0x1  }
0x92: {  	s4 =	sld [smem:$0x3FFB];
	_ =	sdelay $0x3  }
0x93: {  	_ =	strace s4  }
0x94: {  	s4 =	sld [smem:$0x3FFC];
	_ =	sdelay $0x3  }
0x95: {  	_ =	strace s4  }
0x96: {  	s4 =	sld [smem:$0x3FFD];
	_ =	sdelay $0x3  }
0x97: {  	_ =	strace s4  }
0x98: {  	_ =	strace $0x8FFFFFFF  }
0x99: {  	s19 =	sld [smem:$0x3FDB];
	_ =	sdelay $0x1  }
0x9a: {  	s5 =	simm.s32 $_scs_section_size  }
0x9b: {  	s6 =	simm.s32 $_size__tile_overlayer_lowered;
	s7 =	simm.s32 $_tile_overlayer_lowered  }
0x9c: {  	s22 =	simm.s32 $0x1BFF;
	s21 =	sshll.u32 s7, $0x1;
	s4 =	sadd.s32 s5, s19  }
0x9d: {  	s8 =	simm.s32 $0x0;
	s20 =	sshll.u32 s6, $0x1;
	s6 =	sadd.s32 s21, s4  }
0x9e: {  	[timem:s8], [sflag:s22] =	dma.local [hbm:s6], s20  }
0x9f: {  	_ =	swait.ge [sflag:s22], s20  }
0xa0: {  	s5 =	ssub.s32 $0x0, s20;
	[sflag:s22] =	ssyncset.done $0x0  }
0xa1: {  	[sflag:s22] =	ssyncadd.s32 s5;
	_ =	sdelay $0x1  }
0xa2: {  	s23 =	simm.s32 $0x1B8B  }
0xa3: {  	_ =	swait.ge [sflag:s23], $0x1  }
0xa4: {  	[sflag:s23] =	ssyncset.done $0x0  }
0xa5: {  	s25 =	simm.s32 $0x1B8E;
	s24 =	sld [smem:$0x3FFE];
	[sflag:s23] =	ssyncadd.s32 $0xFFFFFFFF  }
0xa6: {  	s26 =	simm.s32 $execute0_lowered;
	[smem:$0x3FD2] =	sst s25  }
0xa7: {  	s6 =	sshll.u32 s26, $0x1;
	_ =	strace $0x80000046;
	[dreg:$0x1] =	wrdreg $0xFFFFFFFF  }
0xa8: {  	s28 =	simm.s32 $_size_execute0_lowered;
	s4 =	sadd.s32 s4, s6;
	[dreg:$0x0] =	wrdreg $0x0  }
0xa9: {  	s6 =	sshll.u32 s28, $0x1;
	[dreg:$0x2] =	wrdreg s4  }
0xaa: {  	[dreg:$0x3] =	wrdreg s6  }
0xab: {  	[dreg:$0x4] =	wrdreg $0xC0  }
0xac: {  	_ =	task [dreg:s8], $0x5FFFF  }
0xad: {  	[dreg:$0x1] =	wrdreg $0xFFFFFFFF  }
0xae: {  	[dreg:$0x0] =	wrdreg $0x60  }
0xaf: {  	[dreg:$0x2] =	wrdreg s2  }
0xb0: {  	[dreg:$0x3] =	wrdreg s18  }
0xb1: {  	[dreg:$0x4] =	wrdreg s24  }
0xb2: {  	[dreg:$0x5] =	wrdreg $0x9  }
0xb3: {  	_ =	task.clear_ibuf [dreg:s8], $0x6FFFF;
	_ =	strace $0x90000046  }
0xb4: {  	s29 =	simm.s32 $0x9;
	_ =	strace $0x80000048  }
0xb5: {  	_ =	swait.ge [sflag:s29], $0x1  }
0xb6: {  	[sflag:s29] =	ssyncadd.s32 $0xFFFFFFFF  }
0xb7: {  	_ =	strace $0x90000048  }
0xb8: {  	_ =	sfence  }
0xb9: {  	s30 =	sld [smem:$0x0];
	_ =	sdelay $0x2  }
0xba: {  	s31 =	sshll.u32 s1, $0xD;
	s1 =	sshrl.u32 s1, $0x2  }
0xbb: {  	s3 =	sand.u32 $0x4000, s31;
	s1 =	sadd.s32 s1, s30  }
0xbc: {  	s0 =	sor.u32 s3, s0;
	s1 =	sshll.u32 s1, $0x11  }
0xbd: {  	s0 =	sor.u32 s1, s0  }
0xbe: {  	s0 =	sadd.s32 $0x8F2B, s0  }
0xbf: {  	[sflag:s0] =	ssyncadd.remote.s32 $0x1  }
0xc0: {  	_ =	sfence.sel $0xFFFF  }
0xc1: {  	[dreg:$0x0] =	wrdreg $0xFFFFFFFF;
	(pc) =	sbr.abs _section_cstart, $3  }
0xc2: {  	[dreg:$0x1] =	wrdreg $0xFFFFFFFF  }
0xc3: {  	_ =	task.clear_ibuf [dreg:s8], $0x2FFFF;
	_ =	strace $0x9FFFFFFF  }
0xc4: {  	(tm) =	ssettm $0x7FFFFFFF  }
0xc5: {  	_ =	shalt  }
tec
execute0_lowered:
.L_overlay_start_1:
0x0: {  	(tag) =	ssettag $0x1  }
0x1: {  	v0 =	vimm.s32 $0x1380;
	vm14 =	vcmask $0x300  }
0x2: {  	vm13 =	vcmask $0x704;
	vm12 =	vcmask $0xB08;
	vm11 =	vcmask $0xF0C  }
0x3: {  	vm10 =	vcmask $0x1310;
	vm9 =	vcmask $0x1714;
	vm8 =	vcmask $0x1B18  }
0x4: {  	vm7 =	vcmask $0x1F1C;
	vm6 =	vcmask $0x2320;
	vm5 =	vcmask $0x2724  }
0x5: {  	vm4 =	vcmask $0x2B28;
	vm3 =	vcmask $0x2F2C;
	vm2 =	vcmask $0x3330  }
0x6: {  	vm0 =	vcmask $0x3734;
	vm1 =	vcmask $0x3B38;
	v3 =	vimm.f32 $0.0e+00  }
0x7: {  	v5 =	vimm.s32 $0x3380;
	v6 =	vimm.s32 $0x5380;
	v7 =	vimm.s32 $0x7380  }
0x8: {  	v0 =	vsel vm14, $0x0, v0;
	v5 =	vsel vm14, $0x2000, v5;
	v6 =	vsel vm14, $0x4000, v6  }
0x9: {  	v7 =	vsel vm14, $0x6000, v7;
	v0 =	vsel vm13, $0x80, v0;
	v5 =	vsel vm13, $0x2080, v5  }
0xa: {  	v6 =	vsel vm13, $0x4080, v6;
	v7 =	vsel vm13, $0x6080, v7;
	v0 =	vsel vm12, $0x100, v0  }
0xb: {  	v5 =	vsel vm12, $0x2100, v5;
	v6 =	vsel vm12, $0x4100, v6;
	v7 =	vsel vm12, $0x6100, v7  }
0xc: {  	v0 =	vsel vm11, $0x180, v0;
	v5 =	vsel vm11, $0x2180, v5;
	v6 =	vsel vm11, $0x4180, v6  }
0xd: {  	v7 =	vsel vm11, $0x6180, v7;
	v0 =	vsel vm10, $0x200, v0;
	v5 =	vsel vm10, $0x2200, v5  }
0xe: {  	v6 =	vsel vm10, $0x4200, v6;
	v7 =	vsel vm10, $0x6200, v7;
	v0 =	vsel vm9, $0x280, v0  }
0xf: {  	v5 =	vsel vm9, $0x2280, v5;
	v6 =	vsel vm9, $0x4280, v6;
	v7 =	vsel vm9, $0x6280, v7  }
0x10: {  	s2 =	rddreg [dreg:$0x1];
	v0 =	vsel vm8, $0x300, v0;
	v5 =	vsel vm8, $0x2300, v5;
	v6 =	vsel vm8, $0x4300, v6  }
0x11: {  	s1 =	srdreg.scid;
	s6 =	rddreg [dreg:$0x2];
	v7 =	vsel vm8, $0x6300, v7;
	v0 =	vsel vm7, $0x380, v0;
	v5 =	vsel vm7, $0x2380, v5  }
0x12: {  	s0 =	stileid.u32;
	s3 =	rddreg [dreg:$0x3];
	v6 =	vsel vm7, $0x4380, v6;
	v7 =	vsel vm7, $0x6380, v7;
	v0 =	vsel vm6, $0x1000, v0  }
0x13: {  	s4 =	simm.s32 $0x0;
	s13 =	simm.s32 $0x1000;
	s15 =	simm.s32 $0x7A1400;
	v5 =	vsel vm6, $0x3000, v5;
	v6 =	vsel vm6, $0x5000, v6;
	v7 =	vsel vm6, $0x7000, v7  }
0x14: {  	s14 =	simm.s32 $0x4;
	s16 =	simm.s32 $0x8000;
	s17 =	simm.s32 $0x10000;
	v0 =	vsel vm5, $0x1080, v0;
	v5 =	vsel vm5, $0x3080, v5;
	v6 =	vsel vm5, $0x5080, v6  }
0x15: {  	s18 =	simm.s32 $0x4000;
	s5 =	sand.u32 $0x1, s1;
	s31 =	sshll.u32 s0, $0x1;
	v7 =	vsel vm5, $0x7080, v7;
	v0 =	vsel vm4, $0x1100, v0;
	v5 =	vsel vm4, $0x3100, v5  }
0x16: {  	s19 =	simm.s32 $0x1;
	[smem:$0x7FF] =	sst s4;
	s20 =	sor.u32 s5, s31;
	v6 =	vsel vm4, $0x5100, v6;
	v7 =	vsel vm4, $0x7100, v7;
	v1 =	vsel vm3, $0x1180, v0  }
0x17: {  	s21 =	simm.s32 $0x0;
	s1 =	rddreg [dreg:$0x0];
	_ =	strace $0x80000047;
	v0 =	vmov s20;
	v5 =	vsel vm3, $0x3180, v5;
	v6 =	vsel vm3, $0x5180, v6  }
.Ltmp0:
0x18: {  	s7 =	ssub.s32 $0x2, s5;
	s5 =	sadd.s32 $0x600, s6;
	v7 =	vsel vm3, $0x7180, v7;
	v2 =	vsel vm2, $0x1200, v1;
	v1 =	vimm.s32 $0x0;
	(pc) =	sbr.rel .LBB2_1-.Ltmp0, $4  }
0x19: {  	s6 =	sadd.s32 $0xA00, s6;
	s8 =	sshrl.u32 s7, $0x1;
	s9 =	sshll.u32 s20, $0x9;
	v5 =	vsel vm2, $0x3200, v5;
	v6 =	vsel vm2, $0x5200, v6;
	v7 =	vsel vm2, $0x7200, v7  }
0x1a: {  	s10 =	ssub.s32 $0x7A1, s20;
	s11 =	sor.u32 $0x60, s20;
	p0 =	sne.s32 s20, $0x1;
	v4 =	vsel vm0, $0x1280, v2;
	v2 =	vlaneseq.u32;
	v5 =	vsel vm0, $0x3280, v5  }
0x1b: {  	s12 =	ssub.s32 s7, s8;
	s7 =	sadd.s32 s2, s9;
	s9 =	sor.u32 $0x40, s20;
	v6 =	vsel vm0, $0x5280, v6;
	v7 =	vsel vm0, $0x7280, v7;
	v4 =	vsel vm1, $0x1300, v4  }
0x1c: {  	s8 =	sadd.s32 $0x4000, s7;
	s12 =	smax.u32 s12, $0x1;
	s20 =	simm.s32 $0x3;
	v5 =	vsel vm1, $0x3300, v5;
	v6 =	vsel vm1, $0x5300, v6;
	v7 =	vsel vm1, $0x7300, v7  }
.LBB2_31:
0x1d: {  	[sflag:s20] =	ssyncadd.s32 $0xFFFFFF80  }
.LBB2_32:
0x1e: {  	s21 =	sadd.s32 $0x1, s21  }
0x1f: {  	p1 =	sne.s32 s21, s12  }
.Ltmp1:
0x20: {  	_ = 	snop;
	(pc) =	sbr.rel @!p1 .LBB2_33-.Ltmp1, $1  }
0x21: {  	_ =	sdelay $0x3  }
.LBB2_1:
0x22: {  	[tilespmem:s4], [sflag:$0x4] =	stream.linear.gather [hbm4b:s1+s4], $0x4000, $0x38;
	[tilespmem:$0x18800] =	vst v63  }
0x23: {  	_ =	swait.ge [sflag:s14], $0x4000  }
0x24: {  	[sflag:s14] =	ssyncset.done $0x0  }
0x25: {  	[sflag:s14] =	ssyncadd.s32 $0xFFFFC000  }
0x26: {  	[tilespmem:s16], [sflag:$0x1] =	stream.strided.gather [hbm4b:s7+s13], $0x8000, s15, s13, $0x38;
	[tilespmem:$0x18800] =	vst v63  }
0x27: {  	_ = 	snop  }
0x28: {  	[tilespmem:s17], [sflag:$0x2] =	stream.strided.gather [hbm4b:s8+s13], $0x8000, s15, s13, $0x38;
	[tilespmem:$0x18800] =	vst v63  }
0x29: {  	v9 =	vld [tilespmem:s4+$0x0];
	_ =	sdelay $0x4  }
0x2a: {  	v8 =	vshrl.u32 v9, $0x9  }
0x2b: {  	v8 =	vand.u32 $0x1F, v8  }
0x2c: {  	vm0 =	veq.s32 v8, v0  }
0x2d: {  	v8 =	vsel vm0, $0x1, v1;
	v10 =	vmpcnt.ones.xlane vm0  }
0x2e: {  	(xrf0) =	vadd.scan.msk.s32 $0xffff, v8  }
0x2f: {  	(v2sf) =	vpush v10, $0x0;
	_ =	sdelay $0x1  }
0x30: {  	v8 =	vmov s4  }
0x31: {  	v8 =	vadd.s32 $0xFFFFFFFF, v8  }
0x32: {  	v8 =	vbroadcast v8, $0x0  }
0x33: {  	v10, _, _ =	vpop (xrf0)  }
0x34: {  	s22 =	simm.s32 $0x10;
	s25 =	simm.s32 $0x20;
	v11 =	vshll.u32 v9, $0xE;
	v8 =	vadd.s32 v8, v10  }
0x35: {  	s26 =	simm.s32 $0x0;
	s24 =	simm.s32 $0x0;
	s23 =	simm.s32 $0x0;
	v9 =	vshll.u32 v9, $0x9;
	v10 =	vand.u32 $0x7FC000, v11  }
.LBB2_2:
0x36: {  	p1 =	sne.s32 s25, $0x3FF0;
	v9 =	vand.u32 $0xFF800000, v9;
	v10 =	vor.u32 s26, v10;
	s26 =	smov.u32 s22;
	s22 =	smov.u32 s25  }
0x37: {  	v9 =	vor.u32 v9, v10  }
0x38: {  	v9 =	vor.u32 v2, v9  }
0x39: {  	s24 =	sadd.s32 $0x10, s24;
	[tilespmem:v8+s18+$0x0] =	vst.idx.msk vm0, v9  }
0x3a: {  	v9 =	vld [tilespmem:s24+$0x0];
	_ =	sdelay $0x2  }
0x3b: {  	s28 =	spop (v2sf)  }
0x3c: {  	s23 =	sadd.s32 s23, s28  }
0x3d: {  	v8 =	vshrl.u32 v9, $0x9  }
0x3e: {  	v8 =	vand.u32 $0x1F, v8  }
0x3f: {  	vm0 =	veq.s32 v8, v0  }
0x40: {  	v8 =	vsel vm0, $0x1, v1;
	v10 =	vmpcnt.ones.xlane vm0  }
0x41: {  	(xrf0) =	vadd.scan.msk.s32 $0xffff, v8  }
0x42: {  	(v2sf) =	vpush v10, $0x0;
	_ =	sdelay $0x1  }
0x43: {  	v8 =	vmov s23  }
.Ltmp2:
0x44: {  	v8 =	vadd.s32 $0xFFFFFFFF, v8;
	(pc) =	sbr.rel @p1 .LBB2_2-.Ltmp2, $4  }
0x45: {  	v8 =	vbroadcast v8, $0x0  }
0x46: {  	v10, _, _ =	vpop (xrf0)  }
0x47: {  	v11 =	vshll.u32 v9, $0xE;
	v8 =	vadd.s32 v8, v10  }
0x48: {  	s25 =	sadd.s32 $0x10, s25;
	v9 =	vshll.u32 v9, $0x9;
	v10 =	vand.u32 $0x7FC000, v11  }
0x49: {  	_ =	sdelay $0x1  }
0x4a: {  	v9 =	vand.u32 $0xFF800000, v9;
	v10 =	vor.u32 s26, v10  }
0x4b: {  	v9 =	vor.u32 v9, v10  }
0x4c: {  	v9 =	vor.u32 v2, v9  }
0x4d: {  	s24 =	sadd.s32 $0x10, s24;
	[tilespmem:v8+s18+$0x0] =	vst.idx.msk vm0, v9  }
0x4e: {  	v8 =	vld [tilespmem:s24+$0x0];
	_ =	sdelay $0x4  }
0x4f: {  	v9 =	vshrl.u32 v8, $0x9  }
0x50: {  	v9 =	vand.u32 $0x1F, v9  }
0x51: {  	vm15 =	veq.s32 v9, v0  }
0x52: {  	v9 =	vmpcnt.ones.xlane vm15;
	_ =	sdelay $0x1  }
0x53: {  	(v2sf) =	vpush v9, $0x0;
	_ =	sdelay $0x5  }
0x54: {  	v9 =	vsel vm15, $0x1, v1  }
0x55: {  	(xrf0) =	vadd.scan.msk.s32 $0xffff, v9  }
0x56: {  	s29 =	spop (v2sf)  }
0x57: {  	s23 =	sadd.s32 s23, s29  }
0x58: {  	v9 =	vmov s23  }
0x59: {  	v9 =	vadd.s32 $0xFFFFFFFF, v9  }
0x5a: {  	v9 =	vbroadcast v9, $0x0  }
0x5b: {  	v10, _, _ =	vpop (xrf0)  }
0x5c: {  	v11 =	vshll.u32 v8, $0xE;
	v9 =	vadd.s32 v9, v10  }
.Ltmp3:
0x5d: {  	v8 =	vshll.u32 v8, $0x9;
	v10 =	vand.u32 $0x7FC000, v11;
	s30 =	spop (v2sf);
	(pc) =	sbr.rel .LBB2_4-.Ltmp3, $4  }
0x5e: {  	v8 =	vand.u32 $0xFF800000, v8;
	v10 =	vor.u32 s22, v10;
	s31 =	sadd.s32 s23, s30  }
0x5f: {  	v8 =	vor.u32 v8, v10;
	s23 =	sadd.s32 $0xF, s31  }
0x60: {  	v8 =	vor.u32 v2, v8;
	s23 =	sshra.s32 s23, $0x4  }
0x61: {  	s24 =	simm.s32 $0x0;
	s22 =	simm.s32 $0x0;
	[tilespmem:v9+s18+$0x0] =	vst.idx.msk vm15, v8;
	v8 =	vmov s31;
	p1 =	slt.s32 s23, $0x1  }
.LBB2_11:
0x62: {  	s22 =	smov.u32 @p2 s22  }
.LBB2_17:
0x63: {  	s25 =	sadd.s32 s11, s25  }
0x64: {  	p2 =	sgt.u32 s25, $0x7A0  }
0x65: {  	s24 =	sadd.s32 $0x1, s24;
	s25 =	sshll.u32 @!p2 s25, $0x9;
	s26 =	simm.s32 @!p2 $0x1000  }
0x66: {  	s28 =	simm.s32 @!p2 $0x7A1400;
	s29 =	simm.s32 @!p2 $0x10000;
	s25 =	sadd.s32 @!p2 s2, s25  }
0x67: {  	[tilespmem:s29], [sflag:$0x2] =	stream.strided.gather @!p2 [hbm4b:s25+s26], $0x8000, s28, s26, $0x38;
	[tilespmem:$0x18800] =	vst v63  }
0x68: {  	p2 =	sne.s32 s24, $0x1F  }
.Ltmp4:
0x69: {  	_ = 	snop;
	(pc) =	sbr.rel @!p2 .LBB2_18-.Ltmp4, $1  }
0x6a: {  	_ =	sdelay $0x3  }
.LBB2_4:
.Ltmp5:
0x6b: {  	(pc) =	sbr.rel @p1 .LBB2_10-.Ltmp5, $4  }
0x6c: {  	_ = 	snop  }
0x6d: {  	_ =	swait.ge [sflag:s19], $0x8000  }
0x6e: {  	[sflag:s19] =	ssyncset.done $0x0  }
0x6f: {  	s26 =	sshll.u32 s24, $0x1;
	[sflag:s19] =	ssyncadd.s32 $0xFFFF8000  }
.Ltmp6:
0x70: {  	(pc) =	sbr.rel .LBB2_6-.Ltmp6, $2  }
0x71: {  	_ =	sdelay $0x2  }
0x72: {  	v9 =	vmov s26;
	s25 =	simm.s32 $0x0  }
.LBB2_9:
0x73: {  	s25 =	sadd.s32 $0x1, s25  }
0x74: {  	p2 =	sne.s32 s25, s23  }
.Ltmp7:
0x75: {  	_ = 	snop;
	(pc) =	sbr.rel @!p2 .LBB2_10-.Ltmp7, $1  }
0x76: {  	_ =	sdelay $0x3  }
.LBB2_6:
0x77: {  	s28 =	sshll.u32 s25, $0x4  }
0x78: {  	v10 =	vld [tilespmem:s28+$0x4000];
	_ =	sdelay $0x4  }
0x79: {  	v11 =	vor.u32 s28, v2;
	v12 =	vshra.s32 v10, $0x17  }
0x7a: {  	vm0 =	vlt.s32 v11, v8;
	vm1 =	veq.s32 v12, v9  }
0x7b: {  	vm0 =	vmand vm0, vm1  }
0x7c: {  	v11 =	vsel vm0, $0x3F800000, v3  }
0x7d: {  	(xrf0) =	vmax.scan.msk.f32 $0xffff, v11;
	_ =	sdelay $0x5  }
0x7e: {  	v11, _, _ =	vpop (xrf0)  }
0x7f: {  	(v2sf) =	vpush v11, $0xF;
	_ =	sdelay $0xe  }
0x80: {  	s31 =	spop (v2sf)  }
0x81: {  	p2 =	sgt.f32 s31, $0.0e+00  }
.Ltmp8:
0x82: {  	_ = 	snop;
	(pc) =	sbr.rel @!p2 .LBB2_9-.Ltmp8, $1  }
0x83: {  	_ =	sdelay $0x3  }
0x84: {  	s28 =	sshll.u32 s22, $0x7  }
.LBB2_8:
0x85: {  	v11 =	vmctz.xlane vm0;
	_ =	sdelay $0x1  }
0x86: {  	v11 =	vbroadcast v11, $0x0;
	_ =	sdelay $0x1  }
0x87: {  	vm1 =	veq.s32 v11, v2  }
0x88: {  	v12 =	vnsel vm1, $0x0, v10  }
0x89: {  	(xrf0) =	vadd.scan.msk.s32 $0xffff, v12;
	_ =	sdelay $0x5  }
0x8a: {  	v12, _, _ =	vpop (xrf0)  }
0x8b: {  	(v2sf) =	vpush v12, $0xF;
	_ =	sdelay $0xe  }
0x8c: {  	s29 =	spop (v2sf)  }
0x8d: {  	s30 =	sshrl.u32 s29, $0xE  }
0x8e: {  	s30 =	sand.u32 $0x1FF, s30  }
0x8f: {  	v62 =	vmov s30  }
0x90: {  	v13 =	vshll.u32 v62, $0x3  }
0x91: {  	v12 =	vand.u32 $0x7F, v62;
	v13 =	vand.u32 $0xC00, v13  }
0x92: {  	v12 =	vor.u32 v12, v13  }
0x93: {  	p2 =	slt.s32 s22, $0x10;
	v13 =	vor.u32 v4, v12  }
0x94: {  	s30 =	simm.s32 @!p2 $0x3  }
0x95: {  	_ =	swait.ge @!p2 [sflag:s30], $0x80  }
0x96: {  	[sflag:s30] =	ssyncset.done @!p2 $0x0  }
0x97: {  	[sflag:s30] =	ssyncadd.s32 @!p2 $0xFFFFFF80  }
0x98: {  	vm1 =	vne.s32 v11, v2;
	v13 =	vld.idx.msk [tilespmem:v13+s16+$0x0], $0xffff  }
0x99: {  	vm0 =	vmand vm0, vm1;
	v11 =	vor.u32 v5, v12  }
0x9a: {  	v14 =	vsel vm0, $0x3F800000, v3  }
0x9b: {  	(xrf0) =	vmax.scan.msk.f32 $0xffff, v14  }
0x9c: {  	s30 =	sand.u32 $0x780, s28  }
0x9d: {  	[tilespmem:s30+$0x18000] =	vst v13  }
0x9e: {  	v11 =	vld.idx.msk [tilespmem:v11+s16+$0x0], $0xffff  }
0x9f: {  	v63 =	vor.u32 v6, v12;
	_ =	sdelay $0x1  }
0xa0: {  	v14, _, _ =	vpop (xrf0)  }
0xa1: {  	(v2sf) =	vpush v14, $0xF  }
0xa2: {  	[tilespmem:s30+$0x18010] =	vst v11  }
0xa3: {  	v11 =	vld.idx.msk [tilespmem:v63+s16+$0x0], $0xffff  }
0xa4: {  	v12 =	vor.u32 v7, v12;
	_ =	sdelay $0x3  }
0xa5: {  	[tilespmem:s30+$0x18020] =	vst v11  }
0xa6: {  	v11 =	vld.idx.msk [tilespmem:v12+s16+$0x0], $0xffff;
	_ =	sdelay $0x2  }
0xa7: {  	s29 =	sshll.u32 s29, $0x4  }
0xa8: {  	s29 =	sand.u32 $0x3FFF0, s29  }
0xa9: {  	s29 =	sadd.s32 s6, s29;
	s31 =	sor.u32 $0x18000, s30;
	[tilespmem:s30+$0x18030] =	vst v11  }
0xaa: {  	[hbm4b:s29+s4] =	stream.linear.scatter [tilespmem:s31], [sflag:$0x3], $0x80, $0x38;
	[tilespmem:$0x18800] =	vst v63  }
0xab: {  	s31 =	spop (v2sf)  }
0xac: {  	p2 =	sgt.f32 s31, $0.0e+00  }
.Ltmp9:
0xad: {  	_ = 	snop;
	(pc) =	sbr.rel @p2 .LBB2_8-.Ltmp9, $2  }
0xae: {  	_ =	sdelay $0x2  }
0xaf: {  	s22 =	sadd.s32 $0x1, s22;
	s28 =	sadd.s32 $0x80, s28  }
.Ltmp10:
0xb0: {  	_ = 	snop;
	(pc) =	sbr.rel .LBB2_9-.Ltmp10, $1  }
0xb1: {  	_ =	sdelay $0x3  }
.LBB2_10:
0xb2: {  	s25 =	sshll.u32 s24, $0x6  }
0xb3: {  	s28 =	sadd.s32 s9, s25  }
0xb4: {  	p2 =	sgt.u32 s28, $0x7A0  }
0xb5: {  	s26 =	sor.u32 $0x1, s26;
	s28 =	sshll.u32 @!p2 s28, $0x9;
	s29 =	simm.s32 @!p2 $0x1000  }
0xb6: {  	s30 =	simm.s32 @!p2 $0x7A1400;
	s31 =	simm.s32 @!p2 $0x8000;
	s28 =	sadd.s32 @!p2 s2, s28  }
0xb7: {  	[tilespmem:s31], [sflag:$0x1] =	stream.strided.gather @!p2 [hbm4b:s28+s29], $0x8000, s30, s29, $0x38;
	[tilespmem:$0x18800] =	vst v63  }
0xb8: {  	s31 =	sshll.u32 s26, $0x5  }
0xb9: {  	p2 =	sge.u32 s31, s10  }
0xba: {  	p3 =	slt.s32 @!p2 s23, $0x1  }
0xbb: {  	p3 =	por p2, p3  }
.Ltmp11:
0xbc: {  	_ = 	snop;
	(pc) =	sbr.rel @p3 .LBB2_11-.Ltmp11, $4  }
0xbd: {  	s28 =	simm.s32 @!p2 $0x2  }
0xbe: {  	_ =	swait.ge @!p2 [sflag:s28], $0x8000  }
0xbf: {  	[sflag:s28] =	ssyncset.done @!p2 $0x0  }
0xc0: {  	[sflag:s28] =	ssyncadd.s32 @!p2 $0xFFFF8000  }
.Ltmp12:
0xc1: {  	(pc) =	sbr.rel .LBB2_13-.Ltmp12, $2  }
0xc2: {  	_ =	sdelay $0x2  }
0xc3: {  	v9 =	vmov s26;
	s26 =	simm.s32 $0x0  }
.LBB2_16:
0xc4: {  	s26 =	sadd.s32 $0x1, s26  }
0xc5: {  	p2 =	sne.s32 s26, s23  }
.Ltmp13:
0xc6: {  	_ = 	snop;
	(pc) =	sbr.rel @!p2 .LBB2_17-.Ltmp13, $1  }
0xc7: {  	_ =	sdelay $0x3  }
.LBB2_13:
0xc8: {  	s28 =	sshll.u32 s26, $0x4  }
0xc9: {  	v10 =	vld [tilespmem:s28+$0x4000];
	_ =	sdelay $0x4  }
0xca: {  	v11 =	vor.u32 s28, v2;
	v12 =	vshra.s32 v10, $0x17  }
0xcb: {  	vm0 =	vlt.s32 v11, v8;
	vm1 =	veq.s32 v12, v9  }
0xcc: {  	vm0 =	vmand vm0, vm1  }
0xcd: {  	v11 =	vsel vm0, $0x3F800000, v3  }
0xce: {  	(xrf0) =	vmax.scan.msk.f32 $0xffff, v11;
	_ =	sdelay $0x5  }
0xcf: {  	v11, _, _ =	vpop (xrf0)  }
0xd0: {  	(v2sf) =	vpush v11, $0xF;
	_ =	sdelay $0xe  }
0xd1: {  	s31 =	spop (v2sf)  }
0xd2: {  	p2 =	sgt.f32 s31, $0.0e+00  }
.Ltmp14:
0xd3: {  	_ = 	snop;
	(pc) =	sbr.rel @!p2 .LBB2_16-.Ltmp14, $1  }
0xd4: {  	_ =	sdelay $0x3  }
0xd5: {  	s28 =	sshll.u32 s22, $0x7  }
.LBB2_15:
0xd6: {  	v11 =	vmctz.xlane vm0;
	_ =	sdelay $0x1  }
0xd7: {  	v11 =	vbroadcast v11, $0x0;
	_ =	sdelay $0x1  }
0xd8: {  	vm1 =	veq.s32 v11, v2  }
0xd9: {  	v12 =	vnsel vm1, $0x0, v10  }
0xda: {  	(xrf0) =	vadd.scan.msk.s32 $0xffff, v12;
	_ =	sdelay $0x5  }
0xdb: {  	v12, _, _ =	vpop (xrf0)  }
0xdc: {  	(v2sf) =	vpush v12, $0xF;
	_ =	sdelay $0xe  }
0xdd: {  	s29 =	spop (v2sf)  }
0xde: {  	s30 =	sshrl.u32 s29, $0xE  }
0xdf: {  	s30 =	sand.u32 $0x1FF, s30  }
0xe0: {  	v62 =	vmov s30  }
0xe1: {  	v13 =	vshll.u32 v62, $0x3  }
0xe2: {  	v12 =	vand.u32 $0x7F, v62;
	v13 =	vand.u32 $0xC00, v13  }
0xe3: {  	v12 =	vor.u32 v12, v13  }
0xe4: {  	p2 =	slt.s32 s22, $0x10;
	v13 =	vor.u32 v4, v12  }
0xe5: {  	s30 =	simm.s32 @!p2 $0x3  }
0xe6: {  	_ =	swait.ge @!p2 [sflag:s30], $0x80  }
0xe7: {  	[sflag:s30] =	ssyncset.done @!p2 $0x0  }
0xe8: {  	[sflag:s30] =	ssyncadd.s32 @!p2 $0xFFFFFF80  }
0xe9: {  	vm1 =	vne.s32 v11, v2;
	v13 =	vld.idx.msk [tilespmem:v13+s17+$0x0], $0xffff  }
0xea: {  	vm0 =	vmand vm0, vm1;
	v11 =	vor.u32 v5, v12  }
0xeb: {  	v14 =	vsel vm0, $0x3F800000, v3  }
0xec: {  	(xrf0) =	vmax.scan.msk.f32 $0xffff, v14  }
0xed: {  	s30 =	sand.u32 $0x780, s28  }
0xee: {  	[tilespmem:s30+$0x18000] =	vst v13  }
0xef: {  	v11 =	vld.idx.msk [tilespmem:v11+s17+$0x0], $0xffff  }
0xf0: {  	v63 =	vor.u32 v6, v12;
	_ =	sdelay $0x1  }
0xf1: {  	v14, _, _ =	vpop (xrf0)  }
0xf2: {  	(v2sf) =	vpush v14, $0xF  }
0xf3: {  	[tilespmem:s30+$0x18010] =	vst v11  }
0xf4: {  	v11 =	vld.idx.msk [tilespmem:v63+s17+$0x0], $0xffff  }
0xf5: {  	v12 =	vor.u32 v7, v12;
	_ =	sdelay $0x3  }
0xf6: {  	[tilespmem:s30+$0x18020] =	vst v11  }
0xf7: {  	v11 =	vld.idx.msk [tilespmem:v12+s17+$0x0], $0xffff;
	_ =	sdelay $0x2  }
0xf8: {  	s29 =	sshll.u32 s29, $0x4  }
0xf9: {  	s29 =	sand.u32 $0x3FFF0, s29  }
0xfa: {  	s29 =	sadd.s32 s6, s29;
	s31 =	sor.u32 $0x18000, s30;
	[tilespmem:s30+$0x18030] =	vst v11  }
0xfb: {  	[hbm4b:s29+s4] =	stream.linear.scatter [tilespmem:s31], [sflag:$0x3], $0x80, $0x38;
	[tilespmem:$0x18800] =	vst v63  }
0xfc: {  	s31 =	spop (v2sf)  }
0xfd: {  	p2 =	sgt.f32 s31, $0.0e+00  }
.Ltmp15:
0xfe: {  	_ = 	snop;
	(pc) =	sbr.rel @p2 .LBB2_15-.Ltmp15, $2  }
0xff: {  	_ =	sdelay $0x2  }
0x100: {  	s22 =	sadd.s32 $0x1, s22;
	s28 =	sadd.s32 $0x80, s28  }
.Ltmp16:
0x101: {  	_ = 	snop;
	(pc) =	sbr.rel .LBB2_16-.Ltmp16, $1  }
0x102: {  	_ =	sdelay $0x3  }
.LBB2_18:
.Ltmp17:
0x103: {  	(pc) =	sbr.rel @p0 .LBB2_28-.Ltmp17, $1  }
0x104: {  	_ =	sdelay $0x3  }
.Ltmp18:
0x105: {  	(pc) =	sbr.rel @!p1 .LBB2_20-.Ltmp18, $2  }
0x106: {  	_ =	sdelay $0x2  }
0x107: {  	s24 =	simm.s32 $0x0  }
.LBB2_24:
0x108: {  	p1 =	slt.s32 s22, $0x1  }
.Ltmp19:
0x109: {  	_ = 	snop;
	(pc) =	sbr.rel @p1 .LBB2_32-.Ltmp19, $1  }
0x10a: {  	_ =	sdelay $0x3  }
0x10b: {  	p1 =	slt.s32 s22, $0x10  }
0x10c: {  	s22 =	simm.s32 @!p1 $0x10  }
0x10d: {  	p1 =	seq.s32 s22, $0x1  }
.Ltmp20:
0x10e: {  	_ = 	snop;
	(pc) =	sbr.rel @p1 .LBB2_27-.Ltmp20, $3  }
0x10f: {  	_ =	sdelay $0x1  }
0x110: {  	_ =	swait.ge [sflag:s20], $0x80  }
0x111: {  	[sflag:s20] =	ssyncset.done $0x0;
	s22 =	sadd.s32 $0xFFFFFFFF, s22  }
.LBB2_26:
0x112: {  	p1 =	seq.s32 s22, $0x1;
	s22 =	sadd.s32 $0xFFFFFFFF, s22;
	[sflag:s20] =	ssyncadd.s32 $0xFFFFFF80  }
.Ltmp21:
0x113: {  	(pc) =	sbr.rel @!p1 .LBB2_26-.Ltmp21, $3  }
0x114: {  	_ =	sdelay $0x1  }
0x115: {  	_ =	swait.ge [sflag:s20], $0x80  }
0x116: {  	[sflag:s20] =	ssyncset.done $0x0  }
.LBB2_27:
.Ltmp22:
0x117: {  	(pc) =	sbr.rel .LBB2_32-.Ltmp22, $2  }
0x118: {  	_ =	sdelay $0x2  }
0x119: {  	[sflag:s20] =	ssyncadd.s32 $0xFFFFFF80  }
.LBB2_23:
0x11a: {  	s24 =	sadd.s32 $0x1, s24  }
0x11b: {  	p1 =	sne.s32 s24, s23  }
.Ltmp23:
0x11c: {  	_ = 	snop;
	(pc) =	sbr.rel @!p1 .LBB2_24-.Ltmp23, $1  }
0x11d: {  	_ =	sdelay $0x3  }
.LBB2_20:
0x11e: {  	s25 =	sshll.u32 s24, $0x4  }
0x11f: {  	v9 =	vld [tilespmem:s25+$0x4000];
	_ =	sdelay $0x4  }
0x120: {  	v10 =	vor.u32 s25, v2;
	v11 =	vand.u32 $0xFF800000, v9  }
0x121: {  	vm0 =	vlt.s32 v10, v8;
	vm1 =	veq.s32 v11, $0x1E800000  }
0x122: {  	vm0 =	vmand vm0, vm1  }
0x123: {  	v10 =	vsel vm0, $0x3F800000, v3  }
0x124: {  	(xrf0) =	vmax.scan.msk.f32 $0xffff, v10;
	_ =	sdelay $0x5  }
0x125: {  	v10, _, _ =	vpop (xrf0)  }
0x126: {  	(v2sf) =	vpush v10, $0xF;
	_ =	sdelay $0xe  }
0x127: {  	s31 =	spop (v2sf)  }
0x128: {  	p1 =	sgt.f32 s31, $0.0e+00  }
.Ltmp24:
0x129: {  	_ = 	snop;
	(pc) =	sbr.rel @!p1 .LBB2_23-.Ltmp24, $1  }
0x12a: {  	_ =	sdelay $0x3  }
0x12b: {  	s25 =	sshll.u32 s22, $0x7  }
.LBB2_22:
0x12c: {  	v10 =	vmctz.xlane vm0;
	_ =	sdelay $0x1  }
0x12d: {  	v10 =	vbroadcast v10, $0x0;
	_ =	sdelay $0x1  }
0x12e: {  	vm1 =	veq.s32 v10, v2  }
0x12f: {  	v11 =	vnsel vm1, $0x0, v9  }
0x130: {  	(xrf0) =	vadd.scan.msk.s32 $0xffff, v11;
	_ =	sdelay $0x5  }
0x131: {  	v11, _, _ =	vpop (xrf0)  }
0x132: {  	(v2sf) =	vpush v11, $0xF;
	_ =	sdelay $0xd  }
0x133: {  	p1 =	slt.s32 s22, $0x10  }
0x134: {  	s28 =	simm.s32 @!p1 $0x3;
	s26 =	spop (v2sf)  }
0x135: {  	_ =	swait.ge @!p1 [sflag:s28], $0x80;
	s29 =	sshrl.u32 s26, $0xA  }
0x136: {  	s30 =	sand.u32 $0x780, s25;
	[sflag:s28] =	ssyncset.done @!p1 $0x0;
	s29 =	sand.u32 $0x1FF0, s29  }
0x137: {  	s30 =	sor.u32 $0x18000, s30;
	vm1 =	vne.s32 v10, v2;
	[sflag:s28] =	ssyncadd.s32 @!p1 $0xFFFFFF80;
	s29 =	sadd.s32 s5, s29  }
0x138: {  	vm0 =	vmand vm0, vm1;
	[tilespmem:s30], [sflag:$0x4] =	stream.linear.gather [hbm4b:s29+s4], $0x80, $0x38;
	[tilespmem:$0x18800] =	vst v63  }
0x139: {  	v10 =	vsel vm0, $0x3F800000, v3;
	_ =	swait.ge [sflag:s14], $0x80  }
0x13a: {  	(xrf0) =	vmax.scan.msk.f32 $0xffff, v10;
	_ =	sdelay $0x5  }
0x13b: {  	v10, _, _ =	vpop (xrf0)  }
0x13c: {  	(v2sf) =	vpush v10, $0xF;
	_ =	sdelay $0xe  }
0x13d: {  	s31 =	spop (v2sf)  }
0x13e: {  	p1 =	sgt.f32 s31, $0.0e+00  }
.Ltmp25:
0x13f: {  	_ = 	snop;
	(pc) =	sbr.rel @p1 .LBB2_22-.Ltmp25, $4  }
0x140: {  	s26 =	sshll.u32 s26, $0x4  }
0x141: {  	s22 =	sadd.s32 $0x1, s22;
	s26 =	sand.u32 $0x3FFF0, s26;
	[sflag:s14] =	ssyncset.done $0x0  }
0x142: {  	s25 =	sadd.s32 $0x80, s25;
	s26 =	sadd.s32 s6, s26;
	[sflag:s14] =	ssyncadd.s32 $0xFFFFFF80  }
0x143: {  	[hbm4b:s26+s4] =	stream.linear.scatter [tilespmem:s30], [sflag:$0x3], $0x80, $0x38;
	[tilespmem:$0x18800] =	vst v63  }
.Ltmp26:
0x144: {  	_ = 	snop;
	(pc) =	sbr.rel .LBB2_23-.Ltmp26, $1  }
0x145: {  	_ =	sdelay $0x3  }
.LBB2_28:
0x146: {  	p1 =	slt.s32 s22, $0x1  }
.Ltmp27:
0x147: {  	_ = 	snop;
	(pc) =	sbr.rel @p1 .LBB2_32-.Ltmp27, $1  }
0x148: {  	_ =	sdelay $0x3  }
0x149: {  	p1 =	slt.s32 s22, $0x10  }
0x14a: {  	s22 =	simm.s32 @!p1 $0x10  }
0x14b: {  	p1 =	sne.s32 s22, $0x1  }
.Ltmp28:
0x14c: {  	_ = 	snop;
	(pc) =	sbr.rel @!p1 .LBB2_31-.Ltmp28, $3  }
0x14d: {  	_ =	sdelay $0x1  }
0x14e: {  	_ =	swait.ge [sflag:s20], $0x80  }
0x14f: {  	[sflag:s20] =	ssyncset.done $0x0;
	s22 =	sadd.s32 $0xFFFFFFFF, s22  }
.LBB2_30:
0x150: {  	p1 =	sne.s32 s22, $0x1;
	s22 =	sadd.s32 $0xFFFFFFFF, s22;
	[sflag:s20] =	ssyncadd.s32 $0xFFFFFF80  }
.Ltmp29:
0x151: {  	(pc) =	sbr.rel @p1 .LBB2_30-.Ltmp29, $3  }
0x152: {  	_ =	sdelay $0x1  }
0x153: {  	_ =	swait.ge [sflag:s20], $0x80  }
0x154: {  	[sflag:s20] =	ssyncset.done $0x0  }
.Ltmp30:
0x155: {  	_ = 	snop;
	(pc) =	sbr.rel .LBB2_31-.Ltmp30, $1  }
0x156: {  	_ =	sdelay $0x3  }
.LBB2_33:
0x157: {  	_ =	sfence.sel $0x180000  }
0x158: {  	[bflag:$0x0] =	sbarrier.arrive $0xFFFF  }
0x159: {  	p0 =	sne.s32 s0, $0x0;
	_ =	strace $0x90000047  }
0x15a: {  	s0 =	sadd.s32 @!p0 $0x100000, s3;
	[bflag:$0x2] =	sbarrier.arrive $0xFFFF  }
0x15b: {  	[sflag:s0] =	ssyncadd.tile.s32 @!p0 $0x1;
	_ =	shalt  }
.Lfunc_end2:
_tile_overlayer_lowered:
.L_overlay_start_2:
0x15c: {  	(tag) =	ssettag $0x2  }
0x15d: {  	s0 =	rddreg [dreg:$0x0];
	s2 =	stileid.u32  }
0x15e: {  	s1 =	rddreg [dreg:$0x1];
	p0 =	sne.s32 s2, $0x0  }
0x15f: {  	s3 =	rddreg [dreg:$0x2];
	[bflag:$0x3] =	sbarrier.arrive $0xFFFF;
	s2 =	simm.s32 @!p0 $0x1C04  }
0x160: {  	[timem:s3], [sflag:s2] =	dma.local @!p0 [hbm:s0], s1  }
0x161: {  	s0 =	simm.s32 @!p0 $0x4  }
0x162: {  	_ =	swait.ge @!p0 [sflag:s0], s1  }
0x163: {  	s1 =	ssub.s32 @!p0 $0x0, s1;
	[sflag:s0] =	ssyncset.done @!p0 $0x0  }
0x164: {  	[sflag:s0] =	ssyncadd.s32 @!p0 s1  }
0x165: {  	[bflag:$0x3] =	sbarrier.arrive $0xFFFF  }
0x166: {  	_ =	shalt  }

// kernel: kernel.7.cloned.1.call-start
scs
__scs_entry_jumppad:
0x0: {  	(pc) =	sbr.rel $0x88, $3  }
0x1: {  	(tag) =	ssettag $0x0;
	lr =	simm.s32 $0x1  }
0x2: {  	[smem:$0x3F9E] =	sst lr;
	_ =	strace $0xD0000000  }
0x3: {  	_ = 	snop  }
0x4: {  	_ = 	snop  }
0x5: {  	_ = 	snop  }
0x6: {  	_ = 	snop  }
0x7: {  	_ = 	snop  }
__scs_overlays_trampoline_lowered:
0x8: {  	[smem:$0x3FAD] =	sst s0  }
0x9: {  	[smem:$0x3FAE] =	sst s1  }
0xa: {  	[smem:$0x3FAF] =	sst s2  }
0xb: {  	[smem:$0x3FB0] =	sst s3  }
0xc: {  	[smem:$0x3FB1] =	sst s4  }
0xd: {  	[smem:$0x3FB2] =	sst s5  }
0xe: {  	[smem:$0x3FB3] =	sst s6  }
0xf: {  	[smem:$0x3FB4] =	sst s7  }
0x10: {  	[smem:$0x3FB5] =	sst s8  }
0x11: {  	[smem:$0x3FB6] =	sst s9;
	s0 =	simm.s32 @!p0 $0x0  }
0x12: {  	s1 =	sld [smem:$0x3F9C];
	s0 =	simm.s32 @p0 $0x1  }
0x13: {  	[smem:$0x3FB7] =	sst s0;
	s0 =	simm.s32 @!p1 $0x0  }
0x14: {  	s2 =	sld [smem:$0x3F9B];
	s0 =	simm.s32 @p1 $0x1  }
0x15: {  	[smem:$0x3FB8] =	sst s0;
	s0 =	simm.s32 @!p2 $0x0  }
0x16: {  	s3 =	sld [smem:$0x3FDB];
	s0 =	simm.s32 @p2 $0x1  }
0x17: {  	s4 =	simm.s32 $0x1BF5;
	[smem:$0x3FBA] =	sst s0  }
0x18: {  	s0 =	sld [smem:$0x3F9D];
	_ =	swait.ge [sflag:s4], $0x0  }
0x19: {  	s7 =	sld [smem:$0x3F9E]  }
0x1a: {  	s8 =	sadd.s32 $0xFFFFE003, lr  }
0x1b: {  	s9 =	sadd.s32 $0xFFFFFEF7, lr;
	s5 =	simm.s32 $0xFFFFFFFF;
	p2 =	slt.u32 s8, $0xFFFFF086  }
0x1c: {  	p1 =	slt.u32 s9, $0xF7A;
	s5 =	simm.s32 @!p2 $0x0  }
0x1d: {  	s5 =	simm.s32 @p1 $0x1;
	p0 =	seq.s32 s7, s2  }
0x1e: {  	s7 =	smul.u32 @!p0 $0xF7A, s2;
	p2 =	seq.s32 @!p0 s5, $0x0  }
0x1f: {  	s9 =	smul.u32 $0xF7A, s1;
	s8 =	simm.s32 @!p0 $0x1BF5;
	p2 =	por !p2, p0  }
0x20: {  	[sflag:s8] =	ssyncset.s32 @!p0 $0xFFFFF086;
	s6 =	sadd.s32 @!p0 s3, s7;
	s7 =	simm.s32 @!p0 $0x108  }
0x21: {  	s3 =	sadd.s32 s3, s9;
	s6 =	sadd.s32 @!p0 $0x88, s6;
	s7 =	simm.s32 @p2 $0x1082  }
0x22: {  	[simem:s7], [sflag:s8] =	dma.local @!p0 [hbm:s6], $0xF7A  }
0x23: {  	s9 =	sor.u32 $0xD0000000, s2;
	s6 =	simm.s32 $0x108;
	_ =	swait.ge @!p0 [sflag:s8], $0x0  }
0x24: {  	s3 =	sadd.s32 $0x88, s3;
	s6 =	simm.s32 @!p1 $0x1082;
	[sflag:s4] =	ssyncset.s32 $0xFFFFF086  }
0x25: {  	[simem:s6], [sflag:s4] =	dma.local [hbm:s3], $0xF7A  }
0x26: {  	[smem:$0x3F9E] =	sst s1;
	(tag) =	ssettag s2;
	_ =	strace s9  }
0x27: {  	s1 =	sld [smem:$0x3FAE]  }
0x28: {  	s2 =	sld [smem:$0x3FAF]  }
0x29: {  	s4 =	sld [smem:$0x3FB1]  }
0x2a: {  	p0 =	seq.s32 s5, $0x0;
	s5 =	sld [smem:$0x3FB2]  }
0x2b: {  	s6 =	sld [smem:$0x3FB3]  }
0x2c: {  	s7 =	sld [smem:$0x3FB4]  }
0x2d: {  	s3 =	simm.s32 $0x108;
	s8 =	sld [smem:$0x3FB5]  }
0x2e: {  	s3 =	simm.s32 @!p0 $0x1082;
	s9 =	sld [smem:$0x3FB6]  }
0x2f: {  	lr =	sadd.s32 s0, s3;
	s0 =	sld [smem:$0x3FAD]  }
0x30: {  	s3 =	sld [smem:$0x3FB0]  }
0x31: {  	[smem:$0x3FB9] =	sst s10  }
0x32: {  	s10 =	sld [smem:$0x3FB7];
	_ =	sdelay $0x3  }
0x33: {  	p0 =	seq.s32 s10, $0x1;
	s10 =	sld [smem:$0x3FB9];
	_ =	sdelay $0x3  }
0x34: {  	[smem:$0x3FB9] =	sst s10  }
0x35: {  	s10 =	sld [smem:$0x3FB8];
	_ =	sdelay $0x3  }
0x36: {  	p1 =	seq.s32 s10, $0x1;
	s10 =	sld [smem:$0x3FB9];
	_ =	sdelay $0x3  }
0x37: {  	[smem:$0x3FB9] =	sst s10  }
0x38: {  	s10 =	sld [smem:$0x3FBA]  }
0x39: {  	_ = 	snop;
	(pc) =	sbr.ind lr, $3  }
0x3a: {  	_ = 	snop  }
0x3b: {  	_ = 	snop  }
0x3c: {  	p2 =	seq.s32 s10, $0x1;
	s10 =	sld [smem:$0x3FB9]  }
0x3d: {  	_ =	shalt  }
0x3e: {  	_ =	shalt  }
0x3f: {  	_ =	shalt  }
0x40: {  	_ =	shalt  }
0x41: {  	_ =	shalt  }
0x42: {  	_ =	shalt  }
0x43: {  	_ =	shalt  }
0x44: {  	_ =	shalt  }
0x45: {  	_ =	shalt  }
0x46: {  	_ =	shalt  }
0x47: {  	_ =	shalt  }
0x48: {  	_ =	shalt  }
0x49: {  	_ =	shalt  }
0x4a: {  	_ =	shalt  }
0x4b: {  	_ =	shalt  }
0x4c: {  	_ =	shalt  }
0x4d: {  	_ =	shalt  }
0x4e: {  	_ =	shalt  }
0x4f: {  	_ =	shalt  }
0x50: {  	_ =	shalt  }
0x51: {  	_ =	shalt  }
0x52: {  	_ =	shalt  }
0x53: {  	_ =	shalt  }
0x54: {  	_ =	shalt  }
0x55: {  	_ =	shalt  }
0x56: {  	_ =	shalt  }
0x57: {  	_ =	shalt  }
0x58: {  	_ =	shalt  }
0x59: {  	_ =	shalt  }
0x5a: {  	_ =	shalt  }
0x5b: {  	_ =	shalt  }
0x5c: {  	_ =	shalt  }
0x5d: {  	_ =	shalt  }
0x5e: {  	_ =	shalt  }
0x5f: {  	_ =	shalt  }
0x60: {  	_ =	shalt  }
0x61: {  	_ =	shalt  }
0x62: {  	_ =	shalt  }
0x63: {  	_ =	shalt  }
0x64: {  	_ =	shalt  }
0x65: {  	_ =	shalt  }
0x66: {  	_ =	shalt  }
0x67: {  	_ =	shalt  }
0x68: {  	_ =	shalt  }
0x69: {  	_ =	shalt  }
0x6a: {  	_ =	shalt  }
0x6b: {  	_ =	shalt  }
0x6c: {  	_ =	shalt  }
0x6d: {  	_ =	shalt  }
0x6e: {  	_ =	shalt  }
0x6f: {  	_ =	shalt  }
0x70: {  	_ =	shalt  }
0x71: {  	_ =	shalt  }
0x72: {  	_ =	shalt  }
0x73: {  	_ =	shalt  }
0x74: {  	_ =	shalt  }
0x75: {  	_ =	shalt  }
0x76: {  	_ =	shalt  }
0x77: {  	_ =	shalt  }
0x78: {  	_ =	shalt  }
0x79: {  	_ =	shalt  }
0x7a: {  	_ =	shalt  }
0x7b: {  	_ =	shalt  }
0x7c: {  	_ =	shalt  }
0x7d: {  	_ =	shalt  }
0x7e: {  	_ =	shalt  }
0x7f: {  	_ =	shalt  }
0x80: {  	_ =	shalt  }
0x81: {  	_ =	shalt  }
0x82: {  	_ =	shalt  }
0x83: {  	_ =	shalt  }
0x84: {  	_ =	shalt  }
0x85: {  	_ =	shalt  }
0x86: {  	_ =	shalt  }
0x87: {  	_ =	shalt  }
.Lfunc_end0:
.L_simem_size_0:
called_computation.1_lowered:
.L_overlay_start_0:
0x88: {  	s2 =	sld [smem:$0x3FD9]  }
0x89: {  	s3 =	sld [smem:$0x3FFE];
	_ =	sdelay $0x1  }
0x8a: {  	s1 =	srdreg.scid  }
0x8b: {  	s0 =	sand.u32 $0x1, s1  }
0x8c: {  	s16 =	sshll.u32 s0, $0xA;
	s2 =	sadd.s32 s3, s2  }
0x8d: {  	s2 =	sadd.s32 s2, s16  }
0x8e: {  	[smem:$0x3FC5] =	sst s2  }
0x8f: {  	_ = 	snop  }
0x90: {  	(tm) =	ssettm $0x1  }
0x91: {  	s17 =	sld [smem:$0x3FFB];
	_ =	sdelay $0x3  }
0x92: {  	_ =	strace s17  }
0x93: {  	s2 =	sld [smem:$0x3FFC];
	_ =	sdelay $0x3  }
0x94: {  	_ =	strace s2  }
0x95: {  	s2 =	sld [smem:$0x3FFD];
	_ =	sdelay $0x3  }
0x96: {  	_ =	strace s2  }
0x97: {  	_ =	strace $0x8FFFFFFF  }
0x98: {  	s18 =	sld [smem:$0x3FDB];
	_ =	sdelay $0x1  }
0x99: {  	s19 =	simm.s32 $_scs_section_size  }
0x9a: {  	s4 =	simm.s32 $_size__tile_overlayer_lowered;
	s5 =	simm.s32 $_tile_overlayer_lowered  }
0x9b: {  	s22 =	simm.s32 $0x1BFF;
	s21 =	sshll.u32 s5, $0x1;
	s2 =	sadd.s32 s19, s18  }
0x9c: {  	s6 =	simm.s32 $0x0;
	s20 =	sshll.u32 s4, $0x1;
	s4 =	sadd.s32 s21, s2  }
0x9d: {  	[timem:s6], [sflag:s22] =	dma.local [hbm:s4], s20  }
0x9e: {  	_ =	swait.ge [sflag:s22], s20  }
0x9f: {  	s3 =	ssub.s32 $0x0, s20;
	[sflag:s22] =	ssyncset.done $0x0  }
0xa0: {  	[sflag:s22] =	ssyncadd.s32 s3;
	_ =	sdelay $0x1  }
0xa1: {  	s23 =	simm.s32 $0x1B8B  }
0xa2: {  	_ =	swait.ge [sflag:s23], $0x1  }
0xa3: {  	[sflag:s23] =	ssyncset.done $0x0  }
0xa4: {  	s25 =	simm.s32 $0x1B8E;
	s24 =	sld [smem:$0x3FFE];
	[sflag:s23] =	ssyncadd.s32 $0xFFFFFFFF  }
0xa5: {  	s26 =	simm.s32 $execute0_lowered;
	[smem:$0x3FD2] =	sst s25  }
0xa6: {  	s4 =	sshll.u32 s26, $0x1;
	_ =	strace $0x80000049;
	[dreg:$0x1] =	wrdreg $0xFFFFFFFF  }
0xa7: {  	s28 =	simm.s32 $_size_execute0_lowered;
	s2 =	sadd.s32 s2, s4;
	[dreg:$0x0] =	wrdreg $0x0  }
0xa8: {  	s4 =	sshll.u32 s28, $0x1;
	[dreg:$0x2] =	wrdreg s2  }
0xa9: {  	[dreg:$0x3] =	wrdreg s4  }
0xaa: {  	[dreg:$0x4] =	wrdreg $0xC0  }
0xab: {  	_ =	task [dreg:s6], $0x5FFFF  }
0xac: {  	[dreg:$0x1] =	wrdreg $0xFFFFFFFF  }
0xad: {  	[dreg:$0x0] =	wrdreg $0x60  }
0xae: {  	[dreg:$0x2] =	wrdreg s24  }
0xaf: {  	[dreg:$0x3] =	wrdreg $0x9  }
0xb0: {  	_ =	task.clear_ibuf [dreg:s6], $0x4FFFF;
	_ =	strace $0x90000049  }
0xb1: {  	s29 =	simm.s32 $0x9;
	_ =	strace $0x8000004B  }
0xb2: {  	_ =	swait.ge [sflag:s29], $0x1  }
0xb3: {  	[sflag:s29] =	ssyncadd.s32 $0xFFFFFFFF  }
0xb4: {  	_ =	strace $0x9000004B  }
0xb5: {  	_ =	sfence  }
0xb6: {  	s30 =	sld [smem:$0x0];
	_ =	sdelay $0x2  }
0xb7: {  	s31 =	sshll.u32 s1, $0xD;
	s1 =	sshrl.u32 s1, $0x2  }
0xb8: {  	s3 =	sand.u32 $0x4000, s31;
	s1 =	sadd.s32 s1, s30  }
0xb9: {  	s0 =	sor.u32 s3, s0;
	s1 =	sshll.u32 s1, $0x11  }
0xba: {  	s0 =	sor.u32 s1, s0  }
0xbb: {  	s0 =	sadd.s32 $0x8F2B, s0  }
0xbc: {  	[sflag:s0] =	ssyncadd.remote.s32 $0x1  }
0xbd: {  	_ =	sfence.sel $0xFFFF  }
0xbe: {  	[dreg:$0x0] =	wrdreg $0xFFFFFFFF;
	(pc) =	sbr.abs _section_cstart, $3  }
0xbf: {  	[dreg:$0x1] =	wrdreg $0xFFFFFFFF  }
0xc0: {  	_ =	task.clear_ibuf [dreg:s6], $0x2FFFF;
	_ =	strace $0x9FFFFFFF  }
0xc1: {  	(tm) =	ssettm $0x7FFFFFFF  }
tec
execute0_lowered:
.L_overlay_start_1:
0x0: {  	(tag) =	ssettag $0x1  }
0x1: {  	s3 =	rddreg [dreg:$0x0]  }
0x2: {  	s0 =	rddreg [dreg:$0x1]  }
0x3: {  	s2 =	simm.s32 $0x0;
	s4 =	srdreg.scid;
	s1 =	stileid.u32  }
0x4: {  	s15 =	simm.s32 $0xC000;
	s16 =	simm.s32 $0x1;
	s17 =	simm.s32 $0x2  }
0x5: {  	s18 =	simm.s32 $0x3;
	s19 =	simm.s32 $0x4;
	s20 =	simm.s32 $0x10000  }
0x6: {  	s21 =	simm.s32 $0x5;
	s22 =	simm.s32 $0x0;
	[smem:$0x7FF] =	sst s2  }
0x7: {  	s4 =	sand.u32 $0x1, s4;
	s5 =	sshll.u32 s1, $0x1;
	s9 =	sadd.s32 $0xA00, s3  }
0x8: {  	s10 =	sadd.s32 $0x40A00, s3;
	s5 =	sor.u32 s4, s5;
	s4 =	ssub.s32 $0x2, s4  }
0x9: {  	_ =	strace $0x8000004A;
	s6 =	sshll.u32 s5, $0x1;
	s30 =	sshrl.u32 s4, $0x1  }
0xa: {  	s8 =	sshll.u32 s5, $0xD;
	s11 =	sadd.s32 s6, s3;
	s12 =	ssub.s32 s4, s30  }
0xb: {  	s3 =	sadd.s32 s9, s8;
	s31 =	sor.u32 $0x800, s8;
	s4 =	sadd.s32 s10, s8  }
0xc: {  	s13 =	sor.u32 $0x1000, s8;
	s14 =	sor.u32 $0x1800, s8;
	s5 =	sadd.s32 s9, s31  }
0xd: {  	s6 =	sadd.s32 s10, s31;
	s7 =	sadd.s32 s9, s13;
	s8 =	sadd.s32 s10, s13  }
0xe: {  	s9 =	sadd.s32 s9, s14;
	s10 =	sadd.s32 s10, s14;
	s11 =	sadd.s32 $0x600, s11  }
0xf: {  	s12 =	smax.u32 s12, $0x1;
	s13 =	simm.s32 $0x8000;
	s14 =	simm.s32 $0x4000  }
.LBB2_1:
0x10: {  	[tilespmem:s2], [sflag:$0x1] =	stream.linear.gather [hbm4b:s3+s2], $0x4000, $0x38;
	[tilespmem:$0x10080] =	vst v63  }
0x11: {  	_ = 	snop  }
0x12: {  	[tilespmem:s13], [sflag:$0x2] =	stream.linear.gather [hbm4b:s4+s2], $0x4000, $0x38;
	[tilespmem:$0x10080] =	vst v63  }
0x13: {  	_ = 	snop  }
0x14: {  	[tilespmem:s14], [sflag:$0x3] =	stream.linear.gather [hbm4b:s5+s2], $0x4000, $0x38;
	[tilespmem:$0x10080] =	vst v63  }
0x15: {  	_ = 	snop  }
0x16: {  	[tilespmem:s15], [sflag:$0x4] =	stream.linear.gather [hbm4b:s6+s2], $0x4000, $0x38;
	[tilespmem:$0x10080] =	vst v63  }
0x17: {  	_ =	swait.ge [sflag:s16], $0x4000  }
0x18: {  	[sflag:s16] =	ssyncset.done $0x0  }
0x19: {  	[sflag:s16] =	ssyncadd.s32 $0xFFFFC000  }
0x1a: {  	_ =	swait.ge [sflag:s17], $0x4000  }
0x1b: {  	[sflag:s17] =	ssyncset.done $0x0  }
0x1c: {  	s24 =	simm.s32 $0x0;
	[sflag:s17] =	ssyncadd.s32 $0xFFFFC000  }
0x1d: {  	v0 =	vld [tilespmem:s24+$0x8000]  }
0x1e: {  	v2 =	vld [tilespmem:s24+$0x0]  }
0x1f: {  	v6 =	vld [tilespmem:s24+$0x8010]  }
0x20: {  	v8 =	vld [tilespmem:s24+$0x10]  }
0x21: {  	v1 =	vld [tilespmem:s24+$0x8020]  }
0x22: {  	v4 =	vld [tilespmem:s24+$0x20]  }
0x23: {  	v3 =	vld [tilespmem:s24+$0x30];
	v7 =	vsub.f32 v0, v2  }
0x24: {  	s23 =	simm.s32 $0x80;
	v0 =	vld [tilespmem:s24+$0x8030]  }
0x25: {  	v5 =	vimm.f32 $0.0e+00;
	v2 =	vld [tilespmem:s23+$0x8000];
	s24 =	simm.s32 $0x400;
	v6 =	vsub.f32 v6, v8;
	v7 =	vmul.f32 v7, v7  }
.LBB2_2:
0x26: {  	p0 =	sne.s32 s24, $0xFE00;
	v8 =	vld [tilespmem:s23+$0x0]  }
0x27: {  	v9 =	vld [tilespmem:s23+$0x8010];
	v5 =	vadd.f32 v7, v5;
	v6 =	vmul.f32 v6, v6;
	v4 =	vsub.f32 v1, v4  }
0x28: {  	v10 =	vld [tilespmem:s23+$0x10]  }
.Ltmp0:
0x29: {  	v1 =	vld [tilespmem:s23+$0x8020];
	v5 =	vadd.f32 v6, v5;
	v6 =	vmul.f32 v4, v4;
	v3 =	vsub.f32 v0, v3;
	(pc) =	sbr.rel @p0 .LBB2_2-.Ltmp0, $4  }
0x2a: {  	v4 =	vld [tilespmem:s23+$0x20]  }
0x2b: {  	v7 =	vsub.f32 v2, v8;
	v0 =	vld [tilespmem:s23+$0x8030];
	v5 =	vadd.f32 v6, v5;
	v8 =	vmul.f32 v3, v3  }
0x2c: {  	v3 =	vld [tilespmem:s23+$0x30];
	s23 =	sshra.s32 s24, $0x2  }
0x2d: {  	s24 =	sadd.s32 $0x200, s24;
	v2 =	vld [tilespmem:s23+$0x8000];
	v7 =	vmul.f32 v7, v7;
	v6 =	vsub.f32 v9, v10;
	v5 =	vadd.f32 v8, v5  }
0x2e: {  	v8 =	vld [tilespmem:s23+$0x0]  }
0x2f: {  	v9 =	vld [tilespmem:s23+$0x8010]  }
0x30: {  	v10 =	vld [tilespmem:s23+$0x10]  }
0x31: {  	v11 =	vld [tilespmem:s23+$0x8020]  }
0x32: {  	v12 =	vld [tilespmem:s23+$0x20]  }
0x33: {  	v13 =	vld [tilespmem:s23+$0x8030];
	s31 =	simm.s32 $0x0  }
0x34: {  	v14 =	vld [tilespmem:s23+$0x30];
	[tilespmem:s31], [sflag:$0x1] =	stream.linear.gather [hbm4b:s7+s31], $0x4000, $0x38  }
0x35: {  	_ = 	snop  }
0x36: {  	[tilespmem:s13], [sflag:$0x2] =	stream.linear.gather [hbm4b:s8+s31], $0x4000, $0x38;
	[tilespmem:$0x10080] =	vst v63  }
0x37: {  	v5 =	vadd.f32 v7, v5;
	v1 =	vsub.f32 v1, v4;
	v4 =	vmul.f32 v6, v6;
	_ =	swait.ge [sflag:s18], $0x4000  }
0x38: {  	[sflag:s18] =	ssyncset.done $0x0  }
0x39: {  	v4 =	vadd.f32 v4, v5;
	v0 =	vsub.f32 v0, v3;
	v1 =	vmul.f32 v1, v1;
	[sflag:s18] =	ssyncadd.s32 $0xFFFFC000  }
0x3a: {  	_ =	swait.ge [sflag:s19], $0x4000  }
0x3b: {  	v2 =	vsub.f32 v2, v8;
	v1 =	vadd.f32 v1, v4;
	v0 =	vmul.f32 v0, v0;
	[sflag:s19] =	ssyncset.done $0x0  }
0x3c: {  	s24 =	simm.s32 $0x0;
	[sflag:s19] =	ssyncadd.s32 $0xFFFFC000  }
0x3d: {  	v3 =	vsub.f32 v9, v10;
	v2 =	vmul.f32 v2, v2;
	v0 =	vadd.f32 v0, v1;
	v1 =	vld [tilespmem:s24+$0xC000]  }
0x3e: {  	v4 =	vld [tilespmem:s24+$0x4000]  }
0x3f: {  	v0 =	vadd.f32 v2, v0;
	v2 =	vmul.f32 v3, v3;
	v3 =	vsub.f32 v11, v12;
	v6 =	vld [tilespmem:s24+$0xC010]  }
0x40: {  	v8 =	vld [tilespmem:s24+$0x4010]  }
0x41: {  	v7 =	vsub.f32 v13, v14;
	v2 =	vadd.f32 v2, v0;
	v5 =	vmul.f32 v3, v3;
	v0 =	vld [tilespmem:s24+$0xC020]  }
0x42: {  	v3 =	vld [tilespmem:s24+$0x4020]  }
0x43: {  	v2 =	vadd.f32 v5, v2;
	v5 =	vmul.f32 v7, v7;
	v7 =	vsub.f32 v1, v4;
	v1 =	vld [tilespmem:s24+$0xC030]  }
0x44: {  	s23 =	simm.s32 $0x80;
	v4 =	vld [tilespmem:s24+$0x4030]  }
0x45: {  	v5 =	vadd.f32 v5, v2;
	v2 =	vld [tilespmem:s23+$0xC000];
	s24 =	simm.s32 $0x400;
	v6 =	vsub.f32 v6, v8;
	v7 =	vmul.f32 v7, v7  }
.LBB2_4:
0x46: {  	p0 =	sne.s32 s24, $0xFE00;
	v8 =	vld [tilespmem:s23+$0x4000]  }
0x47: {  	v9 =	vld [tilespmem:s23+$0xC010];
	v5 =	vadd.f32 v7, v5;
	v6 =	vmul.f32 v6, v6;
	v3 =	vsub.f32 v0, v3  }
0x48: {  	v10 =	vld [tilespmem:s23+$0x4010]  }
.Ltmp1:
0x49: {  	v0 =	vld [tilespmem:s23+$0xC020];
	v5 =	vadd.f32 v6, v5;
	v6 =	vmul.f32 v3, v3;
	v4 =	vsub.f32 v1, v4;
	(pc) =	sbr.rel @p0 .LBB2_4-.Ltmp1, $4  }
0x4a: {  	v3 =	vld [tilespmem:s23+$0x4020]  }
0x4b: {  	v7 =	vsub.f32 v2, v8;
	v1 =	vld [tilespmem:s23+$0xC030];
	v5 =	vadd.f32 v6, v5;
	v8 =	vmul.f32 v4, v4  }
0x4c: {  	v4 =	vld [tilespmem:s23+$0x4030];
	s23 =	sshra.s32 s24, $0x2  }
0x4d: {  	s24 =	sadd.s32 $0x200, s24;
	v2 =	vld [tilespmem:s23+$0xC000];
	v7 =	vmul.f32 v7, v7;
	v6 =	vsub.f32 v9, v10;
	v5 =	vadd.f32 v8, v5  }
0x4e: {  	v8 =	vld [tilespmem:s23+$0x4000]  }
0x4f: {  	v9 =	vld [tilespmem:s23+$0xC010]  }
0x50: {  	v10 =	vld [tilespmem:s23+$0x4010]  }
0x51: {  	v11 =	vld [tilespmem:s23+$0xC020]  }
0x52: {  	v12 =	vld [tilespmem:s23+$0x4020]  }
0x53: {  	v13 =	vld [tilespmem:s23+$0xC030];
	s31 =	simm.s32 $0x0  }
0x54: {  	v14 =	vld [tilespmem:s23+$0x4030];
	[tilespmem:s14], [sflag:$0x3] =	stream.linear.gather [hbm4b:s9+s31], $0x4000, $0x38  }
0x55: {  	_ = 	snop  }
0x56: {  	[tilespmem:s15], [sflag:$0x4] =	stream.linear.gather [hbm4b:s10+s31], $0x4000, $0x38;
	[tilespmem:$0x10080] =	vst v63  }
0x57: {  	v5 =	vadd.f32 v7, v5;
	v0 =	vsub.f32 v0, v3;
	v3 =	vmul.f32 v6, v6;
	_ =	swait.ge [sflag:s16], $0x4000  }
0x58: {  	[sflag:s16] =	ssyncset.done $0x0  }
0x59: {  	v3 =	vadd.f32 v3, v5;
	v1 =	vsub.f32 v1, v4;
	v0 =	vmul.f32 v0, v0;
	[sflag:s16] =	ssyncadd.s32 $0xFFFFC000  }
0x5a: {  	_ =	swait.ge [sflag:s17], $0x4000  }
0x5b: {  	v2 =	vsub.f32 v2, v8;
	v0 =	vadd.f32 v0, v3;
	v1 =	vmul.f32 v1, v1;
	[sflag:s17] =	ssyncset.done $0x0  }
0x5c: {  	s24 =	simm.s32 $0x0;
	[sflag:s17] =	ssyncadd.s32 $0xFFFFC000  }
0x5d: {  	v3 =	vsub.f32 v9, v10;
	v2 =	vmul.f32 v2, v2;
	v0 =	vadd.f32 v1, v0;
	v1 =	vld [tilespmem:s24+$0x8000]  }
0x5e: {  	v4 =	vld [tilespmem:s24+$0x0]  }
0x5f: {  	v0 =	vadd.f32 v2, v0;
	v2 =	vmul.f32 v3, v3;
	v3 =	vsub.f32 v11, v12;
	v6 =	vld [tilespmem:s24+$0x8010]  }
0x60: {  	v8 =	vld [tilespmem:s24+$0x10]  }
0x61: {  	v7 =	vsub.f32 v13, v14;
	v2 =	vadd.f32 v2, v0;
	v5 =	vmul.f32 v3, v3;
	v0 =	vld [tilespmem:s24+$0x8020]  }
0x62: {  	v3 =	vld [tilespmem:s24+$0x20]  }
0x63: {  	v2 =	vadd.f32 v5, v2;
	v5 =	vmul.f32 v7, v7;
	v7 =	vsub.f32 v1, v4;
	v1 =	vld [tilespmem:s24+$0x8030]  }
0x64: {  	s23 =	simm.s32 $0x80;
	v4 =	vld [tilespmem:s24+$0x30]  }
0x65: {  	v5 =	vadd.f32 v5, v2;
	v2 =	vld [tilespmem:s23+$0x8000];
	s24 =	simm.s32 $0x400;
	v6 =	vsub.f32 v6, v8;
	v7 =	vmul.f32 v7, v7  }
.LBB2_6:
0x66: {  	p0 =	sne.s32 s24, $0xFE00;
	v8 =	vld [tilespmem:s23+$0x0]  }
0x67: {  	v9 =	vld [tilespmem:s23+$0x8010];
	v5 =	vadd.f32 v7, v5;
	v6 =	vmul.f32 v6, v6;
	v3 =	vsub.f32 v0, v3  }
0x68: {  	v10 =	vld [tilespmem:s23+$0x10]  }
.Ltmp2:
0x69: {  	v0 =	vld [tilespmem:s23+$0x8020];
	v5 =	vadd.f32 v6, v5;
	v6 =	vmul.f32 v3, v3;
	v4 =	vsub.f32 v1, v4;
	(pc) =	sbr.rel @p0 .LBB2_6-.Ltmp2, $4  }
0x6a: {  	v3 =	vld [tilespmem:s23+$0x20]  }
0x6b: {  	v7 =	vsub.f32 v2, v8;
	v1 =	vld [tilespmem:s23+$0x8030];
	v5 =	vadd.f32 v6, v5;
	v8 =	vmul.f32 v4, v4  }
0x6c: {  	v4 =	vld [tilespmem:s23+$0x30];
	s23 =	sshra.s32 s24, $0x2  }
0x6d: {  	s24 =	sadd.s32 $0x200, s24;
	v2 =	vld [tilespmem:s23+$0x8000];
	v7 =	vmul.f32 v7, v7;
	v6 =	vsub.f32 v9, v10;
	v5 =	vadd.f32 v8, v5  }
0x6e: {  	v8 =	vld [tilespmem:s23+$0x0]  }
0x6f: {  	v9 =	vld [tilespmem:s23+$0x8010]  }
0x70: {  	v10 =	vld [tilespmem:s23+$0x10]  }
0x71: {  	v11 =	vld [tilespmem:s23+$0x8020]  }
0x72: {  	v12 =	vld [tilespmem:s23+$0x20]  }
0x73: {  	v13 =	vld [tilespmem:s23+$0x8030]  }
0x74: {  	v14 =	vld [tilespmem:s23+$0x30];
	_ =	swait.ge [sflag:s18], $0x4000;
	v5 =	vadd.f32 v7, v5;
	v0 =	vsub.f32 v0, v3;
	v3 =	vmul.f32 v6, v6  }
0x75: {  	[sflag:s18] =	ssyncset.done $0x0  }
0x76: {  	[sflag:s18] =	ssyncadd.s32 $0xFFFFC000;
	v3 =	vadd.f32 v3, v5;
	v1 =	vsub.f32 v1, v4;
	v0 =	vmul.f32 v0, v0  }
0x77: {  	_ =	swait.ge [sflag:s19], $0x4000  }
0x78: {  	[sflag:s19] =	ssyncset.done $0x0;
	v2 =	vsub.f32 v2, v8;
	v0 =	vadd.f32 v0, v3;
	v1 =	vmul.f32 v1, v1  }
0x79: {  	s24 =	simm.s32 $0x0;
	[sflag:s19] =	ssyncadd.s32 $0xFFFFC000  }
0x7a: {  	v3 =	vsub.f32 v9, v10;
	v4 =	vld [tilespmem:s24+$0x4000];
	v2 =	vmul.f32 v2, v2;
	v0 =	vadd.f32 v1, v0  }
0x7b: {  	v1 =	vld [tilespmem:s24+$0xC000]  }
0x7c: {  	v7 =	vld [tilespmem:s24+$0xC010];
	v0 =	vadd.f32 v2, v0;
	v2 =	vmul.f32 v3, v3;
	v3 =	vsub.f32 v11, v12  }
0x7d: {  	v8 =	vld [tilespmem:s24+$0x4010]  }
0x7e: {  	v6 =	vsub.f32 v13, v14;
	v5 =	vadd.f32 v2, v0;
	v3 =	vmul.f32 v3, v3;
	v0 =	vld [tilespmem:s24+$0xC020]  }
0x7f: {  	v2 =	vld [tilespmem:s24+$0x4020]  }
0x80: {  	v3 =	vadd.f32 v3, v5;
	v5 =	vmul.f32 v6, v6;
	v6 =	vsub.f32 v1, v4;
	v1 =	vld [tilespmem:s24+$0xC030]  }
0x81: {  	s23 =	simm.s32 $0x80;
	v4 =	vld [tilespmem:s24+$0x4030]  }
0x82: {  	v7 =	vsub.f32 v7, v8;
	s24 =	simm.s32 $0x400;
	v5 =	vadd.f32 v5, v3;
	v3 =	vld [tilespmem:s23+$0xC000];
	v6 =	vmul.f32 v6, v6  }
.LBB2_8:
0x83: {  	p0 =	sne.s32 s24, $0xFE00;
	v8 =	vld [tilespmem:s23+$0x4000]  }
0x84: {  	v9 =	vld [tilespmem:s23+$0xC010];
	v5 =	vadd.f32 v6, v5;
	v6 =	vmul.f32 v7, v7;
	v2 =	vsub.f32 v0, v2  }
0x85: {  	v7 =	vld [tilespmem:s23+$0x4010]  }
.Ltmp3:
0x86: {  	v0 =	vld [tilespmem:s23+$0xC020];
	v5 =	vadd.f32 v6, v5;
	v6 =	vmul.f32 v2, v2;
	v4 =	vsub.f32 v1, v4;
	(pc) =	sbr.rel @p0 .LBB2_8-.Ltmp3, $4  }
0x87: {  	v2 =	vld [tilespmem:s23+$0x4020]  }
0x88: {  	v8 =	vsub.f32 v3, v8;
	v1 =	vld [tilespmem:s23+$0xC030];
	v5 =	vadd.f32 v6, v5;
	v10 =	vmul.f32 v4, v4  }
0x89: {  	v4 =	vld [tilespmem:s23+$0x4030];
	s23 =	sshra.s32 s24, $0x2  }
0x8a: {  	s24 =	sadd.s32 $0x200, s24;
	v3 =	vld [tilespmem:s23+$0xC000];
	v6 =	vmul.f32 v8, v8;
	v7 =	vsub.f32 v9, v7;
	v5 =	vadd.f32 v10, v5  }
0x8b: {  	v8 =	vld [tilespmem:s23+$0x4000]  }
0x8c: {  	v9 =	vld [tilespmem:s23+$0xC010];
	v5 =	vadd.f32 v6, v5;
	v53 =	vmul.f32 v7, v7;
	v0 =	vsub.f32 v0, v2  }
0x8d: {  	v54 =	vld [tilespmem:s23+$0x4010]  }
0x8e: {  	v55 =	vld [tilespmem:s23+$0xC020];
	v5 =	vadd.f32 v53, v5;
	v0 =	vmul.f32 v0, v0;
	v1 =	vsub.f32 v1, v4  }
0x8f: {  	v56 =	vld [tilespmem:s23+$0x4020]  }
0x90: {  	v57 =	vld [tilespmem:s23+$0xC030];
	v3 =	vsub.f32 v3, v8;
	v0 =	vadd.f32 v0, v5;
	v1 =	vmul.f32 v1, v1  }
0x91: {  	v58 =	vld [tilespmem:s23+$0x4030]  }
0x92: {  	v2 =	vsub.f32 v9, v54;
	v3 =	vmul.f32 v3, v3;
	v0 =	vadd.f32 v1, v0;
	_ =	sdelay $0x1  }
0x93: {  	v60 =	vsub.f32 v55, v56;
	v59 =	vmul.f32 v2, v2;
	v0 =	vadd.f32 v3, v0;
	_ =	sdelay $0x1  }
0x94: {  	v62 =	vsub.f32 v57, v58;
	v61 =	vmul.f32 v60, v60;
	v0 =	vadd.f32 v59, v0;
	_ =	sdelay $0x1  }
0x95: {  	v63 =	vmul.f32 v62, v62;
	v0 =	vadd.f32 v61, v0;
	_ =	sdelay $0x1  }
0x96: {  	s22 =	sadd.s32 $0x1, s22;
	v0 =	vadd.f32 v63, v0  }
0x97: {  	p0 =	sne.s32 s22, s12  }
.Ltmp4:
0x98: {  	[tilespmem:$0x10000] =	vst v0;
	(pc) =	sbr.rel @p0 .LBB2_1-.Ltmp4, $4  }
0x99: {  	[hbm4b:s11+s2] =	stream.linear.scatter [tilespmem:s20], [sflag:$0x5], $0x10, $0x38;
	[tilespmem:$0x10080] =	vst v63  }
0x9a: {  	_ =	swait.ge [sflag:s21], $0x10  }
0x9b: {  	[sflag:s21] =	ssyncset.done $0x0  }
0x9c: {  	[sflag:s21] =	ssyncadd.s32 $0xFFFFFFF0  }
0x9d: {  	_ =	sfence.sel $0x180000  }
0x9e: {  	[bflag:$0x0] =	sbarrier.arrive $0xFFFF  }
0x9f: {  	p0 =	sne.s32 s1, $0x0;
	_ =	strace $0x9000004A  }
0xa0: {  	s0 =	sadd.s32 @!p0 $0x100000, s0;
	[bflag:$0x2] =	sbarrier.arrive $0xFFFF  }
0xa1: {  	[sflag:s0] =	ssyncadd.tile.s32 @!p0 $0x1;
	_ =	shalt  }
.Lfunc_end2:
_tile_overlayer_lowered:
.L_overlay_start_2:
0xa2: {  	(tag) =	ssettag $0x2  }
0xa3: {  	s0 =	rddreg [dreg:$0x0];
	s2 =	stileid.u32  }
0xa4: {  	s1 =	rddreg [dreg:$0x1];
	p0 =	sne.s32 s2, $0x0  }
0xa5: {  	s3 =	rddreg [dreg:$0x2];
	[bflag:$0x3] =	sbarrier.arrive $0xFFFF;
	s2 =	simm.s32 @!p0 $0x1C05  }
0xa6: {  	[timem:s3], [sflag:s2] =	dma.local @!p0 [hbm:s0], s1  }
0xa7: {  	s0 =	simm.s32 @!p0 $0x5  }
0xa8: {  	_ =	swait.ge @!p0 [sflag:s0], s1  }
0xa9: {  	s1 =	ssub.s32 @!p0 $0x0, s1;
	[sflag:s0] =	ssyncset.done @!p0 $0x0  }
0xaa: {  	[sflag:s0] =	ssyncadd.s32 @!p0 s1  }
0xab: {  	[bflag:$0x3] =	sbarrier.arrive $0xFFFF  }
0xac: {  	_ =	shalt  }

</sc_bundles>
